<compile_context>
chip_gen: v7x
topology: tpu7x:2x2x1
jax: 0.10.2.dev20260603
libtpu: 0.0.44.dev20260713+nightly
codegen_flags: <defaults>
</compile_context>

<pallas_src>
import functools

import jax
import jax.numpy as jnp
from jax import lax
from jax.experimental import pallas as pl
from jax.experimental.pallas import tpu as pltpu
from jax.experimental.pallas import tpu_sc as plsc

N = 10000
NPAD = 10240
E = 320000
D = 128
C = 8
B = 16
K = 496
KP = 512
NT = 16
NC = 2
ROWS_T = NPAD // NT
CHUNK = 128
NCH = 158
NSLOT = 2
EPT = NCH * CHUNK
L_ITERS = 10
STEPS = 8
NB = 10
BLK = 1024

_f32 = jnp.float32
_i32 = jnp.int32


def _h0_body(x_ref, w_ref, o_ref):
    o_ref[...] = jnp.dot(x_ref[...], w_ref[...], preferred_element_type=_f32)


def _compute_h0(xp, w_inp):
    return pl.pallas_call(
        _h0_body,
        grid=(NB,),
        in_specs=[
            pl.BlockSpec((BLK, D), lambda i: (i, 0)),
            pl.BlockSpec((D, D), lambda i: (0, 0)),
        ],
        out_specs=pl.BlockSpec((BLK, D), lambda i: (i, 0)),
        out_shape=jax.ShapeDtypeStruct((NPAD, D), _f32),
    )(xp, w_inp)


def _sc_tanh(x):
    return 1.0 - 2.0 / (jnp.exp(2.0 * x) + 1.0)


def _sc_round_bf16(x):
    u = lax.bitcast_convert_type(x, jnp.int32)
    r = u + 0x7FFF + ((u >> 16) & 1)
    r = r & jnp.int32(-65536)
    return lax.bitcast_convert_type(r, _f32)


_GATHER_DNUMS = lax.GatherDimensionNumbers(
    offset_dims=(), collapsed_slice_dims=(0,), start_index_map=(0,))


def _sc_body(h0_ref, gidx_ref, sidx_ref, arep_ref, z_ref, hall_ref,
             acc, gi, si, rows0, rows1, h0s, hw, hr, accv, zbuf, arep,
             sem0, sem1):
    cid = lax.axis_index("c")
    sid = lax.axis_index("s")
    r0 = sid * ROWS_T
    hbase = cid * NPAD + r0

    pltpu.sync_copy(gidx_ref.at[cid, sid], gi)
    pltpu.sync_copy(sidx_ref.at[cid, sid], si)
    pltpu.sync_copy(h0_ref.at[pl.ds(r0, ROWS_T)], h0s)
    pltpu.sync_copy(z_ref, zbuf)
    pltpu.sync_copy(arep_ref.at[cid], arep)

    def init_round(p, c2):
        hr[p, :] = _sc_round_bf16(h0s[p, :])
        return c2

    lax.fori_loop(0, ROWS_T, init_round, 0)
    pltpu.sync_copy(hr, hall_ref.at[pl.ds(hbase, ROWS_T)])
    plsc.subcore_barrier()

    splat_idx = [jnp.full((16, 1), k, _i32) for k in range(C)]

    def iteration(_, carry):
        pltpu.async_copy(hall_ref.at[gi.at[0]], rows0, sem0)
        pltpu.async_copy(hall_ref.at[gi.at[1]], rows1, sem1)
        pltpu.sync_copy(zbuf, acc.at[pl.ds(r0, ROWS_T)])
        plsc.subcore_barrier()

        def chunk(jj, c2):
            j = 2 * jj
            pltpu.make_async_copy(hall_ref.at[gi.at[0]], rows0, sem0).wait()
            pltpu.sync_copy(rows0, acc.at[si.at[j]], add=True)
            pltpu.async_copy(hall_ref.at[gi.at[j + 2]], rows0, sem0)
            pltpu.make_async_copy(hall_ref.at[gi.at[1]], rows1, sem1).wait()
            pltpu.sync_copy(rows1, acc.at[si.at[j + 1]], add=True)
            pltpu.async_copy(hall_ref.at[gi.at[j + 3]], rows1, sem1)
            return c2

        lax.fori_loop(0, NCH // 2, chunk, 0)
        pltpu.make_async_copy(hall_ref.at[gi.at[0]], rows0, sem0).wait()
        pltpu.make_async_copy(hall_ref.at[gi.at[1]], rows1, sem1).wait()
        plsc.subcore_barrier()

        pltpu.sync_copy(acc.at[pl.ds(r0, ROWS_T)], accv)

        def row_upd(p4, c2):
            for u in range(4):
                p = p4 * 4 + u
                v = accv[p, :]
                o = h0s[p, :]
                for k in range(C):
                    sk = lax.gather(
                        v, splat_idx[k], _GATHER_DNUMS, slice_sizes=(1,),
                        mode=lax.GatherScatterMode.PROMISE_IN_BOUNDS)
                    o = o + sk * arep[k, :]
                t = _sc_tanh(o)
                hw[p, :] = t
                hr[p, :] = _sc_round_bf16(t)
            return c2

        lax.fori_loop(0, ROWS_T // 4, row_upd, 0)
        pltpu.sync_copy(hr, hall_ref.at[pl.ds(hbase, ROWS_T)])
        plsc.subcore_barrier()
        return carry

    lax.fori_loop(0, L_ITERS, iteration, 0)
    pltpu.sync_copy(hw, hall_ref.at[pl.ds(hbase, ROWS_T)])


def _run_sc(h0, gidx, sidx, a2, zeros):
    mesh = plsc.VectorSubcoreMesh(core_axis_name="c", subcore_axis_name="s")
    fn = pl.kernel(
        _sc_body,
        out_type=jax.ShapeDtypeStruct((NC * NPAD, 16), _f32),
        mesh=mesh,
        scratch_types=[
            pltpu.VMEM_SHARED((NPAD, 16), _f32),
            pltpu.VMEM((NCH + NSLOT, CHUNK), _i32),
            pltpu.VMEM((NCH, CHUNK), _i32),
            pltpu.VMEM((CHUNK, 16), _f32),
            pltpu.VMEM((CHUNK, 16), _f32),
            pltpu.VMEM((ROWS_T, 16), _f32),
            pltpu.VMEM((ROWS_T, 16), _f32),
            pltpu.VMEM((ROWS_T, 16), _f32),
            pltpu.VMEM((ROWS_T, 16), _f32),
            pltpu.VMEM((ROWS_T, 16), _f32),
            pltpu.VMEM((C, 16), _f32),
            pltpu.SemaphoreType.DMA,
            pltpu.SemaphoreType.DMA,
        ],
        compiler_params=pltpu.CompilerParams(use_tc_tiling_on_sc=False),
    )
    return fn(h0, gidx, sidx, a2, zeros)


def _blk(b):
    return pl.ds(b * BLK, BLK)


def _bmask(b):
    return (lax.broadcasted_iota(_i32, (BLK, 1), 0) + b * BLK < N).astype(_f32)


_DN0 = (((0,), (0,)), ((), ()))


def _final_body(hcat_ref, w2_ref, contr_ref, oh_ref, wxq_ref, wxr_ref, whp_ref,
                bl_ref, woq_ref, wor_ref, bo_ref,
                out_ref, pg_ref, c_scr, neg_scr, p_scr):
    def p1(b, s1):
        neg = jax.nn.softplus(jnp.dot(hcat_ref[_blk(b), :], w2_ref[...],
                                      preferred_element_type=_f32)) * _bmask(b)
        neg_scr[_blk(b), :] = neg
        return s1 + jnp.sum(neg, axis=0, keepdims=True)

    s1 = lax.fori_loop(0, NB, p1, jnp.zeros((1, 32), _f32))
    mean = s1 * (1.0 / N)

    def p1b(b, s2):
        d = (neg_scr[_blk(b), :] - mean) * _bmask(b)
        return s2 + jnp.sum(d * d, axis=0, keepdims=True)

    s2 = lax.fori_loop(0, NB, p1b, jnp.zeros((1, 32), _f32))
    inv = lax.rsqrt(s2 * (1.0 / N) + 1e-5)

    def p2(b, carry):
        seg, cnt = carry
        negb = neg_scr[_blk(b), :]
        c_scr[_blk(b), :] = jnp.tanh(
            jnp.dot(((negb - mean) * inv).astype(jnp.bfloat16), contr_ref[...],
                    preferred_element_type=_f32))
        ohb = oh_ref[_blk(b), :]
        seg = seg + lax.dot_general(ohb, negb, _DN0, preferred_element_type=_f32)
        cnt = cnt + lax.dot_general(ohb, _bmask(b), _DN0,
                                    preferred_element_type=_f32)
        return seg, cnt

    seg, cnt = lax.fori_loop(
        0, NB, p2, (jnp.zeros((B, 32), _f32), jnp.zeros((B, 1), _f32)))
    pg = seg / cnt
    pg_ref[...] = jnp.broadcast_to(jnp.sum(pg, 0, keepdims=True) * (1.0 / B),
                                   (8, 32))

    q = jnp.zeros((B, KP), _f32)
    cell = jnp.zeros((B, KP), _f32)
    r = jnp.zeros((B, KP), _f32)
    for _ in range(STEPS):
        qb = q.astype(jnp.bfloat16)
        rb = r.astype(jnp.bfloat16)
        gates = (jnp.dot(qb, wxq_ref[...], preferred_element_type=_f32)
                 + jnp.dot(rb, wxr_ref[...], preferred_element_type=_f32)
                 + jnp.dot(qb, whp_ref[...], preferred_element_type=_f32)
                 + bl_ref[...])
        i_g = gates[:, 0:KP]
        f_g = gates[:, KP:2 * KP]
        g_g = gates[:, 2 * KP:3 * KP]
        o_g = gates[:, 3 * KP:4 * KP]
        cell = jax.nn.sigmoid(f_g) * cell + jax.nn.sigmoid(i_g) * jnp.tanh(g_g)
        q = jax.nn.sigmoid(o_g) * jnp.tanh(cell)

        def pa(b, m):
            pb = lax.dot_general(c_scr[_blk(b), :], q, (((1,), (1,)), ((), ())),
                                 preferred_element_type=_f32)
            p_scr[_blk(b), :] = pb
            mb = jnp.max(jnp.where(oh_ref[_blk(b), :] > 0, pb, -jnp.inf),
                         axis=0, keepdims=True)
            return jnp.maximum(m, mb)

        em = lax.fori_loop(0, NB, pa, jnp.full((1, B), -jnp.inf, _f32))
        em = jnp.where(jnp.isfinite(em), em, 0.0)

        def pb_(b, den):
            ex = oh_ref[_blk(b), :] * jnp.exp(p_scr[_blk(b), :] - em)
            p_scr[_blk(b), :] = ex
            return den + jnp.sum(ex, axis=0, keepdims=True)

        den = lax.fori_loop(0, NB, pb_, jnp.zeros((1, B), _f32))
        inv_den = 1.0 / jnp.where(den > 0, den, 1.0)

        def pc(b, racc):
            wn = p_scr[_blk(b), :] * inv_den
            return racc + lax.dot_general(wn, c_scr[_blk(b), :], _DN0,
                                          preferred_element_type=_f32)

        r = lax.fori_loop(0, NB, pc, jnp.zeros((B, KP), _f32))

    out_ref[...] = (jnp.dot(q.astype(jnp.bfloat16), woq_ref[...],
                            preferred_element_type=_f32)
                    + jnp.dot(r.astype(jnp.bfloat16), wor_ref[...],
                              preferred_element_type=_f32)
                    + bo_ref[...])


def _run_final(hcat, w2, contr_p, oh, wxq, wxr, whp, blp, woq, wor, bop):
    return pl.pallas_call(
        _final_body,
        out_shape=(
            jax.ShapeDtypeStruct((B, 128), _f32),
            jax.ShapeDtypeStruct((8, 32), _f32),
        ),
        scratch_shapes=[
            pltpu.VMEM((NPAD, KP), _f32),
            pltpu.VMEM((NPAD, 32), _f32),
            pltpu.VMEM((NPAD, B), _f32),
        ],
    )(hcat, w2, contr_p, oh, wxq, wxr, whp, blp, woq, wor, bop)


def _gatepad(w):
    w4 = w.reshape(w.shape[0], 4, K)
    return jnp.pad(w4, ((0, 0), (0, 0), (0, KP - K))).reshape(w.shape[0], 4 * KP)


def kernel(x, edge_index, batch_idx, W_in, A_bu, A_td, W_bu, W_td,
           contrastive, Wx, Wh, b_lstm, W_out, b_out):
    x = x.astype(_f32)
    src = edge_index[0].astype(_i32)
    dst = edge_index[1].astype(_i32)
    bidx = batch_idx.astype(_i32)

    _bf = jnp.bfloat16
    xp = jnp.pad(x, ((0, NPAD - N), (0, 0))).astype(_bf)
    w_inp = jnp.pad(W_in, ((0, 0), (0, D - C))).astype(_bf)
    h0 = _compute_h0(xp, w_inp)[:, :16]

    pad = jnp.full((NT * EPT - E,), NPAD - 1, _i32)

    def lay(a):
        return jnp.concatenate([a, pad]).reshape(NT, NCH, CHUNK)

    src_l, dst_l = lay(src), lay(dst)
    gidx = jnp.stack([src_l, dst_l + NPAD])
    gidx = jnp.pad(gidx, ((0, 0), (0, 0), (0, NSLOT), (0, 0)))
    sidx = jnp.stack([dst_l, src_l])
    a2rep = jnp.stack([jnp.pad(A_bu, ((0, 0), (0, C))),
                       jnp.pad(A_td, ((0, 0), (0, C)))])
    a2rep = a2rep.astype(jnp.bfloat16).astype(_f32)
    zeros = jnp.zeros((ROWS_T, 16), _f32)

    hall = _run_sc(h0, gidx, sidx, a2rep, zeros)
    hcat = jnp.concatenate([hall[NPAD:, :C], hall[:NPAD, :C]], axis=1)

    w2 = jnp.zeros((2 * C, 32), _f32)
    w2 = w2.at[:C, :B].set(W_td).at[C:, B:].set(W_bu)
    oh = (bidx[:, None] == jnp.arange(B, dtype=_i32)[None, :]).astype(_f32)
    oh = jnp.pad(oh, ((0, NPAD - N), (0, 0)))
    contr_p = jnp.pad(contrastive, ((0, 0), (0, KP - K)))
    wxq = jnp.pad(_gatepad(Wx[:K]), ((0, KP - K), (0, 0)))
    wxr = jnp.pad(_gatepad(Wx[K:]), ((0, KP - K), (0, 0)))
    whp = jnp.pad(_gatepad(Wh), ((0, KP - K), (0, 0)))
    blp = _gatepad(b_lstm.reshape(1, 4 * K))
    woq = jnp.pad(W_out[:K], ((0, KP - K), (0, 118)))
    wor = jnp.pad(W_out[K:], ((0, KP - K), (0, 118)))
    bop = jnp.pad(b_out.reshape(1, 10), ((0, 0), (0, 118)))

    out_p, pg = _run_final(hcat.astype(_bf), w2.astype(_bf),
                           contr_p.astype(_bf), oh,
                           wxq.astype(_bf), wxr.astype(_bf), whp.astype(_bf),
                           blp, woq.astype(_bf), wor.astype(_bf), bop)
    return (out_p[:, :10], pg[0])

# --- scband reference (transcript-rebuilt; emitter-appended) ---
"""Pipeline reference for scband-graph-htn-12515534701387 (READ-ONLY COPY).

The authoritative reference and input builder live on the scoring server;
editing this copy changes nothing except your own understanding.
"""

import jax, jax.numpy as jnp
import numpy as np
from itertools import combinations


def _contrastive_matrix(n):
    pairs = list(combinations(range(n), 2))
    M = np.zeros((n, len(pairs)), dtype=np.float32)
    for k, (i, j) in enumerate(pairs):
        M[i, k] = 1.0
        M[j, k] = -1.0
    return jnp.asarray(M)


def setup_inputs(seed: int = 0):
    key = jax.random.key(seed)
    N, E, D, C, NBU, NTD, B = 10000, 320000, 128, 8, 16, 16, 16
    n = NBU + NTD
    K = n * (n - 1) // 2
    ks = jax.random.split(key, 12)
    x = jax.random.normal(ks[0], (N, D), dtype=jnp.float32)
    edge_index = jax.random.randint(ks[1], (2, E), 0, N)
    batch_idx = jnp.sort(jax.random.randint(ks[2], (N,), 0, B))
    W_in = jax.random.normal(ks[3], (D, C), dtype=jnp.float32) / np.sqrt(D)
    A_bu = jax.random.normal(ks[4], (C, C), dtype=jnp.float32) * 0.1
    A_td = jax.random.normal(ks[5], (C, C), dtype=jnp.float32) * 0.1
    W_bu = jax.random.normal(ks[6], (C, NBU), dtype=jnp.float32) / np.sqrt(C)
    W_td = jax.random.normal(ks[7], (C, NTD), dtype=jnp.float32) / np.sqrt(C)
    contrastive = _contrastive_matrix(n)
    Wx = jax.random.normal(ks[8], (2 * K, 4 * K), dtype=jnp.float32) / np.sqrt(2 * K)
    Wh = jax.random.normal(ks[9], (K, 4 * K), dtype=jnp.float32) / np.sqrt(K)
    b_lstm = jnp.zeros((4 * K,), dtype=jnp.float32)
    W_out = jax.random.normal(ks[10], (2 * K, 10), dtype=jnp.float32) / np.sqrt(2 * K)
    b_out = jnp.zeros((10,), dtype=jnp.float32)
    return {"x": x, "edge_index": edge_index, "batch_idx": batch_idx, "W_in": W_in,
            "A_bu": A_bu, "A_td": A_td, "W_bu": W_bu, "W_td": W_td,
            "contrastive": contrastive, "Wx": Wx, "Wh": Wh, "b_lstm": b_lstm,
            "W_out": W_out, "b_out": b_out}


def reference(x, edge_index, batch_idx, W_in, A_bu, A_td, W_bu, W_td, contrastive, Wx, Wh, b_lstm, W_out, b_out):
    N = x.shape[0]
    Bn = 16
    src, dst = edge_index[0], edge_index[1]
    L, steps = 10, 8
    # Bottom-up HTMM surrogate: child->parent message passing over bfs-tree edges
    h0 = x @ W_in
    h = h0
    for _ in range(L):
        h = jnp.tanh(jax.ops.segment_sum(h[src] @ A_bu, dst, num_segments=N) + h0)
    neg_bu = jax.nn.softplus(h @ W_bu)
    # Top-down HTMM surrogate: parent->child message passing
    h = h0
    for _ in range(L):
        h = jnp.tanh(jax.ops.segment_sum(h[dst] @ A_td, src, num_segments=N) + h0)
    neg_td = jax.nn.softplus(h @ W_td)
    # BatchNorm1d(affine=False) in training mode: batch statistics
    bn = lambda v: (v - v.mean(0)) / jnp.sqrt(v.var(0) + 1e-5)
    c = jnp.tanh(jnp.concatenate([bn(neg_td), bn(neg_bu)], axis=1) @ contrastive)
    # Set2Set pooling over batch_idx
    K = c.shape[1]
    q = jnp.zeros((Bn, K), dtype=c.dtype)
    cell = jnp.zeros((Bn, K), dtype=c.dtype)
    q_star = jnp.zeros((Bn, 2 * K), dtype=c.dtype)
    for _ in range(steps):
        gates = q_star @ Wx + q @ Wh + b_lstm
        i_g, f_g, g_g, o_g = jnp.split(gates, 4, axis=1)
        cell = jax.nn.sigmoid(f_g) * cell + jax.nn.sigmoid(i_g) * jnp.tanh(g_g)
        q = jax.nn.sigmoid(o_g) * jnp.tanh(cell)
        e = jnp.sum(c * q[batch_idx], axis=1)
        e_max = jax.ops.segment_max(e, batch_idx, num_segments=Bn)
        a = jnp.exp(e - e_max[batch_idx])
        a = a / jax.ops.segment_sum(a, batch_idx, num_segments=Bn)[batch_idx]
        r = jax.ops.segment_sum(c * a[:, None], batch_idx, num_segments=Bn)
        q_star = jnp.concatenate([q, r], axis=1)
    out = q_star @ W_out + b_out
    counts = jax.ops.segment_sum(jnp.ones((N,), dtype=jnp.float32), batch_idx, num_segments=Bn)
    per_graph = jax.ops.segment_sum(jnp.concatenate([neg_td, neg_bu], axis=1), batch_idx, num_segments=Bn) / counts[:, None]
    return (out, jax.lax.stop_gradient(per_graph.mean(0)))

if __name__ == "__main__":
    import jax
    _d = setup_inputs()
    print(jax.jit(kernel)(*tuple(_d.values())))

</pallas_src>

<mosaic_0001>
#map = affine_map<(d0, d1) -> (0, 0)>
#map1 = affine_map<(d0, d1) -> (0, 0, 0, 0)>
#map2 = affine_map<(d0, d1) -> (0, 0, 0)>
module attributes {stable_mosaic.version = 14 : i64} {
  func.func @_sc_body(%arg0: i32, %arg1: i32, %arg2: memref<10240x16xf32, #tpu.memory_space<hbm>>, %arg3: memref<2x16x160x128xi32, #tpu.memory_space<hbm>>, %arg4: memref<2x16x158x128xi32, #tpu.memory_space<hbm>>, %arg5: memref<2x8x16xf32, #tpu.memory_space<hbm>>, %arg6: memref<640x16xf32, #tpu.memory_space<hbm>>, %arg7: memref<20480x16xf32, #tpu.memory_space<hbm>>, %arg8: memref<10240x16xf32, #tpu.memory_space<vmem_shared>>, %arg9: memref<160x128xi32, #tpu.memory_space<vmem>>, %arg10: memref<158x128xi32, #tpu.memory_space<vmem>>, %arg11: memref<128x16xf32, #tpu.memory_space<vmem>>, %arg12: memref<128x16xf32, #tpu.memory_space<vmem>>, %arg13: memref<640x16xf32, #tpu.memory_space<vmem>>, %arg14: memref<640x16xf32, #tpu.memory_space<vmem>>, %arg15: memref<640x16xf32, #tpu.memory_space<vmem>>, %arg16: memref<640x16xf32, #tpu.memory_space<vmem>>, %arg17: memref<640x16xf32, #tpu.memory_space<vmem>>, %arg18: memref<8x16xf32, #tpu.memory_space<vmem>>, %arg19: memref<!tpu.dma_semaphore, #tpu.memory_space<semaphore_mem>>, %arg20: memref<!tpu.dma_semaphore, #tpu.memory_space<semaphore_mem>>) attributes {dimension_semantics = [#tpu.dimension_semantics<core_parallel>, #tpu.dimension_semantics<subcore_parallel>], iteration_bounds = array<i64: 2, 16>, scalar_prefetch = 0 : i64, scratch_operands = 13 : i64, tpu.core_type = #tpu.core_type<sc_vector_subcore>, window_params = [{transform_indices = #map}, {transform_indices = #map1}, {transform_indices = #map1}, {transform_indices = #map2}, {transform_indices = #map}, {transform_indices = #map}]} {
    %mul3A = arith.constant 640 : i32
    %mul3A_0 = arith.muli %arg1, %mul3A : i32
    %mul3A_1 = arith.constant 10240 : i32
    %mul3A_2 = arith.muli %arg0, %mul3A_1 : i32
    %add3A = arith.addi %mul3A_2, %mul3A_0 : i32
    "tpu.region"() ({
      %run_scoped3A = tpu.sem_alloc : memref<!tpu.dma_semaphore, #tpu.memory_space<semaphore_mem>>
      %dma_start3A = arith.constant 0 : i32
      %dma_start3A_29 = arith.constant 0 : i32
      %dma_start3A_30 = tpu.memref_slice %arg3[%arg0, %arg1, %dma_start3A, %dma_start3A_29] : memref<2x16x160x128xi32, #tpu.memory_space<hbm>> -> memref<1x1x160x128xi32, #tpu.memory_space<hbm>>
      %dma_start3A_31 = tpu.memref_squeeze %dma_start3A_30 : memref<1x1x160x128xi32, #tpu.memory_space<hbm>> -> memref<160x128xi32, #tpu.memory_space<hbm>>
      %dma_start3A_32 = arith.constant 0 : i32
      %dma_start3A_33 = arith.constant 0 : i32
      %dma_start3A_34 = tpu.memref_slice %arg3[%arg0, %arg1, %dma_start3A_32, %dma_start3A_33] : memref<2x16x160x128xi32, #tpu.memory_space<hbm>> -> memref<1x1x160x128xi32, #tpu.memory_space<hbm>>
      %dma_start3A_35 = tpu.memref_squeeze %dma_start3A_34 : memref<1x1x160x128xi32, #tpu.memory_space<hbm>> -> memref<160x128xi32, #tpu.memory_space<hbm>>
      tpu.enqueue_dma source(%dma_start3A_35 : memref<160x128xi32, #tpu.memory_space<hbm>>) target(%arg9 : memref<160x128xi32, #tpu.memory_space<vmem>>) target_semaphore(%run_scoped3A : memref<!tpu.dma_semaphore, #tpu.memory_space<semaphore_mem>>)
      %dma_wait3A = arith.constant 0 : i32
      %dma_wait3A_36 = arith.constant 0 : i32
      %dma_wait3A_37 = tpu.memref_slice %arg3[%arg0, %arg1, %dma_wait3A, %dma_wait3A_36] : memref<2x16x160x128xi32, #tpu.memory_space<hbm>> -> memref<1x1x160x128xi32, #tpu.memory_space<hbm>>
      %dma_wait3A_38 = tpu.memref_squeeze %dma_wait3A_37 : memref<1x1x160x128xi32, #tpu.memory_space<hbm>> -> memref<160x128xi32, #tpu.memory_space<hbm>>
      %dma_wait3A_39 = arith.constant 0 : i32
      %dma_wait3A_40 = arith.constant 0 : i32
      %dma_wait3A_41 = tpu.memref_slice %arg3[%arg0, %arg1, %dma_wait3A_39, %dma_wait3A_40] : memref<2x16x160x128xi32, #tpu.memory_space<hbm>> -> memref<1x1x160x128xi32, #tpu.memory_space<hbm>>
      %dma_wait3A_42 = tpu.memref_squeeze %dma_wait3A_41 : memref<1x1x160x128xi32, #tpu.memory_space<hbm>> -> memref<160x128xi32, #tpu.memory_space<hbm>>
      tpu.wait_dma2 semaphore(%run_scoped3A : memref<!tpu.dma_semaphore, #tpu.memory_space<semaphore_mem>>) src(%dma_wait3A_42 : memref<160x128xi32, #tpu.memory_space<hbm>>) dst(%arg9 : memref<160x128xi32, #tpu.memory_space<vmem>>)
      tpu.yield
    }) : () -> ()
    "tpu.region"() ({
      %run_scoped3A = tpu.sem_alloc : memref<!tpu.dma_semaphore, #tpu.memory_space<semaphore_mem>>
      %dma_start3A = arith.constant 0 : i32
      %dma_start3A_29 = arith.constant 0 : i32
      %dma_start3A_30 = tpu.memref_slice %arg4[%arg0, %arg1, %dma_start3A, %dma_start3A_29] : memref<2x16x158x128xi32, #tpu.memory_space<hbm>> -> memref<1x1x158x128xi32, #tpu.memory_space<hbm>>
      %dma_start3A_31 = tpu.memref_squeeze %dma_start3A_30 : memref<1x1x158x128xi32, #tpu.memory_space<hbm>> -> memref<158x128xi32, #tpu.memory_space<hbm>>
      %dma_start3A_32 = arith.constant 0 : i32
      %dma_start3A_33 = arith.constant 0 : i32
      %dma_start3A_34 = tpu.memref_slice %arg4[%arg0, %arg1, %dma_start3A_32, %dma_start3A_33] : memref<2x16x158x128xi32, #tpu.memory_space<hbm>> -> memref<1x1x158x128xi32, #tpu.memory_space<hbm>>
      %dma_start3A_35 = tpu.memref_squeeze %dma_start3A_34 : memref<1x1x158x128xi32, #tpu.memory_space<hbm>> -> memref<158x128xi32, #tpu.memory_space<hbm>>
      tpu.enqueue_dma source(%dma_start3A_35 : memref<158x128xi32, #tpu.memory_space<hbm>>) target(%arg10 : memref<158x128xi32, #tpu.memory_space<vmem>>) target_semaphore(%run_scoped3A : memref<!tpu.dma_semaphore, #tpu.memory_space<semaphore_mem>>)
      %dma_wait3A = arith.constant 0 : i32
      %dma_wait3A_36 = arith.constant 0 : i32
      %dma_wait3A_37 = tpu.memref_slice %arg4[%arg0, %arg1, %dma_wait3A, %dma_wait3A_36] : memref<2x16x158x128xi32, #tpu.memory_space<hbm>> -> memref<1x1x158x128xi32, #tpu.memory_space<hbm>>
      %dma_wait3A_38 = tpu.memref_squeeze %dma_wait3A_37 : memref<1x1x158x128xi32, #tpu.memory_space<hbm>> -> memref<158x128xi32, #tpu.memory_space<hbm>>
      %dma_wait3A_39 = arith.constant 0 : i32
      %dma_wait3A_40 = arith.constant 0 : i32
      %dma_wait3A_41 = tpu.memref_slice %arg4[%arg0, %arg1, %dma_wait3A_39, %dma_wait3A_40] : memref<2x16x158x128xi32, #tpu.memory_space<hbm>> -> memref<1x1x158x128xi32, #tpu.memory_space<hbm>>
      %dma_wait3A_42 = tpu.memref_squeeze %dma_wait3A_41 : memref<1x1x158x128xi32, #tpu.memory_space<hbm>> -> memref<158x128xi32, #tpu.memory_space<hbm>>
      tpu.wait_dma2 semaphore(%run_scoped3A : memref<!tpu.dma_semaphore, #tpu.memory_space<semaphore_mem>>) src(%dma_wait3A_42 : memref<158x128xi32, #tpu.memory_space<hbm>>) dst(%arg10 : memref<158x128xi32, #tpu.memory_space<vmem>>)
      tpu.yield
    }) : () -> ()
    "tpu.region"() ({
      %run_scoped3A = tpu.sem_alloc : memref<!tpu.dma_semaphore, #tpu.memory_space<semaphore_mem>>
      %dma_start3A = arith.constant 0 : i32
      %dma_start3A_29 = tpu.memref_slice %arg2[%mul3A_0, %dma_start3A] : memref<10240x16xf32, #tpu.memory_space<hbm>> -> memref<640x16xf32, #tpu.memory_space<hbm>>
      %dma_start3A_30 = arith.constant 0 : i32
      %dma_start3A_31 = tpu.memref_slice %arg2[%mul3A_0, %dma_start3A_30] : memref<10240x16xf32, #tpu.memory_space<hbm>> -> memref<640x16xf32, #tpu.memory_space<hbm>>
      tpu.enqueue_dma source(%dma_start3A_31 : memref<640x16xf32, #tpu.memory_space<hbm>>) target(%arg13 : memref<640x16xf32, #tpu.memory_space<vmem>>) target_semaphore(%run_scoped3A : memref<!tpu.dma_semaphore, #tpu.memory_space<semaphore_mem>>)
      %dma_wait3A = arith.constant 0 : i32
      %dma_wait3A_32 = tpu.memref_slice %arg2[%mul3A_0, %dma_wait3A] : memref<10240x16xf32, #tpu.memory_space<hbm>> -> memref<640x16xf32, #tpu.memory_space<hbm>>
      %dma_wait3A_33 = arith.constant 0 : i32
      %dma_wait3A_34 = tpu.memref_slice %arg2[%mul3A_0, %dma_wait3A_33] : memref<10240x16xf32, #tpu.memory_space<hbm>> -> memref<640x16xf32, #tpu.memory_space<hbm>>
      tpu.wait_dma2 semaphore(%run_scoped3A : memref<!tpu.dma_semaphore, #tpu.memory_space<semaphore_mem>>) src(%dma_wait3A_34 : memref<640x16xf32, #tpu.memory_space<hbm>>) dst(%arg13 : memref<640x16xf32, #tpu.memory_space<vmem>>)
      tpu.yield
    }) : () -> ()
    "tpu.region"() ({
      %run_scoped3A = tpu.sem_alloc : memref<!tpu.dma_semaphore, #tpu.memory_space<semaphore_mem>>
      tpu.enqueue_dma source(%arg6 : memref<640x16xf32, #tpu.memory_space<hbm>>) target(%arg17 : memref<640x16xf32, #tpu.memory_space<vmem>>) target_semaphore(%run_scoped3A : memref<!tpu.dma_semaphore, #tpu.memory_space<semaphore_mem>>)
      tpu.wait_dma2 semaphore(%run_scoped3A : memref<!tpu.dma_semaphore, #tpu.memory_space<semaphore_mem>>) src(%arg6 : memref<640x16xf32, #tpu.memory_space<hbm>>) dst(%arg17 : memref<640x16xf32, #tpu.memory_space<vmem>>)
      tpu.yield
    }) : () -> ()
    "tpu.region"() ({
      %run_scoped3A = tpu.sem_alloc : memref<!tpu.dma_semaphore, #tpu.memory_space<semaphore_mem>>
      %dma_start3A = arith.constant 0 : i32
      %dma_start3A_29 = arith.constant 0 : i32
      %dma_start3A_30 = tpu.memref_slice %arg5[%arg0, %dma_start3A, %dma_start3A_29] : memref<2x8x16xf32, #tpu.memory_space<hbm>> -> memref<1x8x16xf32, #tpu.memory_space<hbm>>
      %dma_start3A_31 = tpu.memref_squeeze %dma_start3A_30 : memref<1x8x16xf32, #tpu.memory_space<hbm>> -> memref<8x16xf32, #tpu.memory_space<hbm>>
      %dma_start3A_32 = arith.constant 0 : i32
      %dma_start3A_33 = arith.constant 0 : i32
      %dma_start3A_34 = tpu.memref_slice %arg5[%arg0, %dma_start3A_32, %dma_start3A_33] : memref<2x8x16xf32, #tpu.memory_space<hbm>> -> memref<1x8x16xf32, #tpu.memory_space<hbm>>
      %dma_start3A_35 = tpu.memref_squeeze %dma_start3A_34 : memref<1x8x16xf32, #tpu.memory_space<hbm>> -> memref<8x16xf32, #tpu.memory_space<hbm>>
      tpu.enqueue_dma source(%dma_start3A_35 : memref<8x16xf32, #tpu.memory_space<hbm>>) target(%arg18 : memref<8x16xf32, #tpu.memory_space<vmem>>) target_semaphore(%run_scoped3A : memref<!tpu.dma_semaphore, #tpu.memory_space<semaphore_mem>>)
      %dma_wait3A = arith.constant 0 : i32
      %dma_wait3A_36 = arith.constant 0 : i32
      %dma_wait3A_37 = tpu.memref_slice %arg5[%arg0, %dma_wait3A, %dma_wait3A_36] : memref<2x8x16xf32, #tpu.memory_space<hbm>> -> memref<1x8x16xf32, #tpu.memory_space<hbm>>
      %dma_wait3A_38 = tpu.memref_squeeze %dma_wait3A_37 : memref<1x8x16xf32, #tpu.memory_space<hbm>> -> memref<8x16xf32, #tpu.memory_space<hbm>>
      %dma_wait3A_39 = arith.constant 0 : i32
      %dma_wait3A_40 = arith.constant 0 : i32
      %dma_wait3A_41 = tpu.memref_slice %arg5[%arg0, %dma_wait3A_39, %dma_wait3A_40] : memref<2x8x16xf32, #tpu.memory_space<hbm>> -> memref<1x8x16xf32, #tpu.memory_space<hbm>>
      %dma_wait3A_42 = tpu.memref_squeeze %dma_wait3A_41 : memref<1x8x16xf32, #tpu.memory_space<hbm>> -> memref<8x16xf32, #tpu.memory_space<hbm>>
      tpu.wait_dma2 semaphore(%run_scoped3A : memref<!tpu.dma_semaphore, #tpu.memory_space<semaphore_mem>>) src(%dma_wait3A_42 : memref<8x16xf32, #tpu.memory_space<hbm>>) dst(%arg18 : memref<8x16xf32, #tpu.memory_space<vmem>>)
      tpu.yield
    }) : () -> ()
    %scan3A = arith.constant 0 : i32
    %scan3A_3 = arith.constant 0 : i32
    %scan3A_4 = arith.constant 640 : i32
    %scan3A_5 = arith.addi %scan3A_3, %scan3A_4 : i32
    %scan3A_6 = arith.constant 1 : i32
    scf.for %scan3A_29 = %scan3A_3 to %scan3A_5 step %scan3A_6  : i32 {
      %get3A = arith.index_cast %scan3A_29 : i32 to index
      %get3A_30 = arith.constant 0 : index
      %get3A_31 = tpu.vector_load %arg13[%get3A, %get3A_30] {strides = array<i32>} : memref<640x16xf32, #tpu.memory_space<vmem>>, vector<1x16xf32>,
      %get3A_32 = vector.shape_cast %get3A_31 : vector<1x16xf32> to vector<16xf32>
      %bitcast_convert_type3A = tpu.bitcast %get3A_32 : vector<16xf32> -> vector<16xi32>
      %add3A_33 = arith.constant 32767 : i32
      %add3A_34 = vector.broadcast %add3A_33 : i32 to vector<16xi32>
      %add3A_35 = arith.addi %bitcast_convert_type3A, %add3A_34 : vector<16xi32>
      %shift_right_arithmetic3A = arith.constant 16 : i32
      %shift_right_arithmetic3A_36 = vector.broadcast %shift_right_arithmetic3A : i32 to vector<16xi32>
      %shift_right_arithmetic3A_37 = arith.shrsi %bitcast_convert_type3A, %shift_right_arithmetic3A_36 : vector<16xi32>
      %and3A = arith.constant 1 : i32
      %and3A_38 = vector.broadcast %and3A : i32 to vector<16xi32>
      %and3A_39 = arith.andi %shift_right_arithmetic3A_37, %and3A_38 : vector<16xi32>
      %add3A_40 = arith.addi %add3A_35, %and3A_39 : vector<16xi32>
      %and3A_41 = arith.constant -65536 : i32
      %and3A_42 = vector.broadcast %and3A_41 : i32 to vector<16xi32>
      %and3A_43 = arith.andi %add3A_40, %and3A_42 : vector<16xi32>
      %bitcast_convert_type3A_44 = tpu.bitcast %and3A_43 : vector<16xi32> -> vector<16xf32>
      %swap3A = arith.index_cast %scan3A_29 : i32 to index
      %swap3A_45 = arith.constant 0 : index
      %swap3A_46 = tpu.vector_load %arg15[%swap3A, %swap3A_45] {strides = array<i32>} : memref<640x16xf32, #tpu.memory_space<vmem>>, vector<1x16xf32>,
      %swap3A_47 = vector.shape_cast %swap3A_46 : vector<1x16xf32> to vector<16xf32>
      %swap3A_48 = vector.shape_cast %bitcast_convert_type3A_44 : vector<16xf32> to vector<1x16xf32>
      tpu.vector_store %arg15[%swap3A, %swap3A_45], %swap3A_48 {strides = array<i32>} : memref<640x16xf32, #tpu.memory_space<vmem>>, vector<1x16xf32>,
    }
    %scan3A_7 = arith.constant 640 : i32
    "tpu.region"() ({
      %run_scoped3A = tpu.sem_alloc : memref<!tpu.dma_semaphore, #tpu.memory_space<semaphore_mem>>
      %dma_start3A = arith.constant 0 : i32
      %dma_start3A_29 = tpu.memref_slice %arg7[%add3A, %dma_start3A] : memref<20480x16xf32, #tpu.memory_space<hbm>> -> memref<640x16xf32, #tpu.memory_space<hbm>>
      %dma_start3A_30 = arith.constant 0 : i32
      %dma_start3A_31 = tpu.memref_slice %arg7[%add3A, %dma_start3A_30] : memref<20480x16xf32, #tpu.memory_space<hbm>> -> memref<640x16xf32, #tpu.memory_space<hbm>>
      tpu.enqueue_dma source(%arg15 : memref<640x16xf32, #tpu.memory_space<vmem>>) target(%dma_start3A_31 : memref<640x16xf32, #tpu.memory_space<hbm>>) target_semaphore(%run_scoped3A : memref<!tpu.dma_semaphore, #tpu.memory_space<semaphore_mem>>)
      %dma_wait3A = arith.constant 0 : i32
      %dma_wait3A_32 = tpu.memref_slice %arg7[%add3A, %dma_wait3A] : memref<20480x16xf32, #tpu.memory_space<hbm>> -> memref<640x16xf32, #tpu.memory_space<hbm>>
      %dma_wait3A_33 = arith.constant 0 : i32
      %dma_wait3A_34 = tpu.memref_slice %arg7[%add3A, %dma_wait3A_33] : memref<20480x16xf32, #tpu.memory_space<hbm>> -> memref<640x16xf32, #tpu.memory_space<hbm>>
      tpu.wait_dma2 semaphore(%run_scoped3A : memref<!tpu.dma_semaphore, #tpu.memory_space<semaphore_mem>>) src(%arg15 : memref<640x16xf32, #tpu.memory_space<vmem>>) dst(%dma_wait3A_34 : memref<640x16xf32, #tpu.memory_space<hbm>>)
      tpu.yield
    }) : () -> ()
    %barrier3A = arith.constant 0 : index
    tpu.barrier barrier_id(%barrier3A)
    %broadcast_in_dim3A = arith.constant 0 : i32
    %broadcast_in_dim3A_8 = vector.broadcast %broadcast_in_dim3A : i32 to vector<16x1xi32>
    %broadcast_in_dim3A_9 = arith.constant 1 : i32
    %broadcast_in_dim3A_10 = vector.broadcast %broadcast_in_dim3A_9 : i32 to vector<16x1xi32>
    %broadcast_in_dim3A_11 = arith.constant 2 : i32
    %broadcast_in_dim3A_12 = vector.broadcast %broadcast_in_dim3A_11 : i32 to vector<16x1xi32>
    %broadcast_in_dim3A_13 = arith.constant 3 : i32
    %broadcast_in_dim3A_14 = vector.broadcast %broadcast_in_dim3A_13 : i32 to vector<16x1xi32>
    %broadcast_in_dim3A_15 = arith.constant 4 : i32
    %broadcast_in_dim3A_16 = vector.broadcast %broadcast_in_dim3A_15 : i32 to vector<16x1xi32>
    %broadcast_in_dim3A_17 = arith.constant 5 : i32
    %broadcast_in_dim3A_18 = vector.broadcast %broadcast_in_dim3A_17 : i32 to vector<16x1xi32>
    %broadcast_in_dim3A_19 = arith.constant 6 : i32
    %broadcast_in_dim3A_20 = vector.broadcast %broadcast_in_dim3A_19 : i32 to vector<16x1xi32>
    %broadcast_in_dim3A_21 = arith.constant 7 : i32
    %broadcast_in_dim3A_22 = vector.broadcast %broadcast_in_dim3A_21 : i32 to vector<16x1xi32>
    %scan3A_23 = arith.constant 0 : i32
    %scan3A_24 = arith.constant 0 : i32
    %scan3A_25 = arith.constant 10 : i32
    %scan3A_26 = arith.addi %scan3A_24, %scan3A_25 : i32
    %scan3A_27 = arith.constant 1 : i32
    scf.for %scan3A_29 = %scan3A_24 to %scan3A_26 step %scan3A_27  : i32 {
      %dma_start3A = arith.constant 0 : i32
      %dma_start3A_30 = arith.constant 0 : i32
      %dma_start3A_31 = tpu.memref_slice %arg9[%dma_start3A, %dma_start3A_30] : memref<160x128xi32, #tpu.memory_space<vmem>> -> memref<1x128xi32, #tpu.memory_space<vmem>>
      %dma_start3A_32 = tpu.memref_squeeze %dma_start3A_31 : memref<1x128xi32, #tpu.memory_space<vmem>> -> memref<128xi32, #tpu.memory_space<vmem>>
      %dma_start3A_33 = arith.constant 0 : i32
      %dma_start3A_34 = arith.constant 0 : i32
      %dma_start3A_35 = tpu.memref_slice %arg7[%dma_start3A_33, %dma_start3A_34] : memref<20480x16xf32, #tpu.memory_space<hbm>> -> memref<20480x16xf32, #tpu.memory_space<hbm>>
      tpu.enqueue_indirect_dma source(%dma_start3A_35 : memref<20480x16xf32, #tpu.memory_space<hbm>>) target(%arg11 : memref<128x16xf32, #tpu.memory_space<vmem>>) offsets(%dma_start3A_32 : memref<128xi32, #tpu.memory_space<vmem>>) semaphore(%arg19 : memref<!tpu.dma_semaphore, #tpu.memory_space<semaphore_mem>>)
      %dma_start3A_36 = arith.constant 1 : i32
      %dma_start3A_37 = arith.constant 0 : i32
      %dma_start3A_38 = tpu.memref_slice %arg9[%dma_start3A_36, %dma_start3A_37] : memref<160x128xi32, #tpu.memory_space<vmem>> -> memref<1x128xi32, #tpu.memory_space<vmem>>
      %dma_start3A_39 = tpu.memref_squeeze %dma_start3A_38 : memref<1x128xi32, #tpu.memory_space<vmem>> -> memref<128xi32, #tpu.memory_space<vmem>>
      %dma_start3A_40 = arith.constant 0 : i32
      %dma_start3A_41 = arith.constant 0 : i32
      %dma_start3A_42 = tpu.memref_slice %arg7[%dma_start3A_40, %dma_start3A_41] : memref<20480x16xf32, #tpu.memory_space<hbm>> -> memref<20480x16xf32, #tpu.memory_space<hbm>>
      tpu.enqueue_indirect_dma source(%dma_start3A_42 : memref<20480x16xf32, #tpu.memory_space<hbm>>) target(%arg12 : memref<128x16xf32, #tpu.memory_space<vmem>>) offsets(%dma_start3A_39 : memref<128xi32, #tpu.memory_space<vmem>>) semaphore(%arg20 : memref<!tpu.dma_semaphore, #tpu.memory_space<semaphore_mem>>)
      "tpu.region"() ({
        %run_scoped3A = tpu.sem_alloc : memref<!tpu.dma_semaphore, #tpu.memory_space<semaphore_mem>>
        %dma_start3A_71 = arith.constant 0 : i32
        %dma_start3A_72 = tpu.memref_slice %arg8[%mul3A_0, %dma_start3A_71] : memref<10240x16xf32, #tpu.memory_space<vmem_shared>> -> memref<640x16xf32, #tpu.memory_space<vmem_shared>>
        %dma_start3A_73 = arith.constant 0 : i32
        %dma_start3A_74 = tpu.memref_slice %arg8[%mul3A_0, %dma_start3A_73] : memref<10240x16xf32, #tpu.memory_space<vmem_shared>> -> memref<640x16xf32, #tpu.memory_space<vmem_shared>>
        tpu.enqueue_dma source(%arg17 : memref<640x16xf32, #tpu.memory_space<vmem>>) target(%dma_start3A_74 : memref<640x16xf32, #tpu.memory_space<vmem_shared>>) target_semaphore(%run_scoped3A : memref<!tpu.dma_semaphore, #tpu.memory_space<semaphore_mem>>)
        %dma_wait3A_75 = arith.constant 0 : i32
        %dma_wait3A_76 = tpu.memref_slice %arg8[%mul3A_0, %dma_wait3A_75] : memref<10240x16xf32, #tpu.memory_space<vmem_shared>> -> memref<640x16xf32, #tpu.memory_space<vmem_shared>>
        %dma_wait3A_77 = arith.constant 0 : i32
        %dma_wait3A_78 = tpu.memref_slice %arg8[%mul3A_0, %dma_wait3A_77] : memref<10240x16xf32, #tpu.memory_space<vmem_shared>> -> memref<640x16xf32, #tpu.memory_space<vmem_shared>>
        tpu.wait_dma2 semaphore(%run_scoped3A : memref<!tpu.dma_semaphore, #tpu.memory_space<semaphore_mem>>) src(%arg17 : memref<640x16xf32, #tpu.memory_space<vmem>>) dst(%dma_wait3A_78 : memref<640x16xf32, #tpu.memory_space<vmem_shared>>)
        tpu.yield
      }) : () -> ()
      %barrier3A_43 = arith.constant 0 : index
      tpu.barrier barrier_id(%barrier3A_43)
      %scan3A_44 = arith.constant 0 : i32
      %scan3A_45 = arith.constant 0 : i32
      %scan3A_46 = arith.constant 79 : i32
      %scan3A_47 = arith.addi %scan3A_45, %scan3A_46 : i32
      %scan3A_48 = arith.constant 1 : i32
      scf.for %scan3A_71 = %scan3A_45 to %scan3A_47 step %scan3A_48  : i32 {
        %mul3A_72 = arith.constant 2 : i32
        %mul3A_73 = arith.muli %mul3A_72, %scan3A_71 : i32
        %dma_wait3A_74 = arith.constant 0 : i32
        %dma_wait3A_75 = arith.constant 0 : i32
        %dma_wait3A_76 = tpu.memref_slice %arg9[%dma_wait3A_74, %dma_wait3A_75] : memref<160x128xi32, #tpu.memory_space<vmem>> -> memref<1x128xi32, #tpu.memory_space<vmem>>
        %dma_wait3A_77 = tpu.memref_squeeze %dma_wait3A_76 : memref<1x128xi32, #tpu.memory_space<vmem>> -> memref<128xi32, #tpu.memory_space<vmem>>
        %dma_wait3A_78 = arith.constant 0 : i32
        %dma_wait3A_79 = arith.constant 0 : i32
        %dma_wait3A_80 = tpu.memref_slice %arg7[%dma_wait3A_78, %dma_wait3A_79] : memref<20480x16xf32, #tpu.memory_space<hbm>> -> memref<20480x16xf32, #tpu.memory_space<hbm>>
        tpu.wait_indirect_dma semaphore(%arg19 : memref<!tpu.dma_semaphore, #tpu.memory_space<semaphore_mem>>) src(%dma_wait3A_80 : memref<20480x16xf32, #tpu.memory_space<hbm>>) dst(%arg11 : memref<128x16xf32, #tpu.memory_space<vmem>>)
        "tpu.region"() ({
          %run_scoped3A = tpu.sem_alloc : memref<!tpu.dma_semaphore, #tpu.memory_space<semaphore_mem>>
          %dma_start3A_106 = arith.constant 0 : i32
          %dma_start3A_107 = tpu.memref_slice %arg10[%mul3A_73, %dma_start3A_106] : memref<158x128xi32, #tpu.memory_space<vmem>> -> memref<1x128xi32, #tpu.memory_space<vmem>>
          %dma_start3A_108 = tpu.memref_squeeze %dma_start3A_107 : memref<1x128xi32, #tpu.memory_space<vmem>> -> memref<128xi32, #tpu.memory_space<vmem>>
          %dma_start3A_109 = arith.constant 0 : i32
          %dma_start3A_110 = arith.constant 0 : i32
          %dma_start3A_111 = tpu.memref_slice %arg8[%dma_start3A_109, %dma_start3A_110] : memref<10240x16xf32, #tpu.memory_space<vmem_shared>> -> memref<10240x16xf32, #tpu.memory_space<vmem_shared>>
          tpu.enqueue_indirect_dma source(%arg11 : memref<128x16xf32, #tpu.memory_space<vmem>>) target(%dma_start3A_111 : memref<10240x16xf32, #tpu.memory_space<vmem_shared>>) offsets(%dma_start3A_108 : memref<128xi32, #tpu.memory_space<vmem>>) semaphore(%run_scoped3A : memref<!tpu.dma_semaphore, #tpu.memory_space<semaphore_mem>>) {add = true}
          %dma_wait3A_112 = arith.constant 0 : i32
          %dma_wait3A_113 = tpu.memref_slice %arg10[%mul3A_73, %dma_wait3A_112] : memref<158x128xi32, #tpu.memory_space<vmem>> -> memref<1x128xi32, #tpu.memory_space<vmem>>
          %dma_wait3A_114 = tpu.memref_squeeze %dma_wait3A_113 : memref<1x128xi32, #tpu.memory_space<vmem>> -> memref<128xi32, #tpu.memory_space<vmem>>
          %dma_wait3A_115 = arith.constant 0 : i32
          %dma_wait3A_116 = arith.constant 0 : i32
          %dma_wait3A_117 = tpu.memref_slice %arg8[%dma_wait3A_115, %dma_wait3A_116] : memref<10240x16xf32, #tpu.memory_space<vmem_shared>> -> memref<10240x16xf32, #tpu.memory_space<vmem_shared>>
          tpu.wait_indirect_dma semaphore(%run_scoped3A : memref<!tpu.dma_semaphore, #tpu.memory_space<semaphore_mem>>) src(%arg11 : memref<128x16xf32, #tpu.memory_space<vmem>>) dst(%dma_wait3A_117 : memref<10240x16xf32, #tpu.memory_space<vmem_shared>>)
          tpu.yield
        }) : () -> ()
        %add3A_81 = arith.constant 2 : i32
        %add3A_82 = arith.addi %mul3A_73, %add3A_81 : i32
        %dma_start3A_83 = arith.constant 0 : i32
        %dma_start3A_84 = tpu.memref_slice %arg9[%add3A_82, %dma_start3A_83] : memref<160x128xi32, #tpu.memory_space<vmem>> -> memref<1x128xi32, #tpu.memory_space<vmem>>
        %dma_start3A_85 = tpu.memref_squeeze %dma_start3A_84 : memref<1x128xi32, #tpu.memory_space<vmem>> -> memref<128xi32, #tpu.memory_space<vmem>>
        %dma_start3A_86 = arith.constant 0 : i32
        %dma_start3A_87 = arith.constant 0 : i32
        %dma_start3A_88 = tpu.memref_slice %arg7[%dma_start3A_86, %dma_start3A_87] : memref<20480x16xf32, #tpu.memory_space<hbm>> -> memref<20480x16xf32, #tpu.memory_space<hbm>>
        tpu.enqueue_indirect_dma source(%dma_start3A_88 : memref<20480x16xf32, #tpu.memory_space<hbm>>) target(%arg11 : memref<128x16xf32, #tpu.memory_space<vmem>>) offsets(%dma_start3A_85 : memref<128xi32, #tpu.memory_space<vmem>>) semaphore(%arg19 : memref<!tpu.dma_semaphore, #tpu.memory_space<semaphore_mem>>)
        %dma_wait3A_89 = arith.constant 1 : i32
        %dma_wait3A_90 = arith.constant 0 : i32
        %dma_wait3A_91 = tpu.memref_slice %arg9[%dma_wait3A_89, %dma_wait3A_90] : memref<160x128xi32, #tpu.memory_space<vmem>> -> memref<1x128xi32, #tpu.memory_space<vmem>>
        %dma_wait3A_92 = tpu.memref_squeeze %dma_wait3A_91 : memref<1x128xi32, #tpu.memory_space<vmem>> -> memref<128xi32, #tpu.memory_space<vmem>>
        %dma_wait3A_93 = arith.constant 0 : i32
        %dma_wait3A_94 = arith.constant 0 : i32
        %dma_wait3A_95 = tpu.memref_slice %arg7[%dma_wait3A_93, %dma_wait3A_94] : memref<20480x16xf32, #tpu.memory_space<hbm>> -> memref<20480x16xf32, #tpu.memory_space<hbm>>
        tpu.wait_indirect_dma semaphore(%arg20 : memref<!tpu.dma_semaphore, #tpu.memory_space<semaphore_mem>>) src(%dma_wait3A_95 : memref<20480x16xf32, #tpu.memory_space<hbm>>) dst(%arg12 : memref<128x16xf32, #tpu.memory_space<vmem>>)
        %add3A_96 = arith.constant 1 : i32
        %add3A_97 = arith.addi %mul3A_73, %add3A_96 : i32
        "tpu.region"() ({
          %run_scoped3A = tpu.sem_alloc : memref<!tpu.dma_semaphore, #tpu.memory_space<semaphore_mem>>
          %dma_start3A_106 = arith.constant 0 : i32
          %dma_start3A_107 = tpu.memref_slice %arg10[%add3A_97, %dma_start3A_106] : memref<158x128xi32, #tpu.memory_space<vmem>> -> memref<1x128xi32, #tpu.memory_space<vmem>>
          %dma_start3A_108 = tpu.memref_squeeze %dma_start3A_107 : memref<1x128xi32, #tpu.memory_space<vmem>> -> memref<128xi32, #tpu.memory_space<vmem>>
          %dma_start3A_109 = arith.constant 0 : i32
          %dma_start3A_110 = arith.constant 0 : i32
          %dma_start3A_111 = tpu.memref_slice %arg8[%dma_start3A_109, %dma_start3A_110] : memref<10240x16xf32, #tpu.memory_space<vmem_shared>> -> memref<10240x16xf32, #tpu.memory_space<vmem_shared>>
          tpu.enqueue_indirect_dma source(%arg12 : memref<128x16xf32, #tpu.memory_space<vmem>>) target(%dma_start3A_111 : memref<10240x16xf32, #tpu.memory_space<vmem_shared>>) offsets(%dma_start3A_108 : memref<128xi32, #tpu.memory_space<vmem>>) semaphore(%run_scoped3A : memref<!tpu.dma_semaphore, #tpu.memory_space<semaphore_mem>>) {add = true}
          %dma_wait3A_112 = arith.constant 0 : i32
          %dma_wait3A_113 = tpu.memref_slice %arg10[%add3A_97, %dma_wait3A_112] : memref<158x128xi32, #tpu.memory_space<vmem>> -> memref<1x128xi32, #tpu.memory_space<vmem>>
          %dma_wait3A_114 = tpu.memref_squeeze %dma_wait3A_113 : memref<1x128xi32, #tpu.memory_space<vmem>> -> memref<128xi32, #tpu.memory_space<vmem>>
          %dma_wait3A_115 = arith.constant 0 : i32
          %dma_wait3A_116 = arith.constant 0 : i32
          %dma_wait3A_117 = tpu.memref_slice %arg8[%dma_wait3A_115, %dma_wait3A_116] : memref<10240x16xf32, #tpu.memory_space<vmem_shared>> -> memref<10240x16xf32, #tpu.memory_space<vmem_shared>>
          tpu.wait_indirect_dma semaphore(%run_scoped3A : memref<!tpu.dma_semaphore, #tpu.memory_space<semaphore_mem>>) src(%arg12 : memref<128x16xf32, #tpu.memory_space<vmem>>) dst(%dma_wait3A_117 : memref<10240x16xf32, #tpu.memory_space<vmem_shared>>)
          tpu.yield
        }) : () -> ()
        %add3A_98 = arith.constant 3 : i32
        %add3A_99 = arith.addi %mul3A_73, %add3A_98 : i32
        %dma_start3A_100 = arith.constant 0 : i32
        %dma_start3A_101 = tpu.memref_slice %arg9[%add3A_99, %dma_start3A_100] : memref<160x128xi32, #tpu.memory_space<vmem>> -> memref<1x128xi32, #tpu.memory_space<vmem>>
        %dma_start3A_102 = tpu.memref_squeeze %dma_start3A_101 : memref<1x128xi32, #tpu.memory_space<vmem>> -> memref<128xi32, #tpu.memory_space<vmem>>
        %dma_start3A_103 = arith.constant 0 : i32
        %dma_start3A_104 = arith.constant 0 : i32
        %dma_start3A_105 = tpu.memref_slice %arg7[%dma_start3A_103, %dma_start3A_104] : memref<20480x16xf32, #tpu.memory_space<hbm>> -> memref<20480x16xf32, #tpu.memory_space<hbm>>
        tpu.enqueue_indirect_dma source(%dma_start3A_105 : memref<20480x16xf32, #tpu.memory_space<hbm>>) target(%arg12 : memref<128x16xf32, #tpu.memory_space<vmem>>) offsets(%dma_start3A_102 : memref<128xi32, #tpu.memory_space<vmem>>) semaphore(%arg20 : memref<!tpu.dma_semaphore, #tpu.memory_space<semaphore_mem>>)
      }
      %scan3A_49 = arith.constant 79 : i32
      %dma_wait3A = arith.constant 0 : i32
      %dma_wait3A_50 = arith.constant 0 : i32
      %dma_wait3A_51 = tpu.memref_slice %arg9[%dma_wait3A, %dma_wait3A_50] : memref<160x128xi32, #tpu.memory_space<vmem>> -> memref<1x128xi32, #tpu.memory_space<vmem>>
      %dma_wait3A_52 = tpu.memref_squeeze %dma_wait3A_51 : memref<1x128xi32, #tpu.memory_space<vmem>> -> memref<128xi32, #tpu.memory_space<vmem>>
      %dma_wait3A_53 = arith.constant 0 : i32
      %dma_wait3A_54 = arith.constant 0 : i32
      %dma_wait3A_55 = tpu.memref_slice %arg7[%dma_wait3A_53, %dma_wait3A_54] : memref<20480x16xf32, #tpu.memory_space<hbm>> -> memref<20480x16xf32, #tpu.memory_space<hbm>>
      tpu.wait_indirect_dma semaphore(%arg19 : memref<!tpu.dma_semaphore, #tpu.memory_space<semaphore_mem>>) src(%dma_wait3A_55 : memref<20480x16xf32, #tpu.memory_space<hbm>>) dst(%arg11 : memref<128x16xf32, #tpu.memory_space<vmem>>)
      %dma_wait3A_56 = arith.constant 1 : i32
      %dma_wait3A_57 = arith.constant 0 : i32
      %dma_wait3A_58 = tpu.memref_slice %arg9[%dma_wait3A_56, %dma_wait3A_57] : memref<160x128xi32, #tpu.memory_space<vmem>> -> memref<1x128xi32, #tpu.memory_space<vmem>>
      %dma_wait3A_59 = tpu.memref_squeeze %dma_wait3A_58 : memref<1x128xi32, #tpu.memory_space<vmem>> -> memref<128xi32, #tpu.memory_space<vmem>>
      %dma_wait3A_60 = arith.constant 0 : i32
      %dma_wait3A_61 = arith.constant 0 : i32
      %dma_wait3A_62 = tpu.memref_slice %arg7[%dma_wait3A_60, %dma_wait3A_61] : memref<20480x16xf32, #tpu.memory_space<hbm>> -> memref<20480x16xf32, #tpu.memory_space<hbm>>
      tpu.wait_indirect_dma semaphore(%arg20 : memref<!tpu.dma_semaphore, #tpu.memory_space<semaphore_mem>>) src(%dma_wait3A_62 : memref<20480x16xf32, #tpu.memory_space<hbm>>) dst(%arg12 : memref<128x16xf32, #tpu.memory_space<vmem>>)
      %barrier3A_63 = arith.constant 0 : index
      tpu.barrier barrier_id(%barrier3A_63)
      "tpu.region"() ({
        %run_scoped3A = tpu.sem_alloc : memref<!tpu.dma_semaphore, #tpu.memory_space<semaphore_mem>>
        %dma_start3A_71 = arith.constant 0 : i32
        %dma_start3A_72 = tpu.memref_slice %arg8[%mul3A_0, %dma_start3A_71] : memref<10240x16xf32, #tpu.memory_space<vmem_shared>> -> memref<640x16xf32, #tpu.memory_space<vmem_shared>>
        %dma_start3A_73 = arith.constant 0 : i32
        %dma_start3A_74 = tpu.memref_slice %arg8[%mul3A_0, %dma_start3A_73] : memref<10240x16xf32, #tpu.memory_space<vmem_shared>> -> memref<640x16xf32, #tpu.memory_space<vmem_shared>>
        tpu.enqueue_dma source(%dma_start3A_74 : memref<640x16xf32, #tpu.memory_space<vmem_shared>>) target(%arg16 : memref<640x16xf32, #tpu.memory_space<vmem>>) target_semaphore(%run_scoped3A : memref<!tpu.dma_semaphore, #tpu.memory_space<semaphore_mem>>)
        %dma_wait3A_75 = arith.constant 0 : i32
        %dma_wait3A_76 = tpu.memref_slice %arg8[%mul3A_0, %dma_wait3A_75] : memref<10240x16xf32, #tpu.memory_space<vmem_shared>> -> memref<640x16xf32, #tpu.memory_space<vmem_shared>>
        %dma_wait3A_77 = arith.constant 0 : i32
        %dma_wait3A_78 = tpu.memref_slice %arg8[%mul3A_0, %dma_wait3A_77] : memref<10240x16xf32, #tpu.memory_space<vmem_shared>> -> memref<640x16xf32, #tpu.memory_space<vmem_shared>>
        tpu.wait_dma2 semaphore(%run_scoped3A : memref<!tpu.dma_semaphore, #tpu.memory_space<semaphore_mem>>) src(%dma_wait3A_78 : memref<640x16xf32, #tpu.memory_space<vmem_shared>>) dst(%arg16 : memref<640x16xf32, #tpu.memory_space<vmem>>)
        tpu.yield
      }) : () -> ()
      %scan3A_64 = arith.constant 0 : i32
      %scan3A_65 = arith.constant 0 : i32
      %scan3A_66 = arith.constant 160 : i32
      %scan3A_67 = arith.addi %scan3A_65, %scan3A_66 : i32
      %scan3A_68 = arith.constant 1 : i32
      scf.for %scan3A_71 = %scan3A_65 to %scan3A_67 step %scan3A_68  : i32 {
        %mul3A_72 = arith.constant 4 : i32
        %mul3A_73 = arith.muli %scan3A_71, %mul3A_72 : i32
        %add3A_74 = arith.constant 0 : i32
        %add3A_75 = arith.addi %mul3A_73, %add3A_74 : i32
        %get3A = arith.index_cast %add3A_75 : i32 to index
        %get3A_76 = arith.constant 0 : index
        %get3A_77 = tpu.vector_load %arg16[%get3A, %get3A_76] {strides = array<i32>} : memref<640x16xf32, #tpu.memory_space<vmem>>, vector<1x16xf32>,
        %get3A_78 = vector.shape_cast %get3A_77 : vector<1x16xf32> to vector<16xf32>
        %get3A_79 = arith.index_cast %add3A_75 : i32 to index
        %get3A_80 = arith.constant 0 : index
        %get3A_81 = tpu.vector_load %arg13[%get3A_79, %get3A_80] {strides = array<i32>} : memref<640x16xf32, #tpu.memory_space<vmem>>, vector<1x16xf32>,
        %get3A_82 = vector.shape_cast %get3A_81 : vector<1x16xf32> to vector<16xf32>
        %gather3A = vector.shape_cast %broadcast_in_dim3A_8 : vector<16x1xi32> to vector<16xi32>
        %gather3A_83 = tpu.dynamic_gather %get3A_78[%gather3A] in [0] : vector<16xf32>, vector<16xi32> -> vector<16xf32>
        %get3A_84 = arith.constant 0 : i32
        %get3A_85 = arith.index_cast %get3A_84 : i32 to index
        %get3A_86 = arith.constant 0 : index
        %get3A_87 = tpu.vector_load %arg18[%get3A_85, %get3A_86] {strides = array<i32>} : memref<8x16xf32, #tpu.memory_space<vmem>>, vector<1x16xf32>,
        %get3A_88 = vector.shape_cast %get3A_87 : vector<1x16xf32> to vector<16xf32>
        %mul3A_89 = arith.mulf %gather3A_83, %get3A_88 : vector<16xf32>
        %add3A_90 = arith.addf %get3A_82, %mul3A_89 : vector<16xf32>
        %gather3A_91 = vector.shape_cast %broadcast_in_dim3A_10 : vector<16x1xi32> to vector<16xi32>
        %gather3A_92 = tpu.dynamic_gather %get3A_78[%gather3A_91] in [0] : vector<16xf32>, vector<16xi32> -> vector<16xf32>
        %get3A_93 = arith.constant 1 : i32
        %get3A_94 = arith.index_cast %get3A_93 : i32 to index
        %get3A_95 = arith.constant 0 : index
        %get3A_96 = tpu.vector_load %arg18[%get3A_94, %get3A_95] {strides = array<i32>} : memref<8x16xf32, #tpu.memory_space<vmem>>, vector<1x16xf32>,
        %get3A_97 = vector.shape_cast %get3A_96 : vector<1x16xf32> to vector<16xf32>
        %mul3A_98 = arith.mulf %gather3A_92, %get3A_97 : vector<16xf32>
        %add3A_99 = arith.addf %add3A_90, %mul3A_98 : vector<16xf32>
        %gather3A_100 = vector.shape_cast %broadcast_in_dim3A_12 : vector<16x1xi32> to vector<16xi32>
        %gather3A_101 = tpu.dynamic_gather %get3A_78[%gather3A_100] in [0] : vector<16xf32>, vector<16xi32> -> vector<16xf32>
        %get3A_102 = arith.constant 2 : i32
        %get3A_103 = arith.index_cast %get3A_102 : i32 to index
        %get3A_104 = arith.constant 0 : index
        %get3A_105 = tpu.vector_load %arg18[%get3A_103, %get3A_104] {strides = array<i32>} : memref<8x16xf32, #tpu.memory_space<vmem>>, vector<1x16xf32>,
        %get3A_106 = vector.shape_cast %get3A_105 : vector<1x16xf32> to vector<16xf32>
        %mul3A_107 = arith.mulf %gather3A_101, %get3A_106 : vector<16xf32>
        %add3A_108 = arith.addf %add3A_99, %mul3A_107 : vector<16xf32>
        %gather3A_109 = vector.shape_cast %broadcast_in_dim3A_14 : vector<16x1xi32> to vector<16xi32>
        %gather3A_110 = tpu.dynamic_gather %get3A_78[%gather3A_109] in [0] : vector<16xf32>, vector<16xi32> -> vector<16xf32>
        %get3A_111 = arith.constant 3 : i32
        %get3A_112 = arith.index_cast %get3A_111 : i32 to index
        %get3A_113 = arith.constant 0 : index
        %get3A_114 = tpu.vector_load %arg18[%get3A_112, %get3A_113] {strides = array<i32>} : memref<8x16xf32, #tpu.memory_space<vmem>>, vector<1x16xf32>,
        %get3A_115 = vector.shape_cast %get3A_114 : vector<1x16xf32> to vector<16xf32>
        %mul3A_116 = arith.mulf %gather3A_110, %get3A_115 : vector<16xf32>
        %add3A_117 = arith.addf %add3A_108, %mul3A_116 : vector<16xf32>
        %gather3A_118 = vector.shape_cast %broadcast_in_dim3A_16 : vector<16x1xi32> to vector<16xi32>
        %gather3A_119 = tpu.dynamic_gather %get3A_78[%gather3A_118] in [0] : vector<16xf32>, vector<16xi32> -> vector<16xf32>
        %get3A_120 = arith.constant 4 : i32
        %get3A_121 = arith.index_cast %get3A_120 : i32 to index
        %get3A_122 = arith.constant 0 : index
        %get3A_123 = tpu.vector_load %arg18[%get3A_121, %get3A_122] {strides = array<i32>} : memref<8x16xf32, #tpu.memory_space<vmem>>, vector<1x16xf32>,
        %get3A_124 = vector.shape_cast %get3A_123 : vector<1x16xf32> to vector<16xf32>
        %mul3A_125 = arith.mulf %gather3A_119, %get3A_124 : vector<16xf32>
        %add3A_126 = arith.addf %add3A_117, %mul3A_125 : vector<16xf32>
        %gather3A_127 = vector.shape_cast %broadcast_in_dim3A_18 : vector<16x1xi32> to vector<16xi32>
        %gather3A_128 = tpu.dynamic_gather %get3A_78[%gather3A_127] in [0] : vector<16xf32>, vector<16xi32> -> vector<16xf32>
        %get3A_129 = arith.constant 5 : i32
        %get3A_130 = arith.index_cast %get3A_129 : i32 to index
        %get3A_131 = arith.constant 0 : index
        %get3A_132 = tpu.vector_load %arg18[%get3A_130, %get3A_131] {strides = array<i32>} : memref<8x16xf32, #tpu.memory_space<vmem>>, vector<1x16xf32>,
        %get3A_133 = vector.shape_cast %get3A_132 : vector<1x16xf32> to vector<16xf32>
        %mul3A_134 = arith.mulf %gather3A_128, %get3A_133 : vector<16xf32>
        %add3A_135 = arith.addf %add3A_126, %mul3A_134 : vector<16xf32>
        %gather3A_136 = vector.shape_cast %broadcast_in_dim3A_20 : vector<16x1xi32> to vector<16xi32>
        %gather3A_137 = tpu.dynamic_gather %get3A_78[%gather3A_136] in [0] : vector<16xf32>, vector<16xi32> -> vector<16xf32>
        %get3A_138 = arith.constant 6 : i32
        %get3A_139 = arith.index_cast %get3A_138 : i32 to index
        %get3A_140 = arith.constant 0 : index
        %get3A_141 = tpu.vector_load %arg18[%get3A_139, %get3A_140] {strides = array<i32>} : memref<8x16xf32, #tpu.memory_space<vmem>>, vector<1x16xf32>,
        %get3A_142 = vector.shape_cast %get3A_141 : vector<1x16xf32> to vector<16xf32>
        %mul3A_143 = arith.mulf %gather3A_137, %get3A_142 : vector<16xf32>
        %add3A_144 = arith.addf %add3A_135, %mul3A_143 : vector<16xf32>
        %gather3A_145 = vector.shape_cast %broadcast_in_dim3A_22 : vector<16x1xi32> to vector<16xi32>
        %gather3A_146 = tpu.dynamic_gather %get3A_78[%gather3A_145] in [0] : vector<16xf32>, vector<16xi32> -> vector<16xf32>
        %get3A_147 = arith.constant 7 : i32
        %get3A_148 = arith.index_cast %get3A_147 : i32 to index
        %get3A_149 = arith.constant 0 : index
        %get3A_150 = tpu.vector_load %arg18[%get3A_148, %get3A_149] {strides = array<i32>} : memref<8x16xf32, #tpu.memory_space<vmem>>, vector<1x16xf32>,
        %get3A_151 = vector.shape_cast %get3A_150 : vector<1x16xf32> to vector<16xf32>
        %mul3A_152 = arith.mulf %gather3A_146, %get3A_151 : vector<16xf32>
        %add3A_153 = arith.addf %add3A_144, %mul3A_152 : vector<16xf32>
        %mul3A_154 = arith.constant 2.000000e+00 : f32
        %mul3A_155 = vector.broadcast %mul3A_154 : f32 to vector<16xf32>
        %mul3A_156 = arith.mulf %mul3A_155, %add3A_153 : vector<16xf32>
        %exp3A = math.exp %mul3A_156 : vector<16xf32>
        %add3A_157 = arith.constant 1.000000e+00 : f32
        %add3A_158 = vector.broadcast %add3A_157 : f32 to vector<16xf32>
        %add3A_159 = arith.addf %exp3A, %add3A_158 : vector<16xf32>
        %div3A = arith.constant 2.000000e+00 : f32
        %div3A_160 = vector.broadcast %div3A : f32 to vector<16xf32>
        %div3A_161 = arith.divf %div3A_160, %add3A_159 : vector<16xf32>
        %sub3A = arith.constant 1.000000e+00 : f32
        %sub3A_162 = vector.broadcast %sub3A : f32 to vector<16xf32>
        %sub3A_163 = arith.subf %sub3A_162, %div3A_161 : vector<16xf32>
        %swap3A = arith.index_cast %add3A_75 : i32 to index
        %swap3A_164 = arith.constant 0 : index
        %swap3A_165 = tpu.vector_load %arg14[%swap3A, %swap3A_164] {strides = array<i32>} : memref<640x16xf32, #tpu.memory_space<vmem>>, vector<1x16xf32>,
        %swap3A_166 = vector.shape_cast %swap3A_165 : vector<1x16xf32> to vector<16xf32>
        %swap3A_167 = vector.shape_cast %sub3A_163 : vector<16xf32> to vector<1x16xf32>
        tpu.vector_store %arg14[%swap3A, %swap3A_164], %swap3A_167 {strides = array<i32>} : memref<640x16xf32, #tpu.memory_space<vmem>>, vector<1x16xf32>,
        %bitcast_convert_type3A = tpu.bitcast %sub3A_163 : vector<16xf32> -> vector<16xi32>
        %add3A_168 = arith.constant 32767 : i32
        %add3A_169 = vector.broadcast %add3A_168 : i32 to vector<16xi32>
        %add3A_170 = arith.addi %bitcast_convert_type3A, %add3A_169 : vector<16xi32>
        %shift_right_arithmetic3A = arith.constant 16 : i32
        %shift_right_arithmetic3A_171 = vector.broadcast %shift_right_arithmetic3A : i32 to vector<16xi32>
        %shift_right_arithmetic3A_172 = arith.shrsi %bitcast_convert_type3A, %shift_right_arithmetic3A_171 : vector<16xi32>
        %and3A = arith.constant 1 : i32
        %and3A_173 = vector.broadcast %and3A : i32 to vector<16xi32>
        %and3A_174 = arith.andi %shift_right_arithmetic3A_172, %and3A_173 : vector<16xi32>
        %add3A_175 = arith.addi %add3A_170, %and3A_174 : vector<16xi32>
        %and3A_176 = arith.constant -65536 : i32
        %and3A_177 = vector.broadcast %and3A_176 : i32 to vector<16xi32>
        %and3A_178 = arith.andi %add3A_175, %and3A_177 : vector<16xi32>
        %bitcast_convert_type3A_179 = tpu.bitcast %and3A_178 : vector<16xi32> -> vector<16xf32>
        %swap3A_180 = arith.index_cast %add3A_75 : i32 to index
        %swap3A_181 = arith.constant 0 : index
        %swap3A_182 = tpu.vector_load %arg15[%swap3A_180, %swap3A_181] {strides = array<i32>} : memref<640x16xf32, #tpu.memory_space<vmem>>, vector<1x16xf32>,
        %swap3A_183 = vector.shape_cast %swap3A_182 : vector<1x16xf32> to vector<16xf32>
        %swap3A_184 = vector.shape_cast %bitcast_convert_type3A_179 : vector<16xf32> to vector<1x16xf32>
        tpu.vector_store %arg15[%swap3A_180, %swap3A_181], %swap3A_184 {strides = array<i32>} : memref<640x16xf32, #tpu.memory_space<vmem>>, vector<1x16xf32>,
        %mul3A_185 = arith.constant 4 : i32
        %mul3A_186 = arith.muli %scan3A_71, %mul3A_185 : i32
        %add3A_187 = arith.constant 1 : i32
        %add3A_188 = arith.addi %mul3A_186, %add3A_187 : i32
        %get3A_189 = arith.index_cast %add3A_188 : i32 to index
        %get3A_190 = arith.constant 0 : index
        %get3A_191 = tpu.vector_load %arg16[%get3A_189, %get3A_190] {strides = array<i32>} : memref<640x16xf32, #tpu.memory_space<vmem>>, vector<1x16xf32>,
        %get3A_192 = vector.shape_cast %get3A_191 : vector<1x16xf32> to vector<16xf32>
        %get3A_193 = arith.index_cast %add3A_188 : i32 to index
        %get3A_194 = arith.constant 0 : index
        %get3A_195 = tpu.vector_load %arg13[%get3A_193, %get3A_194] {strides = array<i32>} : memref<640x16xf32, #tpu.memory_space<vmem>>, vector<1x16xf32>,
        %get3A_196 = vector.shape_cast %get3A_195 : vector<1x16xf32> to vector<16xf32>
        %gather3A_197 = vector.shape_cast %broadcast_in_dim3A_8 : vector<16x1xi32> to vector<16xi32>
        %gather3A_198 = tpu.dynamic_gather %get3A_192[%gather3A_197] in [0] : vector<16xf32>, vector<16xi32> -> vector<16xf32>
        %get3A_199 = arith.constant 0 : i32
        %get3A_200 = arith.index_cast %get3A_199 : i32 to index
        %get3A_201 = arith.constant 0 : index
        %get3A_202 = tpu.vector_load %arg18[%get3A_200, %get3A_201] {strides = array<i32>} : memref<8x16xf32, #tpu.memory_space<vmem>>, vector<1x16xf32>,
        %get3A_203 = vector.shape_cast %get3A_202 : vector<1x16xf32> to vector<16xf32>
        %mul3A_204 = arith.mulf %gather3A_198, %get3A_203 : vector<16xf32>
        %add3A_205 = arith.addf %get3A_196, %mul3A_204 : vector<16xf32>
        %gather3A_206 = vector.shape_cast %broadcast_in_dim3A_10 : vector<16x1xi32> to vector<16xi32>
        %gather3A_207 = tpu.dynamic_gather %get3A_192[%gather3A_206] in [0] : vector<16xf32>, vector<16xi32> -> vector<16xf32>
        %get3A_208 = arith.constant 1 : i32
        %get3A_209 = arith.index_cast %get3A_208 : i32 to index
        %get3A_210 = arith.constant 0 : index
        %get3A_211 = tpu.vector_load %arg18[%get3A_209, %get3A_210] {strides = array<i32>} : memref<8x16xf32, #tpu.memory_space<vmem>>, vector<1x16xf32>,
        %get3A_212 = vector.shape_cast %get3A_211 : vector<1x16xf32> to vector<16xf32>
        %mul3A_213 = arith.mulf %gather3A_207, %get3A_212 : vector<16xf32>
        %add3A_214 = arith.addf %add3A_205, %mul3A_213 : vector<16xf32>
        %gather3A_215 = vector.shape_cast %broadcast_in_dim3A_12 : vector<16x1xi32> to vector<16xi32>
        %gather3A_216 = tpu.dynamic_gather %get3A_192[%gather3A_215] in [0] : vector<16xf32>, vector<16xi32> -> vector<16xf32>
        %get3A_217 = arith.constant 2 : i32
        %get3A_218 = arith.index_cast %get3A_217 : i32 to index
        %get3A_219 = arith.constant 0 : index
        %get3A_220 = tpu.vector_load %arg18[%get3A_218, %get3A_219] {strides = array<i32>} : memref<8x16xf32, #tpu.memory_space<vmem>>, vector<1x16xf32>,
        %get3A_221 = vector.shape_cast %get3A_220 : vector<1x16xf32> to vector<16xf32>
        %mul3A_222 = arith.mulf %gather3A_216, %get3A_221 : vector<16xf32>
        %add3A_223 = arith.addf %add3A_214, %mul3A_222 : vector<16xf32>
        %gather3A_224 = vector.shape_cast %broadcast_in_dim3A_14 : vector<16x1xi32> to vector<16xi32>
        %gather3A_225 = tpu.dynamic_gather %get3A_192[%gather3A_224] in [0] : vector<16xf32>, vector<16xi32> -> vector<16xf32>
        %get3A_226 = arith.constant 3 : i32
        %get3A_227 = arith.index_cast %get3A_226 : i32 to index
        %get3A_228 = arith.constant 0 : index
        %get3A_229 = tpu.vector_load %arg18[%get3A_227, %get3A_228] {strides = array<i32>} : memref<8x16xf32, #tpu.memory_space<vmem>>, vector<1x16xf32>,
        %get3A_230 = vector.shape_cast %get3A_229 : vector<1x16xf32> to vector<16xf32>
        %mul3A_231 = arith.mulf %gather3A_225, %get3A_230 : vector<16xf32>
        %add3A_232 = arith.addf %add3A_223, %mul3A_231 : vector<16xf32>
        %gather3A_233 = vector.shape_cast %broadcast_in_dim3A_16 : vector<16x1xi32> to vector<16xi32>
        %gather3A_234 = tpu.dynamic_gather %get3A_192[%gather3A_233] in [0] : vector<16xf32>, vector<16xi32> -> vector<16xf32>
        %get3A_235 = arith.constant 4 : i32
        %get3A_236 = arith.index_cast %get3A_235 : i32 to index
        %get3A_237 = arith.constant 0 : index
        %get3A_238 = tpu.vector_load %arg18[%get3A_236, %get3A_237] {strides = array<i32>} : memref<8x16xf32, #tpu.memory_space<vmem>>, vector<1x16xf32>,
        %get3A_239 = vector.shape_cast %get3A_238 : vector<1x16xf32> to vector<16xf32>
        %mul3A_240 = arith.mulf %gather3A_234, %get3A_239 : vector<16xf32>
        %add3A_241 = arith.addf %add3A_232, %mul3A_240 : vector<16xf32>
        %gather3A_242 = vector.shape_cast %broadcast_in_dim3A_18 : vector<16x1xi32> to vector<16xi32>
        %gather3A_243 = tpu.dynamic_gather %get3A_192[%gather3A_242] in [0] : vector<16xf32>, vector<16xi32> -> vector<16xf32>
        %get3A_244 = arith.constant 5 : i32
        %get3A_245 = arith.index_cast %get3A_244 : i32 to index
        %get3A_246 = arith.constant 0 : index
        %get3A_247 = tpu.vector_load %arg18[%get3A_245, %get3A_246] {strides = array<i32>} : memref<8x16xf32, #tpu.memory_space<vmem>>, vector<1x16xf32>,
        %get3A_248 = vector.shape_cast %get3A_247 : vector<1x16xf32> to vector<16xf32>
        %mul3A_249 = arith.mulf %gather3A_243, %get3A_248 : vector<16xf32>
        %add3A_250 = arith.addf %add3A_241, %mul3A_249 : vector<16xf32>
        %gather3A_251 = vector.shape_cast %broadcast_in_dim3A_20 : vector<16x1xi32> to vector<16xi32>
        %gather3A_252 = tpu.dynamic_gather %get3A_192[%gather3A_251] in [0] : vector<16xf32>, vector<16xi32> -> vector<16xf32>
        %get3A_253 = arith.constant 6 : i32
        %get3A_254 = arith.index_cast %get3A_253 : i32 to index
        %get3A_255 = arith.constant 0 : index
        %get3A_256 = tpu.vector_load %arg18[%get3A_254, %get3A_255] {strides = array<i32>} : memref<8x16xf32, #tpu.memory_space<vmem>>, vector<1x16xf32>,
        %get3A_257 = vector.shape_cast %get3A_256 : vector<1x16xf32> to vector<16xf32>
        %mul3A_258 = arith.mulf %gather3A_252, %get3A_257 : vector<16xf32>
        %add3A_259 = arith.addf %add3A_250, %mul3A_258 : vector<16xf32>
        %gather3A_260 = vector.shape_cast %broadcast_in_dim3A_22 : vector<16x1xi32> to vector<16xi32>
        %gather3A_261 = tpu.dynamic_gather %get3A_192[%gather3A_260] in [0] : vector<16xf32>, vector<16xi32> -> vector<16xf32>
        %get3A_262 = arith.constant 7 : i32
        %get3A_263 = arith.index_cast %get3A_262 : i32 to index
        %get3A_264 = arith.constant 0 : index
        %get3A_265 = tpu.vector_load %arg18[%get3A_263, %get3A_264] {strides = array<i32>} : memref<8x16xf32, #tpu.memory_space<vmem>>, vector<1x16xf32>,
        %get3A_266 = vector.shape_cast %get3A_265 : vector<1x16xf32> to vector<16xf32>
        %mul3A_267 = arith.mulf %gather3A_261, %get3A_266 : vector<16xf32>
        %add3A_268 = arith.addf %add3A_259, %mul3A_267 : vector<16xf32>
        %mul3A_269 = arith.constant 2.000000e+00 : f32
        %mul3A_270 = vector.broadcast %mul3A_269 : f32 to vector<16xf32>
        %mul3A_271 = arith.mulf %mul3A_270, %add3A_268 : vector<16xf32>
        %exp3A_272 = math.exp %mul3A_271 : vector<16xf32>
        %add3A_273 = arith.constant 1.000000e+00 : f32
        %add3A_274 = vector.broadcast %add3A_273 : f32 to vector<16xf32>
        %add3A_275 = arith.addf %exp3A_272, %add3A_274 : vector<16xf32>
        %div3A_276 = arith.constant 2.000000e+00 : f32
        %div3A_277 = vector.broadcast %div3A_276 : f32 to vector<16xf32>
        %div3A_278 = arith.divf %div3A_277, %add3A_275 : vector<16xf32>
        %sub3A_279 = arith.constant 1.000000e+00 : f32
        %sub3A_280 = vector.broadcast %sub3A_279 : f32 to vector<16xf32>
        %sub3A_281 = arith.subf %sub3A_280, %div3A_278 : vector<16xf32>
        %swap3A_282 = arith.index_cast %add3A_188 : i32 to index
        %swap3A_283 = arith.constant 0 : index
        %swap3A_284 = tpu.vector_load %arg14[%swap3A_282, %swap3A_283] {strides = array<i32>} : memref<640x16xf32, #tpu.memory_space<vmem>>, vector<1x16xf32>,
        %swap3A_285 = vector.shape_cast %swap3A_284 : vector<1x16xf32> to vector<16xf32>
        %swap3A_286 = vector.shape_cast %sub3A_281 : vector<16xf32> to vector<1x16xf32>
        tpu.vector_store %arg14[%swap3A_282, %swap3A_283], %swap3A_286 {strides = array<i32>} : memref<640x16xf32, #tpu.memory_space<vmem>>, vector<1x16xf32>,
        %bitcast_convert_type3A_287 = tpu.bitcast %sub3A_281 : vector<16xf32> -> vector<16xi32>
        %add3A_288 = arith.constant 32767 : i32
        %add3A_289 = vector.broadcast %add3A_288 : i32 to vector<16xi32>
        %add3A_290 = arith.addi %bitcast_convert_type3A_287, %add3A_289 : vector<16xi32>
        %shift_right_arithmetic3A_291 = arith.constant 16 : i32
        %shift_right_arithmetic3A_292 = vector.broadcast %shift_right_arithmetic3A_291 : i32 to vector<16xi32>
        %shift_right_arithmetic3A_293 = arith.shrsi %bitcast_convert_type3A_287, %shift_right_arithmetic3A_292 : vector<16xi32>
        %and3A_294 = arith.constant 1 : i32
        %and3A_295 = vector.broadcast %and3A_294 : i32 to vector<16xi32>
        %and3A_296 = arith.andi %shift_right_arithmetic3A_293, %and3A_295 : vector<16xi32>
        %add3A_297 = arith.addi %add3A_290, %and3A_296 : vector<16xi32>
        %and3A_298 = arith.constant -65536 : i32
        %and3A_299 = vector.broadcast %and3A_298 : i32 to vector<16xi32>
        %and3A_300 = arith.andi %add3A_297, %and3A_299 : vector<16xi32>
        %bitcast_convert_type3A_301 = tpu.bitcast %and3A_300 : vector<16xi32> -> vector<16xf32>
        %swap3A_302 = arith.index_cast %add3A_188 : i32 to index
        %swap3A_303 = arith.constant 0 : index
        %swap3A_304 = tpu.vector_load %arg15[%swap3A_302, %swap3A_303] {strides = array<i32>} : memref<640x16xf32, #tpu.memory_space<vmem>>, vector<1x16xf32>,
        %swap3A_305 = vector.shape_cast %swap3A_304 : vector<1x16xf32> to vector<16xf32>
        %swap3A_306 = vector.shape_cast %bitcast_convert_type3A_301 : vector<16xf32> to vector<1x16xf32>
        tpu.vector_store %arg15[%swap3A_302, %swap3A_303], %swap3A_306 {strides = array<i32>} : memref<640x16xf32, #tpu.memory_space<vmem>>, vector<1x16xf32>,
        %mul3A_307 = arith.constant 4 : i32
        %mul3A_308 = arith.muli %scan3A_71, %mul3A_307 : i32
        %add3A_309 = arith.constant 2 : i32
        %add3A_310 = arith.addi %mul3A_308, %add3A_309 : i32
        %get3A_311 = arith.index_cast %add3A_310 : i32 to index
        %get3A_312 = arith.constant 0 : index
        %get3A_313 = tpu.vector_load %arg16[%get3A_311, %get3A_312] {strides = array<i32>} : memref<640x16xf32, #tpu.memory_space<vmem>>, vector<1x16xf32>,
        %get3A_314 = vector.shape_cast %get3A_313 : vector<1x16xf32> to vector<16xf32>
        %get3A_315 = arith.index_cast %add3A_310 : i32 to index
        %get3A_316 = arith.constant 0 : index
        %get3A_317 = tpu.vector_load %arg13[%get3A_315, %get3A_316] {strides = array<i32>} : memref<640x16xf32, #tpu.memory_space<vmem>>, vector<1x16xf32>,
        %get3A_318 = vector.shape_cast %get3A_317 : vector<1x16xf32> to vector<16xf32>
        %gather3A_319 = vector.shape_cast %broadcast_in_dim3A_8 : vector<16x1xi32> to vector<16xi32>
        %gather3A_320 = tpu.dynamic_gather %get3A_314[%gather3A_319] in [0] : vector<16xf32>, vector<16xi32> -> vector<16xf32>
        %get3A_321 = arith.constant 0 : i32
        %get3A_322 = arith.index_cast %get3A_321 : i32 to index
        %get3A_323 = arith.constant 0 : index
        %get3A_324 = tpu.vector_load %arg18[%get3A_322, %get3A_323] {strides = array<i32>} : memref<8x16xf32, #tpu.memory_space<vmem>>, vector<1x16xf32>,
        %get3A_325 = vector.shape_cast %get3A_324 : vector<1x16xf32> to vector<16xf32>
        %mul3A_326 = arith.mulf %gather3A_320, %get3A_325 : vector<16xf32>
        %add3A_327 = arith.addf %get3A_318, %mul3A_326 : vector<16xf32>
        %gather3A_328 = vector.shape_cast %broadcast_in_dim3A_10 : vector<16x1xi32> to vector<16xi32>
        %gather3A_329 = tpu.dynamic_gather %get3A_314[%gather3A_328] in [0] : vector<16xf32>, vector<16xi32> -> vector<16xf32>
        %get3A_330 = arith.constant 1 : i32
        %get3A_331 = arith.index_cast %get3A_330 : i32 to index
        %get3A_332 = arith.constant 0 : index
        %get3A_333 = tpu.vector_load %arg18[%get3A_331, %get3A_332] {strides = array<i32>} : memref<8x16xf32, #tpu.memory_space<vmem>>, vector<1x16xf32>,
        %get3A_334 = vector.shape_cast %get3A_333 : vector<1x16xf32> to vector<16xf32>
        %mul3A_335 = arith.mulf %gather3A_329, %get3A_334 : vector<16xf32>
        %add3A_336 = arith.addf %add3A_327, %mul3A_335 : vector<16xf32>
        %gather3A_337 = vector.shape_cast %broadcast_in_dim3A_12 : vector<16x1xi32> to vector<16xi32>
        %gather3A_338 = tpu.dynamic_gather %get3A_314[%gather3A_337] in [0] : vector<16xf32>, vector<16xi32> -> vector<16xf32>
        %get3A_339 = arith.constant 2 : i32
        %get3A_340 = arith.index_cast %get3A_339 : i32 to index
        %get3A_341 = arith.constant 0 : index
        %get3A_342 = tpu.vector_load %arg18[%get3A_340, %get3A_341] {strides = array<i32>} : memref<8x16xf32, #tpu.memory_space<vmem>>, vector<1x16xf32>,
        %get3A_343 = vector.shape_cast %get3A_342 : vector<1x16xf32> to vector<16xf32>
        %mul3A_344 = arith.mulf %gather3A_338, %get3A_343 : vector<16xf32>
        %add3A_345 = arith.addf %add3A_336, %mul3A_344 : vector<16xf32>
        %gather3A_346 = vector.shape_cast %broadcast_in_dim3A_14 : vector<16x1xi32> to vector<16xi32>
        %gather3A_347 = tpu.dynamic_gather %get3A_314[%gather3A_346] in [0] : vector<16xf32>, vector<16xi32> -> vector<16xf32>
        %get3A_348 = arith.constant 3 : i32
        %get3A_349 = arith.index_cast %get3A_348 : i32 to index
        %get3A_350 = arith.constant 0 : index
        %get3A_351 = tpu.vector_load %arg18[%get3A_349, %get3A_350] {strides = array<i32>} : memref<8x16xf32, #tpu.memory_space<vmem>>, vector<1x16xf32>,
        %get3A_352 = vector.shape_cast %get3A_351 : vector<1x16xf32> to vector<16xf32>
        %mul3A_353 = arith.mulf %gather3A_347, %get3A_352 : vector<16xf32>
        %add3A_354 = arith.addf %add3A_345, %mul3A_353 : vector<16xf32>
        %gather3A_355 = vector.shape_cast %broadcast_in_dim3A_16 : vector<16x1xi32> to vector<16xi32>
        %gather3A_356 = tpu.dynamic_gather %get3A_314[%gather3A_355] in [0] : vector<16xf32>, vector<16xi32> -> vector<16xf32>
        %get3A_357 = arith.constant 4 : i32
        %get3A_358 = arith.index_cast %get3A_357 : i32 to index
        %get3A_359 = arith.constant 0 : index
        %get3A_360 = tpu.vector_load %arg18[%get3A_358, %get3A_359] {strides = array<i32>} : memref<8x16xf32, #tpu.memory_space<vmem>>, vector<1x16xf32>,
        %get3A_361 = vector.shape_cast %get3A_360 : vector<1x16xf32> to vector<16xf32>
        %mul3A_362 = arith.mulf %gather3A_356, %get3A_361 : vector<16xf32>
        %add3A_363 = arith.addf %add3A_354, %mul3A_362 : vector<16xf32>
        %gather3A_364 = vector.shape_cast %broadcast_in_dim3A_18 : vector<16x1xi32> to vector<16xi32>
        %gather3A_365 = tpu.dynamic_gather %get3A_314[%gather3A_364] in [0] : vector<16xf32>, vector<16xi32> -> vector<16xf32>
        %get3A_366 = arith.constant 5 : i32
        %get3A_367 = arith.index_cast %get3A_366 : i32 to index
        %get3A_368 = arith.constant 0 : index
        %get3A_369 = tpu.vector_load %arg18[%get3A_367, %get3A_368] {strides = array<i32>} : memref<8x16xf32, #tpu.memory_space<vmem>>, vector<1x16xf32>,
        %get3A_370 = vector.shape_cast %get3A_369 : vector<1x16xf32> to vector<16xf32>
        %mul3A_371 = arith.mulf %gather3A_365, %get3A_370 : vector<16xf32>
        %add3A_372 = arith.addf %add3A_363, %mul3A_371 : vector<16xf32>
        %gather3A_373 = vector.shape_cast %broadcast_in_dim3A_20 : vector<16x1xi32> to vector<16xi32>
        %gather3A_374 = tpu.dynamic_gather %get3A_314[%gather3A_373] in [0] : vector<16xf32>, vector<16xi32> -> vector<16xf32>
        %get3A_375 = arith.constant 6 : i32
        %get3A_376 = arith.index_cast %get3A_375 : i32 to index
        %get3A_377 = arith.constant 0 : index
        %get3A_378 = tpu.vector_load %arg18[%get3A_376, %get3A_377] {strides = array<i32>} : memref<8x16xf32, #tpu.memory_space<vmem>>, vector<1x16xf32>,
        %get3A_379 = vector.shape_cast %get3A_378 : vector<1x16xf32> to vector<16xf32>
        %mul3A_380 = arith.mulf %gather3A_374, %get3A_379 : vector<16xf32>
        %add3A_381 = arith.addf %add3A_372, %mul3A_380 : vector<16xf32>
        %gather3A_382 = vector.shape_cast %broadcast_in_dim3A_22 : vector<16x1xi32> to vector<16xi32>
        %gather3A_383 = tpu.dynamic_gather %get3A_314[%gather3A_382] in [0] : vector<16xf32>, vector<16xi32> -> vector<16xf32>
        %get3A_384 = arith.constant 7 : i32
        %get3A_385 = arith.index_cast %get3A_384 : i32 to index
        %get3A_386 = arith.constant 0 : index
        %get3A_387 = tpu.vector_load %arg18[%get3A_385, %get3A_386] {strides = array<i32>} : memref<8x16xf32, #tpu.memory_space<vmem>>, vector<1x16xf32>,
        %get3A_388 = vector.shape_cast %get3A_387 : vector<1x16xf32> to vector<16xf32>
        %mul3A_389 = arith.mulf %gather3A_383, %get3A_388 : vector<16xf32>
        %add3A_390 = arith.addf %add3A_381, %mul3A_389 : vector<16xf32>
        %mul3A_391 = arith.constant 2.000000e+00 : f32
        %mul3A_392 = vector.broadcast %mul3A_391 : f32 to vector<16xf32>
        %mul3A_393 = arith.mulf %mul3A_392, %add3A_390 : vector<16xf32>
        %exp3A_394 = math.exp %mul3A_393 : vector<16xf32>
        %add3A_395 = arith.constant 1.000000e+00 : f32
        %add3A_396 = vector.broadcast %add3A_395 : f32 to vector<16xf32>
        %add3A_397 = arith.addf %exp3A_394, %add3A_396 : vector<16xf32>
        %div3A_398 = arith.constant 2.000000e+00 : f32
        %div3A_399 = vector.broadcast %div3A_398 : f32 to vector<16xf32>
        %div3A_400 = arith.divf %div3A_399, %add3A_397 : vector<16xf32>
        %sub3A_401 = arith.constant 1.000000e+00 : f32
        %sub3A_402 = vector.broadcast %sub3A_401 : f32 to vector<16xf32>
        %sub3A_403 = arith.subf %sub3A_402, %div3A_400 : vector<16xf32>
        %swap3A_404 = arith.index_cast %add3A_310 : i32 to index
        %swap3A_405 = arith.constant 0 : index
        %swap3A_406 = tpu.vector_load %arg14[%swap3A_404, %swap3A_405] {strides = array<i32>} : memref<640x16xf32, #tpu.memory_space<vmem>>, vector<1x16xf32>,
        %swap3A_407 = vector.shape_cast %swap3A_406 : vector<1x16xf32> to vector<16xf32>
        %swap3A_408 = vector.shape_cast %sub3A_403 : vector<16xf32> to vector<1x16xf32>
        tpu.vector_store %arg14[%swap3A_404, %swap3A_405], %swap3A_408 {strides = array<i32>} : memref<640x16xf32, #tpu.memory_space<vmem>>, vector<1x16xf32>,
        %bitcast_convert_type3A_409 = tpu.bitcast %sub3A_403 : vector<16xf32> -> vector<16xi32>
        %add3A_410 = arith.constant 32767 : i32
        %add3A_411 = vector.broadcast %add3A_410 : i32 to vector<16xi32>
        %add3A_412 = arith.addi %bitcast_convert_type3A_409, %add3A_411 : vector<16xi32>
        %shift_right_arithmetic3A_413 = arith.constant 16 : i32
        %shift_right_arithmetic3A_414 = vector.broadcast %shift_right_arithmetic3A_413 : i32 to vector<16xi32>
        %shift_right_arithmetic3A_415 = arith.shrsi %bitcast_convert_type3A_409, %shift_right_arithmetic3A_414 : vector<16xi32>
        %and3A_416 = arith.constant 1 : i32
        %and3A_417 = vector.broadcast %and3A_416 : i32 to vector<16xi32>
        %and3A_418 = arith.andi %shift_right_arithmetic3A_415, %and3A_417 : vector<16xi32>
        %add3A_419 = arith.addi %add3A_412, %and3A_418 : vector<16xi32>
        %and3A_420 = arith.constant -65536 : i32
        %and3A_421 = vector.broadcast %and3A_420 : i32 to vector<16xi32>
        %and3A_422 = arith.andi %add3A_419, %and3A_421 : vector<16xi32>
        %bitcast_convert_type3A_423 = tpu.bitcast %and3A_422 : vector<16xi32> -> vector<16xf32>
        %swap3A_424 = arith.index_cast %add3A_310 : i32 to index
        %swap3A_425 = arith.constant 0 : index
        %swap3A_426 = tpu.vector_load %arg15[%swap3A_424, %swap3A_425] {strides = array<i32>} : memref<640x16xf32, #tpu.memory_space<vmem>>, vector<1x16xf32>,
        %swap3A_427 = vector.shape_cast %swap3A_426 : vector<1x16xf32> to vector<16xf32>
        %swap3A_428 = vector.shape_cast %bitcast_convert_type3A_423 : vector<16xf32> to vector<1x16xf32>
        tpu.vector_store %arg15[%swap3A_424, %swap3A_425], %swap3A_428 {strides = array<i32>} : memref<640x16xf32, #tpu.memory_space<vmem>>, vector<1x16xf32>,
        %mul3A_429 = arith.constant 4 : i32
        %mul3A_430 = arith.muli %scan3A_71, %mul3A_429 : i32
        %add3A_431 = arith.constant 3 : i32
        %add3A_432 = arith.addi %mul3A_430, %add3A_431 : i32
        %get3A_433 = arith.index_cast %add3A_432 : i32 to index
        %get3A_434 = arith.constant 0 : index
        %get3A_435 = tpu.vector_load %arg16[%get3A_433, %get3A_434] {strides = array<i32>} : memref<640x16xf32, #tpu.memory_space<vmem>>, vector<1x16xf32>,
        %get3A_436 = vector.shape_cast %get3A_435 : vector<1x16xf32> to vector<16xf32>
        %get3A_437 = arith.index_cast %add3A_432 : i32 to index
        %get3A_438 = arith.constant 0 : index
        %get3A_439 = tpu.vector_load %arg13[%get3A_437, %get3A_438] {strides = array<i32>} : memref<640x16xf32, #tpu.memory_space<vmem>>, vector<1x16xf32>,
        %get3A_440 = vector.shape_cast %get3A_439 : vector<1x16xf32> to vector<16xf32>
        %gather3A_441 = vector.shape_cast %broadcast_in_dim3A_8 : vector<16x1xi32> to vector<16xi32>
        %gather3A_442 = tpu.dynamic_gather %get3A_436[%gather3A_441] in [0] : vector<16xf32>, vector<16xi32> -> vector<16xf32>
        %get3A_443 = arith.constant 0 : i32
        %get3A_444 = arith.index_cast %get3A_443 : i32 to index
        %get3A_445 = arith.constant 0 : index
        %get3A_446 = tpu.vector_load %arg18[%get3A_444, %get3A_445] {strides = array<i32>} : memref<8x16xf32, #tpu.memory_space<vmem>>, vector<1x16xf32>,
        %get3A_447 = vector.shape_cast %get3A_446 : vector<1x16xf32> to vector<16xf32>
        %mul3A_448 = arith.mulf %gather3A_442, %get3A_447 : vector<16xf32>
        %add3A_449 = arith.addf %get3A_440, %mul3A_448 : vector<16xf32>
        %gather3A_450 = vector.shape_cast %broadcast_in_dim3A_10 : vector<16x1xi32> to vector<16xi32>
        %gather3A_451 = tpu.dynamic_gather %get3A_436[%gather3A_450] in [0] : vector<16xf32>, vector<16xi32> -> vector<16xf32>
        %get3A_452 = arith.constant 1 : i32
        %get3A_453 = arith.index_cast %get3A_452 : i32 to index
        %get3A_454 = arith.constant 0 : index
        %get3A_455 = tpu.vector_load %arg18[%get3A_453, %get3A_454] {strides = array<i32>} : memref<8x16xf32, #tpu.memory_space<vmem>>, vector<1x16xf32>,
        %get3A_456 = vector.shape_cast %get3A_455 : vector<1x16xf32> to vector<16xf32>
        %mul3A_457 = arith.mulf %gather3A_451, %get3A_456 : vector<16xf32>
        %add3A_458 = arith.addf %add3A_449, %mul3A_457 : vector<16xf32>
        %gather3A_459 = vector.shape_cast %broadcast_in_dim3A_12 : vector<16x1xi32> to vector<16xi32>
        %gather3A_460 = tpu.dynamic_gather %get3A_436[%gather3A_459] in [0] : vector<16xf32>, vector<16xi32> -> vector<16xf32>
        %get3A_461 = arith.constant 2 : i32
        %get3A_462 = arith.index_cast %get3A_461 : i32 to index
        %get3A_463 = arith.constant 0 : index
        %get3A_464 = tpu.vector_load %arg18[%get3A_462, %get3A_463] {strides = array<i32>} : memref<8x16xf32, #tpu.memory_space<vmem>>, vector<1x16xf32>,
        %get3A_465 = vector.shape_cast %get3A_464 : vector<1x16xf32> to vector<16xf32>
        %mul3A_466 = arith.mulf %gather3A_460, %get3A_465 : vector<16xf32>
        %add3A_467 = arith.addf %add3A_458, %mul3A_466 : vector<16xf32>
        %gather3A_468 = vector.shape_cast %broadcast_in_dim3A_14 : vector<16x1xi32> to vector<16xi32>
        %gather3A_469 = tpu.dynamic_gather %get3A_436[%gather3A_468] in [0] : vector<16xf32>, vector<16xi32> -> vector<16xf32>
        %get3A_470 = arith.constant 3 : i32
        %get3A_471 = arith.index_cast %get3A_470 : i32 to index
        %get3A_472 = arith.constant 0 : index
        %get3A_473 = tpu.vector_load %arg18[%get3A_471, %get3A_472] {strides = array<i32>} : memref<8x16xf32, #tpu.memory_space<vmem>>, vector<1x16xf32>,
        %get3A_474 = vector.shape_cast %get3A_473 : vector<1x16xf32> to vector<16xf32>
        %mul3A_475 = arith.mulf %gather3A_469, %get3A_474 : vector<16xf32>
        %add3A_476 = arith.addf %add3A_467, %mul3A_475 : vector<16xf32>
        %gather3A_477 = vector.shape_cast %broadcast_in_dim3A_16 : vector<16x1xi32> to vector<16xi32>
        %gather3A_478 = tpu.dynamic_gather %get3A_436[%gather3A_477] in [0] : vector<16xf32>, vector<16xi32> -> vector<16xf32>
        %get3A_479 = arith.constant 4 : i32
        %get3A_480 = arith.index_cast %get3A_479 : i32 to index
        %get3A_481 = arith.constant 0 : index
        %get3A_482 = tpu.vector_load %arg18[%get3A_480, %get3A_481] {strides = array<i32>} : memref<8x16xf32, #tpu.memory_space<vmem>>, vector<1x16xf32>,
        %get3A_483 = vector.shape_cast %get3A_482 : vector<1x16xf32> to vector<16xf32>
        %mul3A_484 = arith.mulf %gather3A_478, %get3A_483 : vector<16xf32>
        %add3A_485 = arith.addf %add3A_476, %mul3A_484 : vector<16xf32>
        %gather3A_486 = vector.shape_cast %broadcast_in_dim3A_18 : vector<16x1xi32> to vector<16xi32>
        %gather3A_487 = tpu.dynamic_gather %get3A_436[%gather3A_486] in [0] : vector<16xf32>, vector<16xi32> -> vector<16xf32>
        %get3A_488 = arith.constant 5 : i32
        %get3A_489 = arith.index_cast %get3A_488 : i32 to index
        %get3A_490 = arith.constant 0 : index
        %get3A_491 = tpu.vector_load %arg18[%get3A_489, %get3A_490] {strides = array<i32>} : memref<8x16xf32, #tpu.memory_space<vmem>>, vector<1x16xf32>,
        %get3A_492 = vector.shape_cast %get3A_491 : vector<1x16xf32> to vector<16xf32>
        %mul3A_493 = arith.mulf %gather3A_487, %get3A_492 : vector<16xf32>
        %add3A_494 = arith.addf %add3A_485, %mul3A_493 : vector<16xf32>
        %gather3A_495 = vector.shape_cast %broadcast_in_dim3A_20 : vector<16x1xi32> to vector<16xi32>
        %gather3A_496 = tpu.dynamic_gather %get3A_436[%gather3A_495] in [0] : vector<16xf32>, vector<16xi32> -> vector<16xf32>
        %get3A_497 = arith.constant 6 : i32
        %get3A_498 = arith.index_cast %get3A_497 : i32 to index
        %get3A_499 = arith.constant 0 : index
        %get3A_500 = tpu.vector_load %arg18[%get3A_498, %get3A_499] {strides = array<i32>} : memref<8x16xf32, #tpu.memory_space<vmem>>, vector<1x16xf32>,
        %get3A_501 = vector.shape_cast %get3A_500 : vector<1x16xf32> to vector<16xf32>
        %mul3A_502 = arith.mulf %gather3A_496, %get3A_501 : vector<16xf32>
        %add3A_503 = arith.addf %add3A_494, %mul3A_502 : vector<16xf32>
        %gather3A_504 = vector.shape_cast %broadcast_in_dim3A_22 : vector<16x1xi32> to vector<16xi32>
        %gather3A_505 = tpu.dynamic_gather %get3A_436[%gather3A_504] in [0] : vector<16xf32>, vector<16xi32> -> vector<16xf32>
        %get3A_506 = arith.constant 7 : i32
        %get3A_507 = arith.index_cast %get3A_506 : i32 to index
        %get3A_508 = arith.constant 0 : index
        %get3A_509 = tpu.vector_load %arg18[%get3A_507, %get3A_508] {strides = array<i32>} : memref<8x16xf32, #tpu.memory_space<vmem>>, vector<1x16xf32>,
        %get3A_510 = vector.shape_cast %get3A_509 : vector<1x16xf32> to vector<16xf32>
        %mul3A_511 = arith.mulf %gather3A_505, %get3A_510 : vector<16xf32>
        %add3A_512 = arith.addf %add3A_503, %mul3A_511 : vector<16xf32>
        %mul3A_513 = arith.constant 2.000000e+00 : f32
        %mul3A_514 = vector.broadcast %mul3A_513 : f32 to vector<16xf32>
        %mul3A_515 = arith.mulf %mul3A_514, %add3A_512 : vector<16xf32>
        %exp3A_516 = math.exp %mul3A_515 : vector<16xf32>
        %add3A_517 = arith.constant 1.000000e+00 : f32
        %add3A_518 = vector.broadcast %add3A_517 : f32 to vector<16xf32>
        %add3A_519 = arith.addf %exp3A_516, %add3A_518 : vector<16xf32>
        %div3A_520 = arith.constant 2.000000e+00 : f32
        %div3A_521 = vector.broadcast %div3A_520 : f32 to vector<16xf32>
        %div3A_522 = arith.divf %div3A_521, %add3A_519 : vector<16xf32>
        %sub3A_523 = arith.constant 1.000000e+00 : f32
        %sub3A_524 = vector.broadcast %sub3A_523 : f32 to vector<16xf32>
        %sub3A_525 = arith.subf %sub3A_524, %div3A_522 : vector<16xf32>
        %swap3A_526 = arith.index_cast %add3A_432 : i32 to index
        %swap3A_527 = arith.constant 0 : index
        %swap3A_528 = tpu.vector_load %arg14[%swap3A_526, %swap3A_527] {strides = array<i32>} : memref<640x16xf32, #tpu.memory_space<vmem>>, vector<1x16xf32>,
        %swap3A_529 = vector.shape_cast %swap3A_528 : vector<1x16xf32> to vector<16xf32>
        %swap3A_530 = vector.shape_cast %sub3A_525 : vector<16xf32> to vector<1x16xf32>
        tpu.vector_store %arg14[%swap3A_526, %swap3A_527], %swap3A_530 {strides = array<i32>} : memref<640x16xf32, #tpu.memory_space<vmem>>, vector<1x16xf32>,
        %bitcast_convert_type3A_531 = tpu.bitcast %sub3A_525 : vector<16xf32> -> vector<16xi32>
        %add3A_532 = arith.constant 32767 : i32
        %add3A_533 = vector.broadcast %add3A_532 : i32 to vector<16xi32>
        %add3A_534 = arith.addi %bitcast_convert_type3A_531, %add3A_533 : vector<16xi32>
        %shift_right_arithmetic3A_535 = arith.constant 16 : i32
        %shift_right_arithmetic3A_536 = vector.broadcast %shift_right_arithmetic3A_535 : i32 to vector<16xi32>
        %shift_right_arithmetic3A_537 = arith.shrsi %bitcast_convert_type3A_531, %shift_right_arithmetic3A_536 : vector<16xi32>
        %and3A_538 = arith.constant 1 : i32
        %and3A_539 = vector.broadcast %and3A_538 : i32 to vector<16xi32>
        %and3A_540 = arith.andi %shift_right_arithmetic3A_537, %and3A_539 : vector<16xi32>
        %add3A_541 = arith.addi %add3A_534, %and3A_540 : vector<16xi32>
        %and3A_542 = arith.constant -65536 : i32
        %and3A_543 = vector.broadcast %and3A_542 : i32 to vector<16xi32>
        %and3A_544 = arith.andi %add3A_541, %and3A_543 : vector<16xi32>
        %bitcast_convert_type3A_545 = tpu.bitcast %and3A_544 : vector<16xi32> -> vector<16xf32>
        %swap3A_546 = arith.index_cast %add3A_432 : i32 to index
        %swap3A_547 = arith.constant 0 : index
        %swap3A_548 = tpu.vector_load %arg15[%swap3A_546, %swap3A_547] {strides = array<i32>} : memref<640x16xf32, #tpu.memory_space<vmem>>, vector<1x16xf32>,
        %swap3A_549 = vector.shape_cast %swap3A_548 : vector<1x16xf32> to vector<16xf32>
        %swap3A_550 = vector.shape_cast %bitcast_convert_type3A_545 : vector<16xf32> to vector<1x16xf32>
        tpu.vector_store %arg15[%swap3A_546, %swap3A_547], %swap3A_550 {strides = array<i32>} : memref<640x16xf32, #tpu.memory_space<vmem>>, vector<1x16xf32>,
      }
      %scan3A_69 = arith.constant 160 : i32
      "tpu.region"() ({
        %run_scoped3A = tpu.sem_alloc : memref<!tpu.dma_semaphore, #tpu.memory_space<semaphore_mem>>
        %dma_start3A_71 = arith.constant 0 : i32
        %dma_start3A_72 = tpu.memref_slice %arg7[%add3A, %dma_start3A_71] : memref<20480x16xf32, #tpu.memory_space<hbm>> -> memref<640x16xf32, #tpu.memory_space<hbm>>
        %dma_start3A_73 = arith.constant 0 : i32
        %dma_start3A_74 = tpu.memref_slice %arg7[%add3A, %dma_start3A_73] : memref<20480x16xf32, #tpu.memory_space<hbm>> -> memref<640x16xf32, #tpu.memory_space<hbm>>
        tpu.enqueue_dma source(%arg15 : memref<640x16xf32, #tpu.memory_space<vmem>>) target(%dma_start3A_74 : memref<640x16xf32, #tpu.memory_space<hbm>>) target_semaphore(%run_scoped3A : memref<!tpu.dma_semaphore, #tpu.memory_space<semaphore_mem>>)
        %dma_wait3A_75 = arith.constant 0 : i32
        %dma_wait3A_76 = tpu.memref_slice %arg7[%add3A, %dma_wait3A_75] : memref<20480x16xf32, #tpu.memory_space<hbm>> -> memref<640x16xf32, #tpu.memory_space<hbm>>
        %dma_wait3A_77 = arith.constant 0 : i32
        %dma_wait3A_78 = tpu.memref_slice %arg7[%add3A, %dma_wait3A_77] : memref<20480x16xf32, #tpu.memory_space<hbm>> -> memref<640x16xf32, #tpu.memory_space<hbm>>
        tpu.wait_dma2 semaphore(%run_scoped3A : memref<!tpu.dma_semaphore, #tpu.memory_space<semaphore_mem>>) src(%arg15 : memref<640x16xf32, #tpu.memory_space<vmem>>) dst(%dma_wait3A_78 : memref<640x16xf32, #tpu.memory_space<hbm>>)
        tpu.yield
      }) : () -> ()
      %barrier3A_70 = arith.constant 0 : index
      tpu.barrier barrier_id(%barrier3A_70)
    }
    %scan3A_28 = arith.constant 10 : i32
    "tpu.region"() ({
      %run_scoped3A = tpu.sem_alloc : memref<!tpu.dma_semaphore, #tpu.memory_space<semaphore_mem>>
      %dma_start3A = arith.constant 0 : i32
      %dma_start3A_29 = tpu.memref_slice %arg7[%add3A, %dma_start3A] : memref<20480x16xf32, #tpu.memory_space<hbm>> -> memref<640x16xf32, #tpu.memory_space<hbm>>
      %dma_start3A_30 = arith.constant 0 : i32
      %dma_start3A_31 = tpu.memref_slice %arg7[%add3A, %dma_start3A_30] : memref<20480x16xf32, #tpu.memory_space<hbm>> -> memref<640x16xf32, #tpu.memory_space<hbm>>
      tpu.enqueue_dma source(%arg14 : memref<640x16xf32, #tpu.memory_space<vmem>>) target(%dma_start3A_31 : memref<640x16xf32, #tpu.memory_space<hbm>>) target_semaphore(%run_scoped3A : memref<!tpu.dma_semaphore, #tpu.memory_space<semaphore_mem>>)
      %dma_wait3A = arith.constant 0 : i32
      %dma_wait3A_32 = tpu.memref_slice %arg7[%add3A, %dma_wait3A] : memref<20480x16xf32, #tpu.memory_space<hbm>> -> memref<640x16xf32, #tpu.memory_space<hbm>>
      %dma_wait3A_33 = arith.constant 0 : i32
      %dma_wait3A_34 = tpu.memref_slice %arg7[%add3A, %dma_wait3A_33] : memref<20480x16xf32, #tpu.memory_space<hbm>> -> memref<640x16xf32, #tpu.memory_space<hbm>>
      tpu.wait_dma2 semaphore(%run_scoped3A : memref<!tpu.dma_semaphore, #tpu.memory_space<semaphore_mem>>) src(%arg14 : memref<640x16xf32, #tpu.memory_space<vmem>>) dst(%dma_wait3A_34 : memref<640x16xf32, #tpu.memory_space<hbm>>)
      tpu.yield
    }) : () -> ()
    return
  }
}

module attributes {stable_mosaic.version = 14 : i64} {
  func.func @_h0_body(%arg0: i32, %arg1: memref<1024x128xbf16, #tpu.memory_space<vmem>>, %arg2: memref<128x128xbf16, #tpu.memory_space<vmem>>, %arg3: memref<1024x128xf32, #tpu.memory_space<vmem>>) attributes {dimension_semantics = [#tpu.dimension_semantics<arbitrary>], iteration_bounds = array<i64: 10>, scalar_prefetch = 0 : i64, scratch_operands = 0 : i64, tpu.core_type = #tpu.core_type<tc>, window_params = [{transform_indices = @transform_0, window_bounds = array<i64: 1024, 128>}, {pipeline_mode = #tpu.pipeline_mode<synchronous>, transform_indices = @transform_1, window_bounds = array<i64: 128, 128>}, {transform_indices = @transform_2, window_bounds = array<i64: 1024, 128>}]} {
    %get3A = arith.constant 0 : index
    %get3A_0 = arith.constant 0 : index
    %get3A_1 = vector.load %arg1[%get3A, %get3A_0] : memref<1024x128xbf16, #tpu.memory_space<vmem>>, vector<1024x128xbf16>
    %get3A_2 = arith.constant 0 : index
    %get3A_3 = arith.constant 0 : index
    %get3A_4 = vector.load %arg2[%get3A_2, %get3A_3] : memref<128x128xbf16, #tpu.memory_space<vmem>>, vector<128x128xbf16>
    %dot_general3A = arith.constant dense<0.000000e+00> : vector<1024x128xf32>
    %dot_general3A_5 = tpu.matmul %get3A_1, %get3A_4, %dot_general3A {dimension_numbers = #tpu.dot_dimension_numbers<[1], [0], [0], [1], [0, 0, 1, 1], [], []>, transpose_lhs_hint = false} : vector<1024x128xbf16>, vector<128x128xbf16>, vector<1024x128xf32> -> vector<1024x128xf32>
    %swap3A = arith.constant 0 : index
    %swap3A_6 = arith.constant 0 : index
    %swap3A_7 = vector.load %arg3[%swap3A, %swap3A_6] : memref<1024x128xf32, #tpu.memory_space<vmem>>, vector<1024x128xf32>
    tpu.vector_store %arg3[%swap3A, %swap3A_6], %dot_general3A_5 {strides = array<i32>} : memref<1024x128xf32, #tpu.memory_space<vmem>>, vector<1024x128xf32>,
    return
  }
  func.func @transform_0(%arg0: i32) -> (i32, i32) {
    %c0_i32 = arith.constant 0 : i32
    %c0_i32_0 = arith.constant 0 : i32
    return %arg0, %c0_i32 : i32, i32
  }
  func.func @transform_1(%arg0: i32) -> (i32, i32) {
    %c0_i32 = arith.constant 0 : i32
    %c0_i32_0 = arith.constant 0 : i32
    %c0_i32_1 = arith.constant 0 : i32
    return %c0_i32, %c0_i32_0 : i32, i32
  }
  func.func @transform_2(%arg0: i32) -> (i32, i32) {
    %c0_i32 = arith.constant 0 : i32
    %c0_i32_0 = arith.constant 0 : i32
    return %arg0, %c0_i32 : i32, i32
  }
}

module attributes {stable_mosaic.version = 14 : i64} {
  func.func @_final_body(%arg0: memref<10240x16xbf16, #tpu.memory_space<vmem>>, %arg1: memref<16x32xbf16, #tpu.memory_space<vmem>>, %arg2: memref<32x512xbf16, #tpu.memory_space<vmem>>, %arg3: memref<10240x16xf32, #tpu.memory_space<vmem>>, %arg4: memref<512x2048xbf16, #tpu.memory_space<vmem>>, %arg5: memref<512x2048xbf16, #tpu.memory_space<vmem>>, %arg6: memref<512x2048xbf16, #tpu.memory_space<vmem>>, %arg7: memref<1x2048xf32, #tpu.memory_space<vmem>>, %arg8: memref<512x128xbf16, #tpu.memory_space<vmem>>, %arg9: memref<512x128xbf16, #tpu.memory_space<vmem>>, %arg10: memref<1x128xf32, #tpu.memory_space<vmem>>, %arg11: memref<16x128xf32, #tpu.memory_space<vmem>>, %arg12: memref<8x32xf32, #tpu.memory_space<vmem>>, %arg13: memref<10240x512xf32, #tpu.memory_space<vmem>>, %arg14: memref<10240x32xf32, #tpu.memory_space<vmem>>, %arg15: memref<10240x16xf32, #tpu.memory_space<vmem>>) attributes {dimension_semantics = [], scalar_prefetch = 0 : i64, scratch_operands = 3 : i64, tpu.core_type = #tpu.core_type<tc>} {
    %broadcast_in_dim3A = arith.constant 0.000000e+00 : f32
    %broadcast_in_dim3A_0 = vector.broadcast %broadcast_in_dim3A : f32 to vector<1x32xf32>
    %scan3A = arith.constant 0 : i32
    %scan3A_1 = arith.constant 10 : i32
    %scan3A_2 = arith.addi %scan3A, %scan3A_1 : i32
    %scan3A_3 = arith.constant 1 : i32
    %scan3A_4 = scf.for %scan3A_786 = %scan3A to %scan3A_2 step %scan3A_3 iter_args(%scan3A_787 = %broadcast_in_dim3A_0) -> (vector<1x32xf32>)  : i32 {
      %mul3A_788 = arith.constant 1024 : i32
      %mul3A_789 = arith.muli %scan3A_786, %mul3A_788 : i32
      %get3A_790 = arith.index_cast %mul3A_789 : i32 to index
      %get3A_791 = arith.constant 0 : index
      %get3A_792 = vector.load %arg0[%get3A_790, %get3A_791] : memref<10240x16xbf16, #tpu.memory_space<vmem>>, vector<1024x16xbf16>
      %get3A_793 = arith.constant 0 : index
      %get3A_794 = arith.constant 0 : index
      %get3A_795 = vector.load %arg1[%get3A_793, %get3A_794] : memref<16x32xbf16, #tpu.memory_space<vmem>>, vector<16x32xbf16>
      %dot_general3A_796 = arith.constant dense<0.000000e+00> : vector<1024x32xf32>
      %dot_general3A_797 = tpu.matmul %get3A_792, %get3A_795, %dot_general3A_796 {dimension_numbers = #tpu.dot_dimension_numbers<[1], [0], [0], [1], [0, 0, 1, 1], [], []>, transpose_lhs_hint = false} : vector<1024x16xbf16>, vector<16x32xbf16>, vector<1024x32xf32> -> vector<1024x32xf32>
      %custom_jvp_call3A = arith.constant 0.000000e+00 : f32
      %max3A = vector.broadcast %custom_jvp_call3A : f32 to vector<1024x32xf32>
      %max3A_798 = arith.maximumf %dot_general3A_797, %max3A : vector<1024x32xf32>
      %sub3A = vector.broadcast %custom_jvp_call3A : f32 to vector<1024x32xf32>
      %sub3A_799 = arith.subf %dot_general3A_797, %sub3A : vector<1024x32xf32>
      %ne3A = arith.cmpf one, %sub3A_799, %sub3A_799 : vector<1024x32xf32>
      %add3A_800 = vector.broadcast %custom_jvp_call3A : f32 to vector<1024x32xf32>
      %add3A_801 = arith.addf %dot_general3A_797, %add3A_800 : vector<1024x32xf32>
      %abs3A = math.absf %sub3A_799 : vector<1024x32xf32>
      %neg3A = arith.constant 0.000000e+00 : f32
      %neg3A_802 = vector.broadcast %neg3A : f32 to vector<1024x32xf32>
      %neg3A_803 = arith.subf %neg3A_802, %abs3A : vector<1024x32xf32>
      %exp3A = math.exp %neg3A_803 : vector<1024x32xf32>
      %log1p3A = math.log1p %exp3A : vector<1024x32xf32>
      %add3A_804 = arith.addf %max3A_798, %log1p3A : vector<1024x32xf32>
      %select_n3A_805 = arith.select %ne3A, %add3A_801, %add3A_804 : vector<1024x32xi1>, vector<1024x32xf32>
      %iota3A = tpu.iota {dimensions = array<i32: 0>} : vector<1024x1xi32>
      %mul3A_806 = arith.constant 1024 : i32
      %mul3A_807 = arith.muli %scan3A_786, %mul3A_806 : i32
      %add3A_808 = vector.broadcast %mul3A_807 : i32 to vector<1024x1xi32>
      %add3A_809 = arith.addi %iota3A, %add3A_808 : vector<1024x1xi32>
      %lt3A = arith.constant 10000 : i32
      %lt3A_810 = vector.broadcast %lt3A : i32 to vector<1024x1xi32>
      %lt3A_811 = arith.cmpi slt, %add3A_809, %lt3A_810 : vector<1024x1xi32>
      %convert_element_type3A_812 = arith.extui %lt3A_811 : vector<1024x1xi1> to vector<1024x1xi32>
      %convert_element_type3A_813 = arith.sitofp %convert_element_type3A_812 : vector<1024x1xi32> to vector<1024x1xf32>
      %mul3A_814 = vector.broadcast %convert_element_type3A_813 : vector<1024x1xf32> to vector<1024x32xf32>
      %mul3A_815 = arith.mulf %select_n3A_805, %mul3A_814 : vector<1024x32xf32>
      %mul3A_816 = arith.constant 1024 : i32
      %mul3A_817 = arith.muli %scan3A_786, %mul3A_816 : i32
      %swap3A_818 = arith.index_cast %mul3A_817 : i32 to index
      %swap3A_819 = arith.constant 0 : index
      %swap3A_820 = vector.load %arg14[%swap3A_818, %swap3A_819] : memref<10240x32xf32, #tpu.memory_space<vmem>>, vector<1024x32xf32>
      tpu.vector_store %arg14[%swap3A_818, %swap3A_819], %mul3A_815 {strides = array<i32>} : memref<10240x32xf32, #tpu.memory_space<vmem>>, vector<1024x32xf32>,
      %reduce_sum3A_821 = arith.constant dense<0.000000e+00> : vector<32xf32>
      %reduce_sum3A_822 = vector.multi_reduction <add>, %mul3A_815, %reduce_sum3A_821 [0] : vector<1024x32xf32> to vector<32xf32>
      %broadcast_in_dim3A_823 = vector.shape_cast %reduce_sum3A_822 : vector<32xf32> to vector<1x32xf32>
      %add3A_824 = arith.addf %scan3A_787, %broadcast_in_dim3A_823 : vector<1x32xf32>
      scf.yield %add3A_824 : vector<1x32xf32>
    }
    %scan3A_5 = arith.constant 10 : i32
    %mul3A = arith.constant 9.99999974E-5 : f32
    %mul3A_6 = vector.broadcast %mul3A : f32 to vector<1x32xf32>
    %mul3A_7 = arith.mulf %scan3A_4, %mul3A_6 : vector<1x32xf32>
    %broadcast_in_dim3A_8 = arith.constant 0.000000e+00 : f32
    %broadcast_in_dim3A_9 = vector.broadcast %broadcast_in_dim3A_8 : f32 to vector<1x32xf32>
    %scan3A_10 = arith.constant 0 : i32
    %scan3A_11 = arith.constant 10 : i32
    %scan3A_12 = arith.addi %scan3A_10, %scan3A_11 : i32
    %scan3A_13 = arith.constant 1 : i32
    %scan3A_14 = scf.for %scan3A_786 = %scan3A_10 to %scan3A_12 step %scan3A_13 iter_args(%scan3A_787 = %broadcast_in_dim3A_9) -> (vector<1x32xf32>)  : i32 {
      %mul3A_788 = arith.constant 1024 : i32
      %mul3A_789 = arith.muli %scan3A_786, %mul3A_788 : i32
      %get3A_790 = arith.index_cast %mul3A_789 : i32 to index
      %get3A_791 = arith.constant 0 : index
      %get3A_792 = vector.load %arg14[%get3A_790, %get3A_791] : memref<10240x32xf32, #tpu.memory_space<vmem>>, vector<1024x32xf32>
      %sub3A = vector.broadcast %mul3A_7 : vector<1x32xf32> to vector<1024x32xf32>
      %sub3A_793 = arith.subf %get3A_792, %sub3A : vector<1024x32xf32>
      %iota3A = tpu.iota {dimensions = array<i32: 0>} : vector<1024x1xi32>
      %mul3A_794 = arith.constant 1024 : i32
      %mul3A_795 = arith.muli %scan3A_786, %mul3A_794 : i32
      %add3A_796 = vector.broadcast %mul3A_795 : i32 to vector<1024x1xi32>
      %add3A_797 = arith.addi %iota3A, %add3A_796 : vector<1024x1xi32>
      %lt3A = arith.constant 10000 : i32
      %lt3A_798 = vector.broadcast %lt3A : i32 to vector<1024x1xi32>
      %lt3A_799 = arith.cmpi slt, %add3A_797, %lt3A_798 : vector<1024x1xi32>
      %convert_element_type3A_800 = arith.extui %lt3A_799 : vector<1024x1xi1> to vector<1024x1xi32>
      %convert_element_type3A_801 = arith.sitofp %convert_element_type3A_800 : vector<1024x1xi32> to vector<1024x1xf32>
      %mul3A_802 = vector.broadcast %convert_element_type3A_801 : vector<1024x1xf32> to vector<1024x32xf32>
      %mul3A_803 = arith.mulf %sub3A_793, %mul3A_802 : vector<1024x32xf32>
      %mul3A_804 = arith.mulf %mul3A_803, %mul3A_803 : vector<1024x32xf32>
      %reduce_sum3A_805 = arith.constant dense<0.000000e+00> : vector<32xf32>
      %reduce_sum3A_806 = vector.multi_reduction <add>, %mul3A_804, %reduce_sum3A_805 [0] : vector<1024x32xf32> to vector<32xf32>
      %broadcast_in_dim3A_807 = vector.shape_cast %reduce_sum3A_806 : vector<32xf32> to vector<1x32xf32>
      %add3A_808 = arith.addf %scan3A_787, %broadcast_in_dim3A_807 : vector<1x32xf32>
      scf.yield %add3A_808 : vector<1x32xf32>
    }
    %scan3A_15 = arith.constant 10 : i32
    %mul3A_16 = arith.constant 9.99999974E-5 : f32
    %mul3A_17 = vector.broadcast %mul3A_16 : f32 to vector<1x32xf32>
    %mul3A_18 = arith.mulf %scan3A_14, %mul3A_17 : vector<1x32xf32>
    %add3A = arith.constant 9.99999974E-6 : f32
    %add3A_19 = vector.broadcast %add3A : f32 to vector<1x32xf32>
    %add3A_20 = arith.addf %mul3A_18, %add3A_19 : vector<1x32xf32>
    %rsqrt3A = math.rsqrt %add3A_20 : vector<1x32xf32>
    %broadcast_in_dim3A_21 = arith.constant 0.000000e+00 : f32
    %broadcast_in_dim3A_22 = vector.broadcast %broadcast_in_dim3A_21 : f32 to vector<16x32xf32>
    %broadcast_in_dim3A_23 = arith.constant 0.000000e+00 : f32
    %broadcast_in_dim3A_24 = vector.broadcast %broadcast_in_dim3A_23 : f32 to vector<16x1xf32>
    %scan3A_25 = arith.constant 0 : i32
    %scan3A_26 = arith.constant 10 : i32
    %scan3A_27 = arith.addi %scan3A_25, %scan3A_26 : i32
    %scan3A_28 = arith.constant 1 : i32
    %scan3A_29:2 = scf.for %scan3A_786 = %scan3A_25 to %scan3A_27 step %scan3A_28 iter_args(%scan3A_787 = %broadcast_in_dim3A_22, %scan3A_788 = %broadcast_in_dim3A_24) -> (vector<16x32xf32>, vector<16x1xf32>)  : i32 {
      %mul3A_789 = arith.constant 1024 : i32
      %mul3A_790 = arith.muli %scan3A_786, %mul3A_789 : i32
      %get3A_791 = arith.index_cast %mul3A_790 : i32 to index
      %get3A_792 = arith.constant 0 : index
      %get3A_793 = vector.load %arg14[%get3A_791, %get3A_792] : memref<10240x32xf32, #tpu.memory_space<vmem>>, vector<1024x32xf32>
      %sub3A = vector.broadcast %mul3A_7 : vector<1x32xf32> to vector<1024x32xf32>
      %sub3A_794 = arith.subf %get3A_793, %sub3A : vector<1024x32xf32>
      %mul3A_795 = vector.broadcast %rsqrt3A : vector<1x32xf32> to vector<1024x32xf32>
      %mul3A_796 = arith.mulf %sub3A_794, %mul3A_795 : vector<1024x32xf32>
      %convert_element_type3A_797 = arith.truncf %mul3A_796 : vector<1024x32xf32> to vector<1024x32xbf16>
      %get3A_798 = arith.constant 0 : index
      %get3A_799 = arith.constant 0 : index
      %get3A_800 = vector.load %arg2[%get3A_798, %get3A_799] : memref<32x512xbf16, #tpu.memory_space<vmem>>, vector<32x512xbf16>
      %dot_general3A_801 = arith.constant dense<0.000000e+00> : vector<1024x512xf32>
      %dot_general3A_802 = tpu.matmul %convert_element_type3A_797, %get3A_800, %dot_general3A_801 {dimension_numbers = #tpu.dot_dimension_numbers<[1], [0], [0], [1], [0, 0, 1, 1], [], []>, transpose_lhs_hint = false} : vector<1024x32xbf16>, vector<32x512xbf16>, vector<1024x512xf32> -> vector<1024x512xf32>
      %tanh3A_803 = math.tanh %dot_general3A_802 : vector<1024x512xf32>
      %mul3A_804 = arith.constant 1024 : i32
      %mul3A_805 = arith.muli %scan3A_786, %mul3A_804 : i32
      %swap3A_806 = arith.index_cast %mul3A_805 : i32 to index
      %swap3A_807 = arith.constant 0 : index
      %swap3A_808 = vector.load %arg13[%swap3A_806, %swap3A_807] : memref<10240x512xf32, #tpu.memory_space<vmem>>, vector<1024x512xf32>
      tpu.vector_store %arg13[%swap3A_806, %swap3A_807], %tanh3A_803 {strides = array<i32>} : memref<10240x512xf32, #tpu.memory_space<vmem>>, vector<1024x512xf32>,
      %mul3A_809 = arith.constant 1024 : i32
      %mul3A_810 = arith.muli %scan3A_786, %mul3A_809 : i32
      %get3A_811 = arith.index_cast %mul3A_810 : i32 to index
      %get3A_812 = arith.constant 0 : index
      %get3A_813 = vector.load %arg3[%get3A_811, %get3A_812] : memref<10240x16xf32, #tpu.memory_space<vmem>>, vector<1024x16xf32>
      %dot_general3A_814 = arith.constant dense<0.000000e+00> : vector<16x32xf32>
      %dot_general3A_815 = tpu.matmul %get3A_813, %get3A_793, %dot_general3A_814 {dimension_numbers = #tpu.dot_dimension_numbers<[0], [0], [1], [1], [0, 1, 1, 1], [], []>, transpose_lhs_hint = false} : vector<1024x16xf32>, vector<1024x32xf32>, vector<16x32xf32> -> vector<16x32xf32>
      %add3A_816 = arith.addf %scan3A_787, %dot_general3A_815 : vector<16x32xf32>
      %iota3A = tpu.iota {dimensions = array<i32: 0>} : vector<1024x1xi32>
      %mul3A_817 = arith.constant 1024 : i32
      %mul3A_818 = arith.muli %scan3A_786, %mul3A_817 : i32
      %add3A_819 = vector.broadcast %mul3A_818 : i32 to vector<1024x1xi32>
      %add3A_820 = arith.addi %iota3A, %add3A_819 : vector<1024x1xi32>
      %lt3A = arith.constant 10000 : i32
      %lt3A_821 = vector.broadcast %lt3A : i32 to vector<1024x1xi32>
      %lt3A_822 = arith.cmpi slt, %add3A_820, %lt3A_821 : vector<1024x1xi32>
      %convert_element_type3A_823 = arith.extui %lt3A_822 : vector<1024x1xi1> to vector<1024x1xi32>
      %convert_element_type3A_824 = arith.sitofp %convert_element_type3A_823 : vector<1024x1xi32> to vector<1024x1xf32>
      %dot_general3A_825 = arith.constant dense<0.000000e+00> : vector<16x1xf32>
      %dot_general3A_826 = tpu.matmul %get3A_813, %convert_element_type3A_824, %dot_general3A_825 {dimension_numbers = #tpu.dot_dimension_numbers<[0], [0], [1], [1], [0, 1, 1, 1], [], []>, transpose_lhs_hint = false} : vector<1024x16xf32>, vector<1024x1xf32>, vector<16x1xf32> -> vector<16x1xf32>
      %add3A_827 = arith.addf %scan3A_788, %dot_general3A_826 : vector<16x1xf32>
      scf.yield %add3A_816, %add3A_827 : vector<16x32xf32>, vector<16x1xf32>
    }
    %scan3A_30 = arith.constant 10 : i32
    %div3A = vector.broadcast %scan3A_29#1 : vector<16x1xf32> to vector<16x32xf32>
    %div3A_31 = arith.divf %scan3A_29#0, %div3A : vector<16x32xf32>
    %reduce_sum3A = arith.constant dense<0.000000e+00> : vector<32xf32>
    %reduce_sum3A_32 = vector.multi_reduction <add>, %div3A_31, %reduce_sum3A [0] : vector<16x32xf32> to vector<32xf32>
    %broadcast_in_dim3A_33 = vector.shape_cast %reduce_sum3A_32 : vector<32xf32> to vector<1x32xf32>
    %mul3A_34 = arith.constant 6.250000e-02 : f32
    %mul3A_35 = vector.broadcast %mul3A_34 : f32 to vector<1x32xf32>
    %mul3A_36 = arith.mulf %broadcast_in_dim3A_33, %mul3A_35 : vector<1x32xf32>
    %broadcast_in_dim3A_37 = vector.shape_cast %mul3A_36 : vector<1x32xf32> to vector<1x32xf32>
    %broadcast_in_dim3A_38 = vector.broadcast %broadcast_in_dim3A_37 : vector<1x32xf32> to vector<8x32xf32>
    %swap3A = arith.constant 0 : index
    %swap3A_39 = arith.constant 0 : index
    %swap3A_40 = vector.load %arg12[%swap3A, %swap3A_39] : memref<8x32xf32, #tpu.memory_space<vmem>>, vector<8x32xf32>
    tpu.vector_store %arg12[%swap3A, %swap3A_39], %broadcast_in_dim3A_38 {strides = array<i32>} : memref<8x32xf32, #tpu.memory_space<vmem>>, vector<8x32xf32>,
    %broadcast_in_dim3A_41 = arith.constant 0.000000e+00 : f32
    %broadcast_in_dim3A_42 = vector.broadcast %broadcast_in_dim3A_41 : f32 to vector<16x512xf32>
    %broadcast_in_dim3A_43 = arith.constant 0.000000e+00 : f32
    %broadcast_in_dim3A_44 = vector.broadcast %broadcast_in_dim3A_43 : f32 to vector<16x512xf32>
    %broadcast_in_dim3A_45 = arith.constant 0.000000e+00 : f32
    %broadcast_in_dim3A_46 = vector.broadcast %broadcast_in_dim3A_45 : f32 to vector<16x512xf32>
    %convert_element_type3A = arith.truncf %broadcast_in_dim3A_42 : vector<16x512xf32> to vector<16x512xbf16>
    %convert_element_type3A_47 = arith.truncf %broadcast_in_dim3A_46 : vector<16x512xf32> to vector<16x512xbf16>
    %get3A = arith.constant 0 : index
    %get3A_48 = arith.constant 0 : index
    %get3A_49 = vector.load %arg4[%get3A, %get3A_48] : memref<512x2048xbf16, #tpu.memory_space<vmem>>, vector<512x2048xbf16>
    %dot_general3A = arith.constant dense<0.000000e+00> : vector<16x2048xf32>
    %dot_general3A_50 = tpu.matmul %convert_element_type3A, %get3A_49, %dot_general3A {dimension_numbers = #tpu.dot_dimension_numbers<[1], [0], [0], [1], [0, 0, 1, 1], [], []>, transpose_lhs_hint = false} : vector<16x512xbf16>, vector<512x2048xbf16>, vector<16x2048xf32> -> vector<16x2048xf32>
    %get3A_51 = arith.constant 0 : index
    %get3A_52 = arith.constant 0 : index
    %get3A_53 = vector.load %arg5[%get3A_51, %get3A_52] : memref<512x2048xbf16, #tpu.memory_space<vmem>>, vector<512x2048xbf16>
    %dot_general3A_54 = arith.constant dense<0.000000e+00> : vector<16x2048xf32>
    %dot_general3A_55 = tpu.matmul %convert_element_type3A_47, %get3A_53, %dot_general3A_54 {dimension_numbers = #tpu.dot_dimension_numbers<[1], [0], [0], [1], [0, 0, 1, 1], [], []>, transpose_lhs_hint = false} : vector<16x512xbf16>, vector<512x2048xbf16>, vector<16x2048xf32> -> vector<16x2048xf32>
    %add3A_56 = arith.addf %dot_general3A_50, %dot_general3A_55 : vector<16x2048xf32>
    %get3A_57 = arith.constant 0 : index
    %get3A_58 = arith.constant 0 : index
    %get3A_59 = vector.load %arg6[%get3A_57, %get3A_58] : memref<512x2048xbf16, #tpu.memory_space<vmem>>, vector<512x2048xbf16>
    %dot_general3A_60 = arith.constant dense<0.000000e+00> : vector<16x2048xf32>
    %dot_general3A_61 = tpu.matmul %convert_element_type3A, %get3A_59, %dot_general3A_60 {dimension_numbers = #tpu.dot_dimension_numbers<[1], [0], [0], [1], [0, 0, 1, 1], [], []>, transpose_lhs_hint = false} : vector<16x512xbf16>, vector<512x2048xbf16>, vector<16x2048xf32> -> vector<16x2048xf32>
    %add3A_62 = arith.addf %add3A_56, %dot_general3A_61 : vector<16x2048xf32>
    %get3A_63 = arith.constant 0 : index
    %get3A_64 = arith.constant 0 : index
    %get3A_65 = vector.load %arg7[%get3A_63, %get3A_64] : memref<1x2048xf32, #tpu.memory_space<vmem>>, vector<1x2048xf32>
    %add3A_66 = vector.broadcast %get3A_65 : vector<1x2048xf32> to vector<16x2048xf32>
    %add3A_67 = arith.addf %add3A_62, %add3A_66 : vector<16x2048xf32>
    %slice3A = vector.extract_strided_slice %add3A_67 {offsets = [0, 0], sizes = [16, 512], strides = [1, 1]} : vector<16x2048xf32> to vector<16x512xf32>
    %slice3A_68 = vector.extract_strided_slice %add3A_67 {offsets = [0, 512], sizes = [16, 512], strides = [1, 1]} : vector<16x2048xf32> to vector<16x512xf32>
    %slice3A_69 = vector.extract_strided_slice %add3A_67 {offsets = [0, 1024], sizes = [16, 512], strides = [1, 1]} : vector<16x2048xf32> to vector<16x512xf32>
    %slice3A_70 = vector.extract_strided_slice %add3A_67 {offsets = [0, 1536], sizes = [16, 512], strides = [1, 1]} : vector<16x2048xf32> to vector<16x512xf32>
    %logistic3A = arith.negf %slice3A_68 : vector<16x512xf32>
    %logistic3A_71 = math.exp %logistic3A : vector<16x512xf32>
    %logistic3A_72 = arith.constant 1.000000e+00 : f32
    %logistic3A_73 = vector.broadcast %logistic3A_72 : f32 to vector<16x512xf32>
    %logistic3A_74 = arith.addf %logistic3A_73, %logistic3A_71 : vector<16x512xf32>
    %logistic3A_75 = arith.divf %logistic3A_73, %logistic3A_74 : vector<16x512xf32>
    %mul3A_76 = arith.mulf %logistic3A_75, %broadcast_in_dim3A_44 : vector<16x512xf32>
    %logistic3A_77 = arith.negf %slice3A : vector<16x512xf32>
    %logistic3A_78 = math.exp %logistic3A_77 : vector<16x512xf32>
    %logistic3A_79 = arith.constant 1.000000e+00 : f32
    %logistic3A_80 = vector.broadcast %logistic3A_79 : f32 to vector<16x512xf32>
    %logistic3A_81 = arith.addf %logistic3A_80, %logistic3A_78 : vector<16x512xf32>
    %logistic3A_82 = arith.divf %logistic3A_80, %logistic3A_81 : vector<16x512xf32>
    %tanh3A = math.tanh %slice3A_69 : vector<16x512xf32>
    %mul3A_83 = arith.mulf %logistic3A_82, %tanh3A : vector<16x512xf32>
    %add3A_84 = arith.addf %mul3A_76, %mul3A_83 : vector<16x512xf32>
    %logistic3A_85 = arith.negf %slice3A_70 : vector<16x512xf32>
    %logistic3A_86 = math.exp %logistic3A_85 : vector<16x512xf32>
    %logistic3A_87 = arith.constant 1.000000e+00 : f32
    %logistic3A_88 = vector.broadcast %logistic3A_87 : f32 to vector<16x512xf32>
    %logistic3A_89 = arith.addf %logistic3A_88, %logistic3A_86 : vector<16x512xf32>
    %logistic3A_90 = arith.divf %logistic3A_88, %logistic3A_89 : vector<16x512xf32>
    %tanh3A_91 = math.tanh %add3A_84 : vector<16x512xf32>
    %mul3A_92 = arith.mulf %logistic3A_90, %tanh3A_91 : vector<16x512xf32>
    %broadcast_in_dim3A_93 = arith.constant 0xFF800000 : f32
    %broadcast_in_dim3A_94 = vector.broadcast %broadcast_in_dim3A_93 : f32 to vector<1x16xf32>
    %scan3A_95 = arith.constant 0 : i32
    %scan3A_96 = arith.constant 10 : i32
    %scan3A_97 = arith.addi %scan3A_95, %scan3A_96 : i32
    %scan3A_98 = arith.constant 1 : i32
    %scan3A_99 = scf.for %scan3A_786 = %scan3A_95 to %scan3A_97 step %scan3A_98 iter_args(%scan3A_787 = %broadcast_in_dim3A_94) -> (vector<1x16xf32>)  : i32 {
      %mul3A_788 = arith.constant 1024 : i32
      %mul3A_789 = arith.muli %scan3A_786, %mul3A_788 : i32
      %get3A_790 = arith.index_cast %mul3A_789 : i32 to index
      %get3A_791 = arith.constant 0 : index
      %get3A_792 = vector.load %arg13[%get3A_790, %get3A_791] : memref<10240x512xf32, #tpu.memory_space<vmem>>, vector<1024x512xf32>
      %dot_general3A_793 = arith.constant dense<0.000000e+00> : vector<1024x16xf32>
      %dot_general3A_794 = tpu.matmul %get3A_792, %mul3A_92, %dot_general3A_793 {dimension_numbers = #tpu.dot_dimension_numbers<[1], [1], [0], [0], [0, 0, 1, 0], [], []>, transpose_lhs_hint = false} : vector<1024x512xf32>, vector<16x512xf32>, vector<1024x16xf32> -> vector<1024x16xf32>
      %mul3A_795 = arith.constant 1024 : i32
      %mul3A_796 = arith.muli %scan3A_786, %mul3A_795 : i32
      %swap3A_797 = arith.index_cast %mul3A_796 : i32 to index
      %swap3A_798 = arith.constant 0 : index
      %swap3A_799 = vector.load %arg15[%swap3A_797, %swap3A_798] : memref<10240x16xf32, #tpu.memory_space<vmem>>, vector<1024x16xf32>
      tpu.vector_store %arg15[%swap3A_797, %swap3A_798], %dot_general3A_794 {strides = array<i32>} : memref<10240x16xf32, #tpu.memory_space<vmem>>, vector<1024x16xf32>,
      %mul3A_800 = arith.constant 1024 : i32
      %mul3A_801 = arith.muli %scan3A_786, %mul3A_800 : i32
      %get3A_802 = arith.index_cast %mul3A_801 : i32 to index
      %get3A_803 = arith.constant 0 : index
      %get3A_804 = vector.load %arg3[%get3A_802, %get3A_803] : memref<10240x16xf32, #tpu.memory_space<vmem>>, vector<1024x16xf32>
      %gt3A_805 = arith.constant 0.000000e+00 : f32
      %gt3A_806 = vector.broadcast %gt3A_805 : f32 to vector<1024x16xf32>
      %gt3A_807 = arith.cmpf ogt, %get3A_804, %gt3A_806 : vector<1024x16xf32>
      %jit3A_808 = arith.constant 0xFF800000 : f32
      %broadcast_in_dim3A_809 = vector.broadcast %jit3A_808 : f32 to vector<1024x16xf32>
      %select_n3A_810 = arith.select %gt3A_807, %dot_general3A_794, %broadcast_in_dim3A_809 : vector<1024x16xi1>, vector<1024x16xf32>
      %reduce_max3A = arith.constant dense<0xFF800000> : vector<16xf32>
      %reduce_max3A_811 = vector.multi_reduction <maximumf>, %select_n3A_810, %reduce_max3A [0] : vector<1024x16xf32> to vector<16xf32>
      %broadcast_in_dim3A_812 = vector.shape_cast %reduce_max3A_811 : vector<16xf32> to vector<1x16xf32>
      %max3A = arith.maximumf %scan3A_787, %broadcast_in_dim3A_812 : vector<1x16xf32>
      scf.yield %max3A : vector<1x16xf32>
    }
    %scan3A_100 = arith.constant 10 : i32
    %is_finite3A = tpu.weird %scan3A_99 : vector<1x16xf32> -> vector<1x16xi1>
    %is_finite3A_101 = arith.constant dense<true> : vector<1x16xi1>
    %is_finite3A_102 = arith.xori %is_finite3A, %is_finite3A_101 : vector<1x16xi1>
    %jit3A = arith.constant 0.000000e+00 : f32
    %broadcast_in_dim3A_103 = vector.broadcast %jit3A : f32 to vector<1x16xf32>
    %select_n3A = arith.select %is_finite3A_102, %scan3A_99, %broadcast_in_dim3A_103 : vector<1x16xi1>, vector<1x16xf32>
    %broadcast_in_dim3A_104 = arith.constant 0.000000e+00 : f32
    %broadcast_in_dim3A_105 = vector.broadcast %broadcast_in_dim3A_104 : f32 to vector<1x16xf32>
    %scan3A_106 = arith.constant 0 : i32
    %scan3A_107 = arith.constant 10 : i32
    %scan3A_108 = arith.addi %scan3A_106, %scan3A_107 : i32
    %scan3A_109 = arith.constant 1 : i32
    %scan3A_110 = scf.for %scan3A_786 = %scan3A_106 to %scan3A_108 step %scan3A_109 iter_args(%scan3A_787 = %broadcast_in_dim3A_105) -> (vector<1x16xf32>)  : i32 {
      %mul3A_788 = arith.constant 1024 : i32
      %mul3A_789 = arith.muli %scan3A_786, %mul3A_788 : i32
      %get3A_790 = arith.index_cast %mul3A_789 : i32 to index
      %get3A_791 = arith.constant 0 : index
      %get3A_792 = vector.load %arg3[%get3A_790, %get3A_791] : memref<10240x16xf32, #tpu.memory_space<vmem>>, vector<1024x16xf32>
      %mul3A_793 = arith.constant 1024 : i32
      %mul3A_794 = arith.muli %scan3A_786, %mul3A_793 : i32
      %get3A_795 = arith.index_cast %mul3A_794 : i32 to index
      %get3A_796 = arith.constant 0 : index
      %get3A_797 = vector.load %arg15[%get3A_795, %get3A_796] : memref<10240x16xf32, #tpu.memory_space<vmem>>, vector<1024x16xf32>
      %sub3A = vector.broadcast %select_n3A : vector<1x16xf32> to vector<1024x16xf32>
      %sub3A_798 = arith.subf %get3A_797, %sub3A : vector<1024x16xf32>
      %exp3A = math.exp %sub3A_798 : vector<1024x16xf32>
      %mul3A_799 = arith.mulf %get3A_792, %exp3A : vector<1024x16xf32>
      %mul3A_800 = arith.constant 1024 : i32
      %mul3A_801 = arith.muli %scan3A_786, %mul3A_800 : i32
      %swap3A_802 = arith.index_cast %mul3A_801 : i32 to index
      %swap3A_803 = arith.constant 0 : index
      %swap3A_804 = vector.load %arg15[%swap3A_802, %swap3A_803] : memref<10240x16xf32, #tpu.memory_space<vmem>>, vector<1024x16xf32>
      tpu.vector_store %arg15[%swap3A_802, %swap3A_803], %mul3A_799 {strides = array<i32>} : memref<10240x16xf32, #tpu.memory_space<vmem>>, vector<1024x16xf32>,
      %reduce_sum3A_805 = arith.constant dense<0.000000e+00> : vector<16xf32>
      %reduce_sum3A_806 = vector.multi_reduction <add>, %mul3A_799, %reduce_sum3A_805 [0] : vector<1024x16xf32> to vector<16xf32>
      %broadcast_in_dim3A_807 = vector.shape_cast %reduce_sum3A_806 : vector<16xf32> to vector<1x16xf32>
      %add3A_808 = arith.addf %scan3A_787, %broadcast_in_dim3A_807 : vector<1x16xf32>
      scf.yield %add3A_808 : vector<1x16xf32>
    }
    %scan3A_111 = arith.constant 10 : i32
    %gt3A = arith.constant 0.000000e+00 : f32
    %gt3A_112 = vector.broadcast %gt3A : f32 to vector<1x16xf32>
    %gt3A_113 = arith.cmpf ogt, %scan3A_110, %gt3A_112 : vector<1x16xf32>
    %jit3A_114 = arith.constant 1.000000e+00 : f32
    %broadcast_in_dim3A_115 = vector.broadcast %jit3A_114 : f32 to vector<1x16xf32>
    %select_n3A_116 = arith.select %gt3A_113, %scan3A_110, %broadcast_in_dim3A_115 : vector<1x16xi1>, vector<1x16xf32>
    %div3A_117 = arith.constant 1.000000e+00 : f32
    %div3A_118 = vector.broadcast %div3A_117 : f32 to vector<1x16xf32>
    %div3A_119 = arith.divf %div3A_118, %select_n3A_116 : vector<1x16xf32>
    %broadcast_in_dim3A_120 = arith.constant 0.000000e+00 : f32
    %broadcast_in_dim3A_121 = vector.broadcast %broadcast_in_dim3A_120 : f32 to vector<16x512xf32>
    %scan3A_122 = arith.constant 0 : i32
    %scan3A_123 = arith.constant 10 : i32
    %scan3A_124 = arith.addi %scan3A_122, %scan3A_123 : i32
    %scan3A_125 = arith.constant 1 : i32
    %scan3A_126 = scf.for %scan3A_786 = %scan3A_122 to %scan3A_124 step %scan3A_125 iter_args(%scan3A_787 = %broadcast_in_dim3A_121) -> (vector<16x512xf32>)  : i32 {
      %mul3A_788 = arith.constant 1024 : i32
      %mul3A_789 = arith.muli %scan3A_786, %mul3A_788 : i32
      %get3A_790 = arith.index_cast %mul3A_789 : i32 to index
      %get3A_791 = arith.constant 0 : index
      %get3A_792 = vector.load %arg15[%get3A_790, %get3A_791] : memref<10240x16xf32, #tpu.memory_space<vmem>>, vector<1024x16xf32>
      %mul3A_793 = vector.broadcast %div3A_119 : vector<1x16xf32> to vector<1024x16xf32>
      %mul3A_794 = arith.mulf %get3A_792, %mul3A_793 : vector<1024x16xf32>
      %mul3A_795 = arith.constant 1024 : i32
      %mul3A_796 = arith.muli %scan3A_786, %mul3A_795 : i32
      %get3A_797 = arith.index_cast %mul3A_796 : i32 to index
      %get3A_798 = arith.constant 0 : index
      %get3A_799 = vector.load %arg13[%get3A_797, %get3A_798] : memref<10240x512xf32, #tpu.memory_space<vmem>>, vector<1024x512xf32>
      %dot_general3A_800 = arith.constant dense<0.000000e+00> : vector<16x512xf32>
      %dot_general3A_801 = tpu.matmul %mul3A_794, %get3A_799, %dot_general3A_800 {dimension_numbers = #tpu.dot_dimension_numbers<[0], [0], [1], [1], [0, 1, 1, 1], [], []>, transpose_lhs_hint = false} : vector<1024x16xf32>, vector<1024x512xf32>, vector<16x512xf32> -> vector<16x512xf32>
      %add3A_802 = arith.addf %scan3A_787, %dot_general3A_801 : vector<16x512xf32>
      scf.yield %add3A_802 : vector<16x512xf32>
    }
    %scan3A_127 = arith.constant 10 : i32
    %convert_element_type3A_128 = arith.truncf %mul3A_92 : vector<16x512xf32> to vector<16x512xbf16>
    %convert_element_type3A_129 = arith.truncf %scan3A_126 : vector<16x512xf32> to vector<16x512xbf16>
    %get3A_130 = arith.constant 0 : index
    %get3A_131 = arith.constant 0 : index
    %get3A_132 = vector.load %arg4[%get3A_130, %get3A_131] : memref<512x2048xbf16, #tpu.memory_space<vmem>>, vector<512x2048xbf16>
    %dot_general3A_133 = arith.constant dense<0.000000e+00> : vector<16x2048xf32>
    %dot_general3A_134 = tpu.matmul %convert_element_type3A_128, %get3A_132, %dot_general3A_133 {dimension_numbers = #tpu.dot_dimension_numbers<[1], [0], [0], [1], [0, 0, 1, 1], [], []>, transpose_lhs_hint = false} : vector<16x512xbf16>, vector<512x2048xbf16>, vector<16x2048xf32> -> vector<16x2048xf32>
    %get3A_135 = arith.constant 0 : index
    %get3A_136 = arith.constant 0 : index
    %get3A_137 = vector.load %arg5[%get3A_135, %get3A_136] : memref<512x2048xbf16, #tpu.memory_space<vmem>>, vector<512x2048xbf16>
    %dot_general3A_138 = arith.constant dense<0.000000e+00> : vector<16x2048xf32>
    %dot_general3A_139 = tpu.matmul %convert_element_type3A_129, %get3A_137, %dot_general3A_138 {dimension_numbers = #tpu.dot_dimension_numbers<[1], [0], [0], [1], [0, 0, 1, 1], [], []>, transpose_lhs_hint = false} : vector<16x512xbf16>, vector<512x2048xbf16>, vector<16x2048xf32> -> vector<16x2048xf32>
    %add3A_140 = arith.addf %dot_general3A_134, %dot_general3A_139 : vector<16x2048xf32>
    %get3A_141 = arith.constant 0 : index
    %get3A_142 = arith.constant 0 : index
    %get3A_143 = vector.load %arg6[%get3A_141, %get3A_142] : memref<512x2048xbf16, #tpu.memory_space<vmem>>, vector<512x2048xbf16>
    %dot_general3A_144 = arith.constant dense<0.000000e+00> : vector<16x2048xf32>
    %dot_general3A_145 = tpu.matmul %convert_element_type3A_128, %get3A_143, %dot_general3A_144 {dimension_numbers = #tpu.dot_dimension_numbers<[1], [0], [0], [1], [0, 0, 1, 1], [], []>, transpose_lhs_hint = false} : vector<16x512xbf16>, vector<512x2048xbf16>, vector<16x2048xf32> -> vector<16x2048xf32>
    %add3A_146 = arith.addf %add3A_140, %dot_general3A_145 : vector<16x2048xf32>
    %get3A_147 = arith.constant 0 : index
    %get3A_148 = arith.constant 0 : index
    %get3A_149 = vector.load %arg7[%get3A_147, %get3A_148] : memref<1x2048xf32, #tpu.memory_space<vmem>>, vector<1x2048xf32>
    %add3A_150 = vector.broadcast %get3A_149 : vector<1x2048xf32> to vector<16x2048xf32>
    %add3A_151 = arith.addf %add3A_146, %add3A_150 : vector<16x2048xf32>
    %slice3A_152 = vector.extract_strided_slice %add3A_151 {offsets = [0, 0], sizes = [16, 512], strides = [1, 1]} : vector<16x2048xf32> to vector<16x512xf32>
    %slice3A_153 = vector.extract_strided_slice %add3A_151 {offsets = [0, 512], sizes = [16, 512], strides = [1, 1]} : vector<16x2048xf32> to vector<16x512xf32>
    %slice3A_154 = vector.extract_strided_slice %add3A_151 {offsets = [0, 1024], sizes = [16, 512], strides = [1, 1]} : vector<16x2048xf32> to vector<16x512xf32>
    %slice3A_155 = vector.extract_strided_slice %add3A_151 {offsets = [0, 1536], sizes = [16, 512], strides = [1, 1]} : vector<16x2048xf32> to vector<16x512xf32>
    %logistic3A_156 = arith.negf %slice3A_153 : vector<16x512xf32>
    %logistic3A_157 = math.exp %logistic3A_156 : vector<16x512xf32>
    %logistic3A_158 = arith.constant 1.000000e+00 : f32
    %logistic3A_159 = vector.broadcast %logistic3A_158 : f32 to vector<16x512xf32>
    %logistic3A_160 = arith.addf %logistic3A_159, %logistic3A_157 : vector<16x512xf32>
    %logistic3A_161 = arith.divf %logistic3A_159, %logistic3A_160 : vector<16x512xf32>
    %mul3A_162 = arith.mulf %logistic3A_161, %add3A_84 : vector<16x512xf32>
    %logistic3A_163 = arith.negf %slice3A_152 : vector<16x512xf32>
    %logistic3A_164 = math.exp %logistic3A_163 : vector<16x512xf32>
    %logistic3A_165 = arith.constant 1.000000e+00 : f32
    %logistic3A_166 = vector.broadcast %logistic3A_165 : f32 to vector<16x512xf32>
    %logistic3A_167 = arith.addf %logistic3A_166, %logistic3A_164 : vector<16x512xf32>
    %logistic3A_168 = arith.divf %logistic3A_166, %logistic3A_167 : vector<16x512xf32>
    %tanh3A_169 = math.tanh %slice3A_154 : vector<16x512xf32>
    %mul3A_170 = arith.mulf %logistic3A_168, %tanh3A_169 : vector<16x512xf32>
    %add3A_171 = arith.addf %mul3A_162, %mul3A_170 : vector<16x512xf32>
    %logistic3A_172 = arith.negf %slice3A_155 : vector<16x512xf32>
    %logistic3A_173 = math.exp %logistic3A_172 : vector<16x512xf32>
    %logistic3A_174 = arith.constant 1.000000e+00 : f32
    %logistic3A_175 = vector.broadcast %logistic3A_174 : f32 to vector<16x512xf32>
    %logistic3A_176 = arith.addf %logistic3A_175, %logistic3A_173 : vector<16x512xf32>
    %logistic3A_177 = arith.divf %logistic3A_175, %logistic3A_176 : vector<16x512xf32>
    %tanh3A_178 = math.tanh %add3A_171 : vector<16x512xf32>
    %mul3A_179 = arith.mulf %logistic3A_177, %tanh3A_178 : vector<16x512xf32>
    %broadcast_in_dim3A_180 = arith.constant 0xFF800000 : f32
    %broadcast_in_dim3A_181 = vector.broadcast %broadcast_in_dim3A_180 : f32 to vector<1x16xf32>
    %scan3A_182 = arith.constant 0 : i32
    %scan3A_183 = arith.constant 10 : i32
    %scan3A_184 = arith.addi %scan3A_182, %scan3A_183 : i32
    %scan3A_185 = arith.constant 1 : i32
    %scan3A_186 = scf.for %scan3A_786 = %scan3A_182 to %scan3A_184 step %scan3A_185 iter_args(%scan3A_787 = %broadcast_in_dim3A_181) -> (vector<1x16xf32>)  : i32 {
      %mul3A_788 = arith.constant 1024 : i32
      %mul3A_789 = arith.muli %scan3A_786, %mul3A_788 : i32
      %get3A_790 = arith.index_cast %mul3A_789 : i32 to index
      %get3A_791 = arith.constant 0 : index
      %get3A_792 = vector.load %arg13[%get3A_790, %get3A_791] : memref<10240x512xf32, #tpu.memory_space<vmem>>, vector<1024x512xf32>
      %dot_general3A_793 = arith.constant dense<0.000000e+00> : vector<1024x16xf32>
      %dot_general3A_794 = tpu.matmul %get3A_792, %mul3A_179, %dot_general3A_793 {dimension_numbers = #tpu.dot_dimension_numbers<[1], [1], [0], [0], [0, 0, 1, 0], [], []>, transpose_lhs_hint = false} : vector<1024x512xf32>, vector<16x512xf32>, vector<1024x16xf32> -> vector<1024x16xf32>
      %mul3A_795 = arith.constant 1024 : i32
      %mul3A_796 = arith.muli %scan3A_786, %mul3A_795 : i32
      %swap3A_797 = arith.index_cast %mul3A_796 : i32 to index
      %swap3A_798 = arith.constant 0 : index
      %swap3A_799 = vector.load %arg15[%swap3A_797, %swap3A_798] : memref<10240x16xf32, #tpu.memory_space<vmem>>, vector<1024x16xf32>
      tpu.vector_store %arg15[%swap3A_797, %swap3A_798], %dot_general3A_794 {strides = array<i32>} : memref<10240x16xf32, #tpu.memory_space<vmem>>, vector<1024x16xf32>,
      %mul3A_800 = arith.constant 1024 : i32
      %mul3A_801 = arith.muli %scan3A_786, %mul3A_800 : i32
      %get3A_802 = arith.index_cast %mul3A_801 : i32 to index
      %get3A_803 = arith.constant 0 : index
      %get3A_804 = vector.load %arg3[%get3A_802, %get3A_803] : memref<10240x16xf32, #tpu.memory_space<vmem>>, vector<1024x16xf32>
      %gt3A_805 = arith.constant 0.000000e+00 : f32
      %gt3A_806 = vector.broadcast %gt3A_805 : f32 to vector<1024x16xf32>
      %gt3A_807 = arith.cmpf ogt, %get3A_804, %gt3A_806 : vector<1024x16xf32>
      %jit3A_808 = arith.constant 0xFF800000 : f32
      %broadcast_in_dim3A_809 = vector.broadcast %jit3A_808 : f32 to vector<1024x16xf32>
      %select_n3A_810 = arith.select %gt3A_807, %dot_general3A_794, %broadcast_in_dim3A_809 : vector<1024x16xi1>, vector<1024x16xf32>
      %reduce_max3A = arith.constant dense<0xFF800000> : vector<16xf32>
      %reduce_max3A_811 = vector.multi_reduction <maximumf>, %select_n3A_810, %reduce_max3A [0] : vector<1024x16xf32> to vector<16xf32>
      %broadcast_in_dim3A_812 = vector.shape_cast %reduce_max3A_811 : vector<16xf32> to vector<1x16xf32>
      %max3A = arith.maximumf %scan3A_787, %broadcast_in_dim3A_812 : vector<1x16xf32>
      scf.yield %max3A : vector<1x16xf32>
    }
    %scan3A_187 = arith.constant 10 : i32
    %is_finite3A_188 = tpu.weird %scan3A_186 : vector<1x16xf32> -> vector<1x16xi1>
    %is_finite3A_189 = arith.constant dense<true> : vector<1x16xi1>
    %is_finite3A_190 = arith.xori %is_finite3A_188, %is_finite3A_189 : vector<1x16xi1>
    %jit3A_191 = arith.constant 0.000000e+00 : f32
    %broadcast_in_dim3A_192 = vector.broadcast %jit3A_191 : f32 to vector<1x16xf32>
    %select_n3A_193 = arith.select %is_finite3A_190, %scan3A_186, %broadcast_in_dim3A_192 : vector<1x16xi1>, vector<1x16xf32>
    %broadcast_in_dim3A_194 = arith.constant 0.000000e+00 : f32
    %broadcast_in_dim3A_195 = vector.broadcast %broadcast_in_dim3A_194 : f32 to vector<1x16xf32>
    %scan3A_196 = arith.constant 0 : i32
    %scan3A_197 = arith.constant 10 : i32
    %scan3A_198 = arith.addi %scan3A_196, %scan3A_197 : i32
    %scan3A_199 = arith.constant 1 : i32
    %scan3A_200 = scf.for %scan3A_786 = %scan3A_196 to %scan3A_198 step %scan3A_199 iter_args(%scan3A_787 = %broadcast_in_dim3A_195) -> (vector<1x16xf32>)  : i32 {
      %mul3A_788 = arith.constant 1024 : i32
      %mul3A_789 = arith.muli %scan3A_786, %mul3A_788 : i32
      %get3A_790 = arith.index_cast %mul3A_789 : i32 to index
      %get3A_791 = arith.constant 0 : index
      %get3A_792 = vector.load %arg3[%get3A_790, %get3A_791] : memref<10240x16xf32, #tpu.memory_space<vmem>>, vector<1024x16xf32>
      %mul3A_793 = arith.constant 1024 : i32
      %mul3A_794 = arith.muli %scan3A_786, %mul3A_793 : i32
      %get3A_795 = arith.index_cast %mul3A_794 : i32 to index
      %get3A_796 = arith.constant 0 : index
      %get3A_797 = vector.load %arg15[%get3A_795, %get3A_796] : memref<10240x16xf32, #tpu.memory_space<vmem>>, vector<1024x16xf32>
      %sub3A = vector.broadcast %select_n3A_193 : vector<1x16xf32> to vector<1024x16xf32>
      %sub3A_798 = arith.subf %get3A_797, %sub3A : vector<1024x16xf32>
      %exp3A = math.exp %sub3A_798 : vector<1024x16xf32>
      %mul3A_799 = arith.mulf %get3A_792, %exp3A : vector<1024x16xf32>
      %mul3A_800 = arith.constant 1024 : i32
      %mul3A_801 = arith.muli %scan3A_786, %mul3A_800 : i32
      %swap3A_802 = arith.index_cast %mul3A_801 : i32 to index
      %swap3A_803 = arith.constant 0 : index
      %swap3A_804 = vector.load %arg15[%swap3A_802, %swap3A_803] : memref<10240x16xf32, #tpu.memory_space<vmem>>, vector<1024x16xf32>
      tpu.vector_store %arg15[%swap3A_802, %swap3A_803], %mul3A_799 {strides = array<i32>} : memref<10240x16xf32, #tpu.memory_space<vmem>>, vector<1024x16xf32>,
      %reduce_sum3A_805 = arith.constant dense<0.000000e+00> : vector<16xf32>
      %reduce_sum3A_806 = vector.multi_reduction <add>, %mul3A_799, %reduce_sum3A_805 [0] : vector<1024x16xf32> to vector<16xf32>
      %broadcast_in_dim3A_807 = vector.shape_cast %reduce_sum3A_806 : vector<16xf32> to vector<1x16xf32>
      %add3A_808 = arith.addf %scan3A_787, %broadcast_in_dim3A_807 : vector<1x16xf32>
      scf.yield %add3A_808 : vector<1x16xf32>
    }
    %scan3A_201 = arith.constant 10 : i32
    %gt3A_202 = arith.constant 0.000000e+00 : f32
    %gt3A_203 = vector.broadcast %gt3A_202 : f32 to vector<1x16xf32>
    %gt3A_204 = arith.cmpf ogt, %scan3A_200, %gt3A_203 : vector<1x16xf32>
    %jit3A_205 = arith.constant 1.000000e+00 : f32
    %broadcast_in_dim3A_206 = vector.broadcast %jit3A_205 : f32 to vector<1x16xf32>
    %select_n3A_207 = arith.select %gt3A_204, %scan3A_200, %broadcast_in_dim3A_206 : vector<1x16xi1>, vector<1x16xf32>
    %div3A_208 = arith.constant 1.000000e+00 : f32
    %div3A_209 = vector.broadcast %div3A_208 : f32 to vector<1x16xf32>
    %div3A_210 = arith.divf %div3A_209, %select_n3A_207 : vector<1x16xf32>
    %broadcast_in_dim3A_211 = arith.constant 0.000000e+00 : f32
    %broadcast_in_dim3A_212 = vector.broadcast %broadcast_in_dim3A_211 : f32 to vector<16x512xf32>
    %scan3A_213 = arith.constant 0 : i32
    %scan3A_214 = arith.constant 10 : i32
    %scan3A_215 = arith.addi %scan3A_213, %scan3A_214 : i32
    %scan3A_216 = arith.constant 1 : i32
    %scan3A_217 = scf.for %scan3A_786 = %scan3A_213 to %scan3A_215 step %scan3A_216 iter_args(%scan3A_787 = %broadcast_in_dim3A_212) -> (vector<16x512xf32>)  : i32 {
      %mul3A_788 = arith.constant 1024 : i32
      %mul3A_789 = arith.muli %scan3A_786, %mul3A_788 : i32
      %get3A_790 = arith.index_cast %mul3A_789 : i32 to index
      %get3A_791 = arith.constant 0 : index
      %get3A_792 = vector.load %arg15[%get3A_790, %get3A_791] : memref<10240x16xf32, #tpu.memory_space<vmem>>, vector<1024x16xf32>
      %mul3A_793 = vector.broadcast %div3A_210 : vector<1x16xf32> to vector<1024x16xf32>
      %mul3A_794 = arith.mulf %get3A_792, %mul3A_793 : vector<1024x16xf32>
      %mul3A_795 = arith.constant 1024 : i32
      %mul3A_796 = arith.muli %scan3A_786, %mul3A_795 : i32
      %get3A_797 = arith.index_cast %mul3A_796 : i32 to index
      %get3A_798 = arith.constant 0 : index
      %get3A_799 = vector.load %arg13[%get3A_797, %get3A_798] : memref<10240x512xf32, #tpu.memory_space<vmem>>, vector<1024x512xf32>
      %dot_general3A_800 = arith.constant dense<0.000000e+00> : vector<16x512xf32>
      %dot_general3A_801 = tpu.matmul %mul3A_794, %get3A_799, %dot_general3A_800 {dimension_numbers = #tpu.dot_dimension_numbers<[0], [0], [1], [1], [0, 1, 1, 1], [], []>, transpose_lhs_hint = false} : vector<1024x16xf32>, vector<1024x512xf32>, vector<16x512xf32> -> vector<16x512xf32>
      %add3A_802 = arith.addf %scan3A_787, %dot_general3A_801 : vector<16x512xf32>
      scf.yield %add3A_802 : vector<16x512xf32>
    }
    %scan3A_218 = arith.constant 10 : i32
    %convert_element_type3A_219 = arith.truncf %mul3A_179 : vector<16x512xf32> to vector<16x512xbf16>
    %convert_element_type3A_220 = arith.truncf %scan3A_217 : vector<16x512xf32> to vector<16x512xbf16>
    %get3A_221 = arith.constant 0 : index
    %get3A_222 = arith.constant 0 : index
    %get3A_223 = vector.load %arg4[%get3A_221, %get3A_222] : memref<512x2048xbf16, #tpu.memory_space<vmem>>, vector<512x2048xbf16>
    %dot_general3A_224 = arith.constant dense<0.000000e+00> : vector<16x2048xf32>
    %dot_general3A_225 = tpu.matmul %convert_element_type3A_219, %get3A_223, %dot_general3A_224 {dimension_numbers = #tpu.dot_dimension_numbers<[1], [0], [0], [1], [0, 0, 1, 1], [], []>, transpose_lhs_hint = false} : vector<16x512xbf16>, vector<512x2048xbf16>, vector<16x2048xf32> -> vector<16x2048xf32>
    %get3A_226 = arith.constant 0 : index
    %get3A_227 = arith.constant 0 : index
    %get3A_228 = vector.load %arg5[%get3A_226, %get3A_227] : memref<512x2048xbf16, #tpu.memory_space<vmem>>, vector<512x2048xbf16>
    %dot_general3A_229 = arith.constant dense<0.000000e+00> : vector<16x2048xf32>
    %dot_general3A_230 = tpu.matmul %convert_element_type3A_220, %get3A_228, %dot_general3A_229 {dimension_numbers = #tpu.dot_dimension_numbers<[1], [0], [0], [1], [0, 0, 1, 1], [], []>, transpose_lhs_hint = false} : vector<16x512xbf16>, vector<512x2048xbf16>, vector<16x2048xf32> -> vector<16x2048xf32>
    %add3A_231 = arith.addf %dot_general3A_225, %dot_general3A_230 : vector<16x2048xf32>
    %get3A_232 = arith.constant 0 : index
    %get3A_233 = arith.constant 0 : index
    %get3A_234 = vector.load %arg6[%get3A_232, %get3A_233] : memref<512x2048xbf16, #tpu.memory_space<vmem>>, vector<512x2048xbf16>
    %dot_general3A_235 = arith.constant dense<0.000000e+00> : vector<16x2048xf32>
    %dot_general3A_236 = tpu.matmul %convert_element_type3A_219, %get3A_234, %dot_general3A_235 {dimension_numbers = #tpu.dot_dimension_numbers<[1], [0], [0], [1], [0, 0, 1, 1], [], []>, transpose_lhs_hint = false} : vector<16x512xbf16>, vector<512x2048xbf16>, vector<16x2048xf32> -> vector<16x2048xf32>
    %add3A_237 = arith.addf %add3A_231, %dot_general3A_236 : vector<16x2048xf32>
    %get3A_238 = arith.constant 0 : index
    %get3A_239 = arith.constant 0 : index
    %get3A_240 = vector.load %arg7[%get3A_238, %get3A_239] : memref<1x2048xf32, #tpu.memory_space<vmem>>, vector<1x2048xf32>
    %add3A_241 = vector.broadcast %get3A_240 : vector<1x2048xf32> to vector<16x2048xf32>
    %add3A_242 = arith.addf %add3A_237, %add3A_241 : vector<16x2048xf32>
    %slice3A_243 = vector.extract_strided_slice %add3A_242 {offsets = [0, 0], sizes = [16, 512], strides = [1, 1]} : vector<16x2048xf32> to vector<16x512xf32>
    %slice3A_244 = vector.extract_strided_slice %add3A_242 {offsets = [0, 512], sizes = [16, 512], strides = [1, 1]} : vector<16x2048xf32> to vector<16x512xf32>
    %slice3A_245 = vector.extract_strided_slice %add3A_242 {offsets = [0, 1024], sizes = [16, 512], strides = [1, 1]} : vector<16x2048xf32> to vector<16x512xf32>
    %slice3A_246 = vector.extract_strided_slice %add3A_242 {offsets = [0, 1536], sizes = [16, 512], strides = [1, 1]} : vector<16x2048xf32> to vector<16x512xf32>
    %logistic3A_247 = arith.negf %slice3A_244 : vector<16x512xf32>
    %logistic3A_248 = math.exp %logistic3A_247 : vector<16x512xf32>
    %logistic3A_249 = arith.constant 1.000000e+00 : f32
    %logistic3A_250 = vector.broadcast %logistic3A_249 : f32 to vector<16x512xf32>
    %logistic3A_251 = arith.addf %logistic3A_250, %logistic3A_248 : vector<16x512xf32>
    %logistic3A_252 = arith.divf %logistic3A_250, %logistic3A_251 : vector<16x512xf32>
    %mul3A_253 = arith.mulf %logistic3A_252, %add3A_171 : vector<16x512xf32>
    %logistic3A_254 = arith.negf %slice3A_243 : vector<16x512xf32>
    %logistic3A_255 = math.exp %logistic3A_254 : vector<16x512xf32>
    %logistic3A_256 = arith.constant 1.000000e+00 : f32
    %logistic3A_257 = vector.broadcast %logistic3A_256 : f32 to vector<16x512xf32>
    %logistic3A_258 = arith.addf %logistic3A_257, %logistic3A_255 : vector<16x512xf32>
    %logistic3A_259 = arith.divf %logistic3A_257, %logistic3A_258 : vector<16x512xf32>
    %tanh3A_260 = math.tanh %slice3A_245 : vector<16x512xf32>
    %mul3A_261 = arith.mulf %logistic3A_259, %tanh3A_260 : vector<16x512xf32>
    %add3A_262 = arith.addf %mul3A_253, %mul3A_261 : vector<16x512xf32>
    %logistic3A_263 = arith.negf %slice3A_246 : vector<16x512xf32>
    %logistic3A_264 = math.exp %logistic3A_263 : vector<16x512xf32>
    %logistic3A_265 = arith.constant 1.000000e+00 : f32
    %logistic3A_266 = vector.broadcast %logistic3A_265 : f32 to vector<16x512xf32>
    %logistic3A_267 = arith.addf %logistic3A_266, %logistic3A_264 : vector<16x512xf32>
    %logistic3A_268 = arith.divf %logistic3A_266, %logistic3A_267 : vector<16x512xf32>
    %tanh3A_269 = math.tanh %add3A_262 : vector<16x512xf32>
    %mul3A_270 = arith.mulf %logistic3A_268, %tanh3A_269 : vector<16x512xf32>
    %broadcast_in_dim3A_271 = arith.constant 0xFF800000 : f32
    %broadcast_in_dim3A_272 = vector.broadcast %broadcast_in_dim3A_271 : f32 to vector<1x16xf32>
    %scan3A_273 = arith.constant 0 : i32
    %scan3A_274 = arith.constant 10 : i32
    %scan3A_275 = arith.addi %scan3A_273, %scan3A_274 : i32
    %scan3A_276 = arith.constant 1 : i32
    %scan3A_277 = scf.for %scan3A_786 = %scan3A_273 to %scan3A_275 step %scan3A_276 iter_args(%scan3A_787 = %broadcast_in_dim3A_272) -> (vector<1x16xf32>)  : i32 {
      %mul3A_788 = arith.constant 1024 : i32
      %mul3A_789 = arith.muli %scan3A_786, %mul3A_788 : i32
      %get3A_790 = arith.index_cast %mul3A_789 : i32 to index
      %get3A_791 = arith.constant 0 : index
      %get3A_792 = vector.load %arg13[%get3A_790, %get3A_791] : memref<10240x512xf32, #tpu.memory_space<vmem>>, vector<1024x512xf32>
      %dot_general3A_793 = arith.constant dense<0.000000e+00> : vector<1024x16xf32>
      %dot_general3A_794 = tpu.matmul %get3A_792, %mul3A_270, %dot_general3A_793 {dimension_numbers = #tpu.dot_dimension_numbers<[1], [1], [0], [0], [0, 0, 1, 0], [], []>, transpose_lhs_hint = false} : vector<1024x512xf32>, vector<16x512xf32>, vector<1024x16xf32> -> vector<1024x16xf32>
      %mul3A_795 = arith.constant 1024 : i32
      %mul3A_796 = arith.muli %scan3A_786, %mul3A_795 : i32
      %swap3A_797 = arith.index_cast %mul3A_796 : i32 to index
      %swap3A_798 = arith.constant 0 : index
      %swap3A_799 = vector.load %arg15[%swap3A_797, %swap3A_798] : memref<10240x16xf32, #tpu.memory_space<vmem>>, vector<1024x16xf32>
      tpu.vector_store %arg15[%swap3A_797, %swap3A_798], %dot_general3A_794 {strides = array<i32>} : memref<10240x16xf32, #tpu.memory_space<vmem>>, vector<1024x16xf32>,
      %mul3A_800 = arith.constant 1024 : i32
      %mul3A_801 = arith.muli %scan3A_786, %mul3A_800 : i32
      %get3A_802 = arith.index_cast %mul3A_801 : i32 to index
      %get3A_803 = arith.constant 0 : index
      %get3A_804 = vector.load %arg3[%get3A_802, %get3A_803] : memref<10240x16xf32, #tpu.memory_space<vmem>>, vector<1024x16xf32>
      %gt3A_805 = arith.constant 0.000000e+00 : f32
      %gt3A_806 = vector.broadcast %gt3A_805 : f32 to vector<1024x16xf32>
      %gt3A_807 = arith.cmpf ogt, %get3A_804, %gt3A_806 : vector<1024x16xf32>
      %jit3A_808 = arith.constant 0xFF800000 : f32
      %broadcast_in_dim3A_809 = vector.broadcast %jit3A_808 : f32 to vector<1024x16xf32>
      %select_n3A_810 = arith.select %gt3A_807, %dot_general3A_794, %broadcast_in_dim3A_809 : vector<1024x16xi1>, vector<1024x16xf32>
      %reduce_max3A = arith.constant dense<0xFF800000> : vector<16xf32>
      %reduce_max3A_811 = vector.multi_reduction <maximumf>, %select_n3A_810, %reduce_max3A [0] : vector<1024x16xf32> to vector<16xf32>
      %broadcast_in_dim3A_812 = vector.shape_cast %reduce_max3A_811 : vector<16xf32> to vector<1x16xf32>
      %max3A = arith.maximumf %scan3A_787, %broadcast_in_dim3A_812 : vector<1x16xf32>
      scf.yield %max3A : vector<1x16xf32>
    }
    %scan3A_278 = arith.constant 10 : i32
    %is_finite3A_279 = tpu.weird %scan3A_277 : vector<1x16xf32> -> vector<1x16xi1>
    %is_finite3A_280 = arith.constant dense<true> : vector<1x16xi1>
    %is_finite3A_281 = arith.xori %is_finite3A_279, %is_finite3A_280 : vector<1x16xi1>
    %jit3A_282 = arith.constant 0.000000e+00 : f32
    %broadcast_in_dim3A_283 = vector.broadcast %jit3A_282 : f32 to vector<1x16xf32>
    %select_n3A_284 = arith.select %is_finite3A_281, %scan3A_277, %broadcast_in_dim3A_283 : vector<1x16xi1>, vector<1x16xf32>
    %broadcast_in_dim3A_285 = arith.constant 0.000000e+00 : f32
    %broadcast_in_dim3A_286 = vector.broadcast %broadcast_in_dim3A_285 : f32 to vector<1x16xf32>
    %scan3A_287 = arith.constant 0 : i32
    %scan3A_288 = arith.constant 10 : i32
    %scan3A_289 = arith.addi %scan3A_287, %scan3A_288 : i32
    %scan3A_290 = arith.constant 1 : i32
    %scan3A_291 = scf.for %scan3A_786 = %scan3A_287 to %scan3A_289 step %scan3A_290 iter_args(%scan3A_787 = %broadcast_in_dim3A_286) -> (vector<1x16xf32>)  : i32 {
      %mul3A_788 = arith.constant 1024 : i32
      %mul3A_789 = arith.muli %scan3A_786, %mul3A_788 : i32
      %get3A_790 = arith.index_cast %mul3A_789 : i32 to index
      %get3A_791 = arith.constant 0 : index
      %get3A_792 = vector.load %arg3[%get3A_790, %get3A_791] : memref<10240x16xf32, #tpu.memory_space<vmem>>, vector<1024x16xf32>
      %mul3A_793 = arith.constant 1024 : i32
      %mul3A_794 = arith.muli %scan3A_786, %mul3A_793 : i32
      %get3A_795 = arith.index_cast %mul3A_794 : i32 to index
      %get3A_796 = arith.constant 0 : index
      %get3A_797 = vector.load %arg15[%get3A_795, %get3A_796] : memref<10240x16xf32, #tpu.memory_space<vmem>>, vector<1024x16xf32>
      %sub3A = vector.broadcast %select_n3A_284 : vector<1x16xf32> to vector<1024x16xf32>
      %sub3A_798 = arith.subf %get3A_797, %sub3A : vector<1024x16xf32>
      %exp3A = math.exp %sub3A_798 : vector<1024x16xf32>
      %mul3A_799 = arith.mulf %get3A_792, %exp3A : vector<1024x16xf32>
      %mul3A_800 = arith.constant 1024 : i32
      %mul3A_801 = arith.muli %scan3A_786, %mul3A_800 : i32
      %swap3A_802 = arith.index_cast %mul3A_801 : i32 to index
      %swap3A_803 = arith.constant 0 : index
      %swap3A_804 = vector.load %arg15[%swap3A_802, %swap3A_803] : memref<10240x16xf32, #tpu.memory_space<vmem>>, vector<1024x16xf32>
      tpu.vector_store %arg15[%swap3A_802, %swap3A_803], %mul3A_799 {strides = array<i32>} : memref<10240x16xf32, #tpu.memory_space<vmem>>, vector<1024x16xf32>,
      %reduce_sum3A_805 = arith.constant dense<0.000000e+00> : vector<16xf32>
      %reduce_sum3A_806 = vector.multi_reduction <add>, %mul3A_799, %reduce_sum3A_805 [0] : vector<1024x16xf32> to vector<16xf32>
      %broadcast_in_dim3A_807 = vector.shape_cast %reduce_sum3A_806 : vector<16xf32> to vector<1x16xf32>
      %add3A_808 = arith.addf %scan3A_787, %broadcast_in_dim3A_807 : vector<1x16xf32>
      scf.yield %add3A_808 : vector<1x16xf32>
    }
    %scan3A_292 = arith.constant 10 : i32
    %gt3A_293 = arith.constant 0.000000e+00 : f32
    %gt3A_294 = vector.broadcast %gt3A_293 : f32 to vector<1x16xf32>
    %gt3A_295 = arith.cmpf ogt, %scan3A_291, %gt3A_294 : vector<1x16xf32>
    %jit3A_296 = arith.constant 1.000000e+00 : f32
    %broadcast_in_dim3A_297 = vector.broadcast %jit3A_296 : f32 to vector<1x16xf32>
    %select_n3A_298 = arith.select %gt3A_295, %scan3A_291, %broadcast_in_dim3A_297 : vector<1x16xi1>, vector<1x16xf32>
    %div3A_299 = arith.constant 1.000000e+00 : f32
    %div3A_300 = vector.broadcast %div3A_299 : f32 to vector<1x16xf32>
    %div3A_301 = arith.divf %div3A_300, %select_n3A_298 : vector<1x16xf32>
    %broadcast_in_dim3A_302 = arith.constant 0.000000e+00 : f32
    %broadcast_in_dim3A_303 = vector.broadcast %broadcast_in_dim3A_302 : f32 to vector<16x512xf32>
    %scan3A_304 = arith.constant 0 : i32
    %scan3A_305 = arith.constant 10 : i32
    %scan3A_306 = arith.addi %scan3A_304, %scan3A_305 : i32
    %scan3A_307 = arith.constant 1 : i32
    %scan3A_308 = scf.for %scan3A_786 = %scan3A_304 to %scan3A_306 step %scan3A_307 iter_args(%scan3A_787 = %broadcast_in_dim3A_303) -> (vector<16x512xf32>)  : i32 {
      %mul3A_788 = arith.constant 1024 : i32
      %mul3A_789 = arith.muli %scan3A_786, %mul3A_788 : i32
      %get3A_790 = arith.index_cast %mul3A_789 : i32 to index
      %get3A_791 = arith.constant 0 : index
      %get3A_792 = vector.load %arg15[%get3A_790, %get3A_791] : memref<10240x16xf32, #tpu.memory_space<vmem>>, vector<1024x16xf32>
      %mul3A_793 = vector.broadcast %div3A_301 : vector<1x16xf32> to vector<1024x16xf32>
      %mul3A_794 = arith.mulf %get3A_792, %mul3A_793 : vector<1024x16xf32>
      %mul3A_795 = arith.constant 1024 : i32
      %mul3A_796 = arith.muli %scan3A_786, %mul3A_795 : i32
      %get3A_797 = arith.index_cast %mul3A_796 : i32 to index
      %get3A_798 = arith.constant 0 : index
      %get3A_799 = vector.load %arg13[%get3A_797, %get3A_798] : memref<10240x512xf32, #tpu.memory_space<vmem>>, vector<1024x512xf32>
      %dot_general3A_800 = arith.constant dense<0.000000e+00> : vector<16x512xf32>
      %dot_general3A_801 = tpu.matmul %mul3A_794, %get3A_799, %dot_general3A_800 {dimension_numbers = #tpu.dot_dimension_numbers<[0], [0], [1], [1], [0, 1, 1, 1], [], []>, transpose_lhs_hint = false} : vector<1024x16xf32>, vector<1024x512xf32>, vector<16x512xf32> -> vector<16x512xf32>
      %add3A_802 = arith.addf %scan3A_787, %dot_general3A_801 : vector<16x512xf32>
      scf.yield %add3A_802 : vector<16x512xf32>
    }
    %scan3A_309 = arith.constant 10 : i32
    %convert_element_type3A_310 = arith.truncf %mul3A_270 : vector<16x512xf32> to vector<16x512xbf16>
    %convert_element_type3A_311 = arith.truncf %scan3A_308 : vector<16x512xf32> to vector<16x512xbf16>
    %get3A_312 = arith.constant 0 : index
    %get3A_313 = arith.constant 0 : index
    %get3A_314 = vector.load %arg4[%get3A_312, %get3A_313] : memref<512x2048xbf16, #tpu.memory_space<vmem>>, vector<512x2048xbf16>
    %dot_general3A_315 = arith.constant dense<0.000000e+00> : vector<16x2048xf32>
    %dot_general3A_316 = tpu.matmul %convert_element_type3A_310, %get3A_314, %dot_general3A_315 {dimension_numbers = #tpu.dot_dimension_numbers<[1], [0], [0], [1], [0, 0, 1, 1], [], []>, transpose_lhs_hint = false} : vector<16x512xbf16>, vector<512x2048xbf16>, vector<16x2048xf32> -> vector<16x2048xf32>
    %get3A_317 = arith.constant 0 : index
    %get3A_318 = arith.constant 0 : index
    %get3A_319 = vector.load %arg5[%get3A_317, %get3A_318] : memref<512x2048xbf16, #tpu.memory_space<vmem>>, vector<512x2048xbf16>
    %dot_general3A_320 = arith.constant dense<0.000000e+00> : vector<16x2048xf32>
    %dot_general3A_321 = tpu.matmul %convert_element_type3A_311, %get3A_319, %dot_general3A_320 {dimension_numbers = #tpu.dot_dimension_numbers<[1], [0], [0], [1], [0, 0, 1, 1], [], []>, transpose_lhs_hint = false} : vector<16x512xbf16>, vector<512x2048xbf16>, vector<16x2048xf32> -> vector<16x2048xf32>
    %add3A_322 = arith.addf %dot_general3A_316, %dot_general3A_321 : vector<16x2048xf32>
    %get3A_323 = arith.constant 0 : index
    %get3A_324 = arith.constant 0 : index
    %get3A_325 = vector.load %arg6[%get3A_323, %get3A_324] : memref<512x2048xbf16, #tpu.memory_space<vmem>>, vector<512x2048xbf16>
    %dot_general3A_326 = arith.constant dense<0.000000e+00> : vector<16x2048xf32>
    %dot_general3A_327 = tpu.matmul %convert_element_type3A_310, %get3A_325, %dot_general3A_326 {dimension_numbers = #tpu.dot_dimension_numbers<[1], [0], [0], [1], [0, 0, 1, 1], [], []>, transpose_lhs_hint = false} : vector<16x512xbf16>, vector<512x2048xbf16>, vector<16x2048xf32> -> vector<16x2048xf32>
    %add3A_328 = arith.addf %add3A_322, %dot_general3A_327 : vector<16x2048xf32>
    %get3A_329 = arith.constant 0 : index
    %get3A_330 = arith.constant 0 : index
    %get3A_331 = vector.load %arg7[%get3A_329, %get3A_330] : memref<1x2048xf32, #tpu.memory_space<vmem>>, vector<1x2048xf32>
    %add3A_332 = vector.broadcast %get3A_331 : vector<1x2048xf32> to vector<16x2048xf32>
    %add3A_333 = arith.addf %add3A_328, %add3A_332 : vector<16x2048xf32>
    %slice3A_334 = vector.extract_strided_slice %add3A_333 {offsets = [0, 0], sizes = [16, 512], strides = [1, 1]} : vector<16x2048xf32> to vector<16x512xf32>
    %slice3A_335 = vector.extract_strided_slice %add3A_333 {offsets = [0, 512], sizes = [16, 512], strides = [1, 1]} : vector<16x2048xf32> to vector<16x512xf32>
    %slice3A_336 = vector.extract_strided_slice %add3A_333 {offsets = [0, 1024], sizes = [16, 512], strides = [1, 1]} : vector<16x2048xf32> to vector<16x512xf32>
    %slice3A_337 = vector.extract_strided_slice %add3A_333 {offsets = [0, 1536], sizes = [16, 512], strides = [1, 1]} : vector<16x2048xf32> to vector<16x512xf32>
    %logistic3A_338 = arith.negf %slice3A_335 : vector<16x512xf32>
    %logistic3A_339 = math.exp %logistic3A_338 : vector<16x512xf32>
    %logistic3A_340 = arith.constant 1.000000e+00 : f32
    %logistic3A_341 = vector.broadcast %logistic3A_340 : f32 to vector<16x512xf32>
    %logistic3A_342 = arith.addf %logistic3A_341, %logistic3A_339 : vector<16x512xf32>
    %logistic3A_343 = arith.divf %logistic3A_341, %logistic3A_342 : vector<16x512xf32>
    %mul3A_344 = arith.mulf %logistic3A_343, %add3A_262 : vector<16x512xf32>
    %logistic3A_345 = arith.negf %slice3A_334 : vector<16x512xf32>
    %logistic3A_346 = math.exp %logistic3A_345 : vector<16x512xf32>
    %logistic3A_347 = arith.constant 1.000000e+00 : f32
    %logistic3A_348 = vector.broadcast %logistic3A_347 : f32 to vector<16x512xf32>
    %logistic3A_349 = arith.addf %logistic3A_348, %logistic3A_346 : vector<16x512xf32>
    %logistic3A_350 = arith.divf %logistic3A_348, %logistic3A_349 : vector<16x512xf32>
    %tanh3A_351 = math.tanh %slice3A_336 : vector<16x512xf32>
    %mul3A_352 = arith.mulf %logistic3A_350, %tanh3A_351 : vector<16x512xf32>
    %add3A_353 = arith.addf %mul3A_344, %mul3A_352 : vector<16x512xf32>
    %logistic3A_354 = arith.negf %slice3A_337 : vector<16x512xf32>
    %logistic3A_355 = math.exp %logistic3A_354 : vector<16x512xf32>
    %logistic3A_356 = arith.constant 1.000000e+00 : f32
    %logistic3A_357 = vector.broadcast %logistic3A_356 : f32 to vector<16x512xf32>
    %logistic3A_358 = arith.addf %logistic3A_357, %logistic3A_355 : vector<16x512xf32>
    %logistic3A_359 = arith.divf %logistic3A_357, %logistic3A_358 : vector<16x512xf32>
    %tanh3A_360 = math.tanh %add3A_353 : vector<16x512xf32>
    %mul3A_361 = arith.mulf %logistic3A_359, %tanh3A_360 : vector<16x512xf32>
    %broadcast_in_dim3A_362 = arith.constant 0xFF800000 : f32
    %broadcast_in_dim3A_363 = vector.broadcast %broadcast_in_dim3A_362 : f32 to vector<1x16xf32>
    %scan3A_364 = arith.constant 0 : i32
    %scan3A_365 = arith.constant 10 : i32
    %scan3A_366 = arith.addi %scan3A_364, %scan3A_365 : i32
    %scan3A_367 = arith.constant 1 : i32
    %scan3A_368 = scf.for %scan3A_786 = %scan3A_364 to %scan3A_366 step %scan3A_367 iter_args(%scan3A_787 = %broadcast_in_dim3A_363) -> (vector<1x16xf32>)  : i32 {
      %mul3A_788 = arith.constant 1024 : i32
      %mul3A_789 = arith.muli %scan3A_786, %mul3A_788 : i32
      %get3A_790 = arith.index_cast %mul3A_789 : i32 to index
      %get3A_791 = arith.constant 0 : index
      %get3A_792 = vector.load %arg13[%get3A_790, %get3A_791] : memref<10240x512xf32, #tpu.memory_space<vmem>>, vector<1024x512xf32>
      %dot_general3A_793 = arith.constant dense<0.000000e+00> : vector<1024x16xf32>
      %dot_general3A_794 = tpu.matmul %get3A_792, %mul3A_361, %dot_general3A_793 {dimension_numbers = #tpu.dot_dimension_numbers<[1], [1], [0], [0], [0, 0, 1, 0], [], []>, transpose_lhs_hint = false} : vector<1024x512xf32>, vector<16x512xf32>, vector<1024x16xf32> -> vector<1024x16xf32>
      %mul3A_795 = arith.constant 1024 : i32
      %mul3A_796 = arith.muli %scan3A_786, %mul3A_795 : i32
      %swap3A_797 = arith.index_cast %mul3A_796 : i32 to index
      %swap3A_798 = arith.constant 0 : index
      %swap3A_799 = vector.load %arg15[%swap3A_797, %swap3A_798] : memref<10240x16xf32, #tpu.memory_space<vmem>>, vector<1024x16xf32>
      tpu.vector_store %arg15[%swap3A_797, %swap3A_798], %dot_general3A_794 {strides = array<i32>} : memref<10240x16xf32, #tpu.memory_space<vmem>>, vector<1024x16xf32>,
      %mul3A_800 = arith.constant 1024 : i32
      %mul3A_801 = arith.muli %scan3A_786, %mul3A_800 : i32
      %get3A_802 = arith.index_cast %mul3A_801 : i32 to index
      %get3A_803 = arith.constant 0 : index
      %get3A_804 = vector.load %arg3[%get3A_802, %get3A_803] : memref<10240x16xf32, #tpu.memory_space<vmem>>, vector<1024x16xf32>
      %gt3A_805 = arith.constant 0.000000e+00 : f32
      %gt3A_806 = vector.broadcast %gt3A_805 : f32 to vector<1024x16xf32>
      %gt3A_807 = arith.cmpf ogt, %get3A_804, %gt3A_806 : vector<1024x16xf32>
      %jit3A_808 = arith.constant 0xFF800000 : f32
      %broadcast_in_dim3A_809 = vector.broadcast %jit3A_808 : f32 to vector<1024x16xf32>
      %select_n3A_810 = arith.select %gt3A_807, %dot_general3A_794, %broadcast_in_dim3A_809 : vector<1024x16xi1>, vector<1024x16xf32>
      %reduce_max3A = arith.constant dense<0xFF800000> : vector<16xf32>
      %reduce_max3A_811 = vector.multi_reduction <maximumf>, %select_n3A_810, %reduce_max3A [0] : vector<1024x16xf32> to vector<16xf32>
      %broadcast_in_dim3A_812 = vector.shape_cast %reduce_max3A_811 : vector<16xf32> to vector<1x16xf32>
      %max3A = arith.maximumf %scan3A_787, %broadcast_in_dim3A_812 : vector<1x16xf32>
      scf.yield %max3A : vector<1x16xf32>
    }
    %scan3A_369 = arith.constant 10 : i32
    %is_finite3A_370 = tpu.weird %scan3A_368 : vector<1x16xf32> -> vector<1x16xi1>
    %is_finite3A_371 = arith.constant dense<true> : vector<1x16xi1>
    %is_finite3A_372 = arith.xori %is_finite3A_370, %is_finite3A_371 : vector<1x16xi1>
    %jit3A_373 = arith.constant 0.000000e+00 : f32
    %broadcast_in_dim3A_374 = vector.broadcast %jit3A_373 : f32 to vector<1x16xf32>
    %select_n3A_375 = arith.select %is_finite3A_372, %scan3A_368, %broadcast_in_dim3A_374 : vector<1x16xi1>, vector<1x16xf32>
    %broadcast_in_dim3A_376 = arith.constant 0.000000e+00 : f32
    %broadcast_in_dim3A_377 = vector.broadcast %broadcast_in_dim3A_376 : f32 to vector<1x16xf32>
    %scan3A_378 = arith.constant 0 : i32
    %scan3A_379 = arith.constant 10 : i32
    %scan3A_380 = arith.addi %scan3A_378, %scan3A_379 : i32
    %scan3A_381 = arith.constant 1 : i32
    %scan3A_382 = scf.for %scan3A_786 = %scan3A_378 to %scan3A_380 step %scan3A_381 iter_args(%scan3A_787 = %broadcast_in_dim3A_377) -> (vector<1x16xf32>)  : i32 {
      %mul3A_788 = arith.constant 1024 : i32
      %mul3A_789 = arith.muli %scan3A_786, %mul3A_788 : i32
      %get3A_790 = arith.index_cast %mul3A_789 : i32 to index
      %get3A_791 = arith.constant 0 : index
      %get3A_792 = vector.load %arg3[%get3A_790, %get3A_791] : memref<10240x16xf32, #tpu.memory_space<vmem>>, vector<1024x16xf32>
      %mul3A_793 = arith.constant 1024 : i32
      %mul3A_794 = arith.muli %scan3A_786, %mul3A_793 : i32
      %get3A_795 = arith.index_cast %mul3A_794 : i32 to index
      %get3A_796 = arith.constant 0 : index
      %get3A_797 = vector.load %arg15[%get3A_795, %get3A_796] : memref<10240x16xf32, #tpu.memory_space<vmem>>, vector<1024x16xf32>
      %sub3A = vector.broadcast %select_n3A_375 : vector<1x16xf32> to vector<1024x16xf32>
      %sub3A_798 = arith.subf %get3A_797, %sub3A : vector<1024x16xf32>
      %exp3A = math.exp %sub3A_798 : vector<1024x16xf32>
      %mul3A_799 = arith.mulf %get3A_792, %exp3A : vector<1024x16xf32>
      %mul3A_800 = arith.constant 1024 : i32
      %mul3A_801 = arith.muli %scan3A_786, %mul3A_800 : i32
      %swap3A_802 = arith.index_cast %mul3A_801 : i32 to index
      %swap3A_803 = arith.constant 0 : index
      %swap3A_804 = vector.load %arg15[%swap3A_802, %swap3A_803] : memref<10240x16xf32, #tpu.memory_space<vmem>>, vector<1024x16xf32>
      tpu.vector_store %arg15[%swap3A_802, %swap3A_803], %mul3A_799 {strides = array<i32>} : memref<10240x16xf32, #tpu.memory_space<vmem>>, vector<1024x16xf32>,
      %reduce_sum3A_805 = arith.constant dense<0.000000e+00> : vector<16xf32>
      %reduce_sum3A_806 = vector.multi_reduction <add>, %mul3A_799, %reduce_sum3A_805 [0] : vector<1024x16xf32> to vector<16xf32>
      %broadcast_in_dim3A_807 = vector.shape_cast %reduce_sum3A_806 : vector<16xf32> to vector<1x16xf32>
      %add3A_808 = arith.addf %scan3A_787, %broadcast_in_dim3A_807 : vector<1x16xf32>
      scf.yield %add3A_808 : vector<1x16xf32>
    }
    %scan3A_383 = arith.constant 10 : i32
    %gt3A_384 = arith.constant 0.000000e+00 : f32
    %gt3A_385 = vector.broadcast %gt3A_384 : f32 to vector<1x16xf32>
    %gt3A_386 = arith.cmpf ogt, %scan3A_382, %gt3A_385 : vector<1x16xf32>
    %jit3A_387 = arith.constant 1.000000e+00 : f32
    %broadcast_in_dim3A_388 = vector.broadcast %jit3A_387 : f32 to vector<1x16xf32>
    %select_n3A_389 = arith.select %gt3A_386, %scan3A_382, %broadcast_in_dim3A_388 : vector<1x16xi1>, vector<1x16xf32>
    %div3A_390 = arith.constant 1.000000e+00 : f32
    %div3A_391 = vector.broadcast %div3A_390 : f32 to vector<1x16xf32>
    %div3A_392 = arith.divf %div3A_391, %select_n3A_389 : vector<1x16xf32>
    %broadcast_in_dim3A_393 = arith.constant 0.000000e+00 : f32
    %broadcast_in_dim3A_394 = vector.broadcast %broadcast_in_dim3A_393 : f32 to vector<16x512xf32>
    %scan3A_395 = arith.constant 0 : i32
    %scan3A_396 = arith.constant 10 : i32
    %scan3A_397 = arith.addi %scan3A_395, %scan3A_396 : i32
    %scan3A_398 = arith.constant 1 : i32
    %scan3A_399 = scf.for %scan3A_786 = %scan3A_395 to %scan3A_397 step %scan3A_398 iter_args(%scan3A_787 = %broadcast_in_dim3A_394) -> (vector<16x512xf32>)  : i32 {
      %mul3A_788 = arith.constant 1024 : i32
      %mul3A_789 = arith.muli %scan3A_786, %mul3A_788 : i32
      %get3A_790 = arith.index_cast %mul3A_789 : i32 to index
      %get3A_791 = arith.constant 0 : index
      %get3A_792 = vector.load %arg15[%get3A_790, %get3A_791] : memref<10240x16xf32, #tpu.memory_space<vmem>>, vector<1024x16xf32>
      %mul3A_793 = vector.broadcast %div3A_392 : vector<1x16xf32> to vector<1024x16xf32>
      %mul3A_794 = arith.mulf %get3A_792, %mul3A_793 : vector<1024x16xf32>
      %mul3A_795 = arith.constant 1024 : i32
      %mul3A_796 = arith.muli %scan3A_786, %mul3A_795 : i32
      %get3A_797 = arith.index_cast %mul3A_796 : i32 to index
      %get3A_798 = arith.constant 0 : index
      %get3A_799 = vector.load %arg13[%get3A_797, %get3A_798] : memref<10240x512xf32, #tpu.memory_space<vmem>>, vector<1024x512xf32>
      %dot_general3A_800 = arith.constant dense<0.000000e+00> : vector<16x512xf32>
      %dot_general3A_801 = tpu.matmul %mul3A_794, %get3A_799, %dot_general3A_800 {dimension_numbers = #tpu.dot_dimension_numbers<[0], [0], [1], [1], [0, 1, 1, 1], [], []>, transpose_lhs_hint = false} : vector<1024x16xf32>, vector<1024x512xf32>, vector<16x512xf32> -> vector<16x512xf32>
      %add3A_802 = arith.addf %scan3A_787, %dot_general3A_801 : vector<16x512xf32>
      scf.yield %add3A_802 : vector<16x512xf32>
    }
    %scan3A_400 = arith.constant 10 : i32
    %convert_element_type3A_401 = arith.truncf %mul3A_361 : vector<16x512xf32> to vector<16x512xbf16>
    %convert_element_type3A_402 = arith.truncf %scan3A_399 : vector<16x512xf32> to vector<16x512xbf16>
    %get3A_403 = arith.constant 0 : index
    %get3A_404 = arith.constant 0 : index
    %get3A_405 = vector.load %arg4[%get3A_403, %get3A_404] : memref<512x2048xbf16, #tpu.memory_space<vmem>>, vector<512x2048xbf16>
    %dot_general3A_406 = arith.constant dense<0.000000e+00> : vector<16x2048xf32>
    %dot_general3A_407 = tpu.matmul %convert_element_type3A_401, %get3A_405, %dot_general3A_406 {dimension_numbers = #tpu.dot_dimension_numbers<[1], [0], [0], [1], [0, 0, 1, 1], [], []>, transpose_lhs_hint = false} : vector<16x512xbf16>, vector<512x2048xbf16>, vector<16x2048xf32> -> vector<16x2048xf32>
    %get3A_408 = arith.constant 0 : index
    %get3A_409 = arith.constant 0 : index
    %get3A_410 = vector.load %arg5[%get3A_408, %get3A_409] : memref<512x2048xbf16, #tpu.memory_space<vmem>>, vector<512x2048xbf16>
    %dot_general3A_411 = arith.constant dense<0.000000e+00> : vector<16x2048xf32>
    %dot_general3A_412 = tpu.matmul %convert_element_type3A_402, %get3A_410, %dot_general3A_411 {dimension_numbers = #tpu.dot_dimension_numbers<[1], [0], [0], [1], [0, 0, 1, 1], [], []>, transpose_lhs_hint = false} : vector<16x512xbf16>, vector<512x2048xbf16>, vector<16x2048xf32> -> vector<16x2048xf32>
    %add3A_413 = arith.addf %dot_general3A_407, %dot_general3A_412 : vector<16x2048xf32>
    %get3A_414 = arith.constant 0 : index
    %get3A_415 = arith.constant 0 : index
    %get3A_416 = vector.load %arg6[%get3A_414, %get3A_415] : memref<512x2048xbf16, #tpu.memory_space<vmem>>, vector<512x2048xbf16>
    %dot_general3A_417 = arith.constant dense<0.000000e+00> : vector<16x2048xf32>
    %dot_general3A_418 = tpu.matmul %convert_element_type3A_401, %get3A_416, %dot_general3A_417 {dimension_numbers = #tpu.dot_dimension_numbers<[1], [0], [0], [1], [0, 0, 1, 1], [], []>, transpose_lhs_hint = false} : vector<16x512xbf16>, vector<512x2048xbf16>, vector<16x2048xf32> -> vector<16x2048xf32>
    %add3A_419 = arith.addf %add3A_413, %dot_general3A_418 : vector<16x2048xf32>
    %get3A_420 = arith.constant 0 : index
    %get3A_421 = arith.constant 0 : index
    %get3A_422 = vector.load %arg7[%get3A_420, %get3A_421] : memref<1x2048xf32, #tpu.memory_space<vmem>>, vector<1x2048xf32>
    %add3A_423 = vector.broadcast %get3A_422 : vector<1x2048xf32> to vector<16x2048xf32>
    %add3A_424 = arith.addf %add3A_419, %add3A_423 : vector<16x2048xf32>
    %slice3A_425 = vector.extract_strided_slice %add3A_424 {offsets = [0, 0], sizes = [16, 512], strides = [1, 1]} : vector<16x2048xf32> to vector<16x512xf32>
    %slice3A_426 = vector.extract_strided_slice %add3A_424 {offsets = [0, 512], sizes = [16, 512], strides = [1, 1]} : vector<16x2048xf32> to vector<16x512xf32>
    %slice3A_427 = vector.extract_strided_slice %add3A_424 {offsets = [0, 1024], sizes = [16, 512], strides = [1, 1]} : vector<16x2048xf32> to vector<16x512xf32>
    %slice3A_428 = vector.extract_strided_slice %add3A_424 {offsets = [0, 1536], sizes = [16, 512], strides = [1, 1]} : vector<16x2048xf32> to vector<16x512xf32>
    %logistic3A_429 = arith.negf %slice3A_426 : vector<16x512xf32>
    %logistic3A_430 = math.exp %logistic3A_429 : vector<16x512xf32>
    %logistic3A_431 = arith.constant 1.000000e+00 : f32
    %logistic3A_432 = vector.broadcast %logistic3A_431 : f32 to vector<16x512xf32>
    %logistic3A_433 = arith.addf %logistic3A_432, %logistic3A_430 : vector<16x512xf32>
    %logistic3A_434 = arith.divf %logistic3A_432, %logistic3A_433 : vector<16x512xf32>
    %mul3A_435 = arith.mulf %logistic3A_434, %add3A_353 : vector<16x512xf32>
    %logistic3A_436 = arith.negf %slice3A_425 : vector<16x512xf32>
    %logistic3A_437 = math.exp %logistic3A_436 : vector<16x512xf32>
    %logistic3A_438 = arith.constant 1.000000e+00 : f32
    %logistic3A_439 = vector.broadcast %logistic3A_438 : f32 to vector<16x512xf32>
    %logistic3A_440 = arith.addf %logistic3A_439, %logistic3A_437 : vector<16x512xf32>
    %logistic3A_441 = arith.divf %logistic3A_439, %logistic3A_440 : vector<16x512xf32>
    %tanh3A_442 = math.tanh %slice3A_427 : vector<16x512xf32>
    %mul3A_443 = arith.mulf %logistic3A_441, %tanh3A_442 : vector<16x512xf32>
    %add3A_444 = arith.addf %mul3A_435, %mul3A_443 : vector<16x512xf32>
    %logistic3A_445 = arith.negf %slice3A_428 : vector<16x512xf32>
    %logistic3A_446 = math.exp %logistic3A_445 : vector<16x512xf32>
    %logistic3A_447 = arith.constant 1.000000e+00 : f32
    %logistic3A_448 = vector.broadcast %logistic3A_447 : f32 to vector<16x512xf32>
    %logistic3A_449 = arith.addf %logistic3A_448, %logistic3A_446 : vector<16x512xf32>
    %logistic3A_450 = arith.divf %logistic3A_448, %logistic3A_449 : vector<16x512xf32>
    %tanh3A_451 = math.tanh %add3A_444 : vector<16x512xf32>
    %mul3A_452 = arith.mulf %logistic3A_450, %tanh3A_451 : vector<16x512xf32>
    %broadcast_in_dim3A_453 = arith.constant 0xFF800000 : f32
    %broadcast_in_dim3A_454 = vector.broadcast %broadcast_in_dim3A_453 : f32 to vector<1x16xf32>
    %scan3A_455 = arith.constant 0 : i32
    %scan3A_456 = arith.constant 10 : i32
    %scan3A_457 = arith.addi %scan3A_455, %scan3A_456 : i32
    %scan3A_458 = arith.constant 1 : i32
    %scan3A_459 = scf.for %scan3A_786 = %scan3A_455 to %scan3A_457 step %scan3A_458 iter_args(%scan3A_787 = %broadcast_in_dim3A_454) -> (vector<1x16xf32>)  : i32 {
      %mul3A_788 = arith.constant 1024 : i32
      %mul3A_789 = arith.muli %scan3A_786, %mul3A_788 : i32
      %get3A_790 = arith.index_cast %mul3A_789 : i32 to index
      %get3A_791 = arith.constant 0 : index
      %get3A_792 = vector.load %arg13[%get3A_790, %get3A_791] : memref<10240x512xf32, #tpu.memory_space<vmem>>, vector<1024x512xf32>
      %dot_general3A_793 = arith.constant dense<0.000000e+00> : vector<1024x16xf32>
      %dot_general3A_794 = tpu.matmul %get3A_792, %mul3A_452, %dot_general3A_793 {dimension_numbers = #tpu.dot_dimension_numbers<[1], [1], [0], [0], [0, 0, 1, 0], [], []>, transpose_lhs_hint = false} : vector<1024x512xf32>, vector<16x512xf32>, vector<1024x16xf32> -> vector<1024x16xf32>
      %mul3A_795 = arith.constant 1024 : i32
      %mul3A_796 = arith.muli %scan3A_786, %mul3A_795 : i32
      %swap3A_797 = arith.index_cast %mul3A_796 : i32 to index
      %swap3A_798 = arith.constant 0 : index
      %swap3A_799 = vector.load %arg15[%swap3A_797, %swap3A_798] : memref<10240x16xf32, #tpu.memory_space<vmem>>, vector<1024x16xf32>
      tpu.vector_store %arg15[%swap3A_797, %swap3A_798], %dot_general3A_794 {strides = array<i32>} : memref<10240x16xf32, #tpu.memory_space<vmem>>, vector<1024x16xf32>,
      %mul3A_800 = arith.constant 1024 : i32
      %mul3A_801 = arith.muli %scan3A_786, %mul3A_800 : i32
      %get3A_802 = arith.index_cast %mul3A_801 : i32 to index
      %get3A_803 = arith.constant 0 : index
      %get3A_804 = vector.load %arg3[%get3A_802, %get3A_803] : memref<10240x16xf32, #tpu.memory_space<vmem>>, vector<1024x16xf32>
      %gt3A_805 = arith.constant 0.000000e+00 : f32
      %gt3A_806 = vector.broadcast %gt3A_805 : f32 to vector<1024x16xf32>
      %gt3A_807 = arith.cmpf ogt, %get3A_804, %gt3A_806 : vector<1024x16xf32>
      %jit3A_808 = arith.constant 0xFF800000 : f32
      %broadcast_in_dim3A_809 = vector.broadcast %jit3A_808 : f32 to vector<1024x16xf32>
      %select_n3A_810 = arith.select %gt3A_807, %dot_general3A_794, %broadcast_in_dim3A_809 : vector<1024x16xi1>, vector<1024x16xf32>
      %reduce_max3A = arith.constant dense<0xFF800000> : vector<16xf32>
      %reduce_max3A_811 = vector.multi_reduction <maximumf>, %select_n3A_810, %reduce_max3A [0] : vector<1024x16xf32> to vector<16xf32>
      %broadcast_in_dim3A_812 = vector.shape_cast %reduce_max3A_811 : vector<16xf32> to vector<1x16xf32>
      %max3A = arith.maximumf %scan3A_787, %broadcast_in_dim3A_812 : vector<1x16xf32>
      scf.yield %max3A : vector<1x16xf32>
    }
    %scan3A_460 = arith.constant 10 : i32
    %is_finite3A_461 = tpu.weird %scan3A_459 : vector<1x16xf32> -> vector<1x16xi1>
    %is_finite3A_462 = arith.constant dense<true> : vector<1x16xi1>
    %is_finite3A_463 = arith.xori %is_finite3A_461, %is_finite3A_462 : vector<1x16xi1>
    %jit3A_464 = arith.constant 0.000000e+00 : f32
    %broadcast_in_dim3A_465 = vector.broadcast %jit3A_464 : f32 to vector<1x16xf32>
    %select_n3A_466 = arith.select %is_finite3A_463, %scan3A_459, %broadcast_in_dim3A_465 : vector<1x16xi1>, vector<1x16xf32>
    %broadcast_in_dim3A_467 = arith.constant 0.000000e+00 : f32
    %broadcast_in_dim3A_468 = vector.broadcast %broadcast_in_dim3A_467 : f32 to vector<1x16xf32>
    %scan3A_469 = arith.constant 0 : i32
    %scan3A_470 = arith.constant 10 : i32
    %scan3A_471 = arith.addi %scan3A_469, %scan3A_470 : i32
    %scan3A_472 = arith.constant 1 : i32
    %scan3A_473 = scf.for %scan3A_786 = %scan3A_469 to %scan3A_471 step %scan3A_472 iter_args(%scan3A_787 = %broadcast_in_dim3A_468) -> (vector<1x16xf32>)  : i32 {
      %mul3A_788 = arith.constant 1024 : i32
      %mul3A_789 = arith.muli %scan3A_786, %mul3A_788 : i32
      %get3A_790 = arith.index_cast %mul3A_789 : i32 to index
      %get3A_791 = arith.constant 0 : index
      %get3A_792 = vector.load %arg3[%get3A_790, %get3A_791] : memref<10240x16xf32, #tpu.memory_space<vmem>>, vector<1024x16xf32>
      %mul3A_793 = arith.constant 1024 : i32
      %mul3A_794 = arith.muli %scan3A_786, %mul3A_793 : i32
      %get3A_795 = arith.index_cast %mul3A_794 : i32 to index
      %get3A_796 = arith.constant 0 : index
      %get3A_797 = vector.load %arg15[%get3A_795, %get3A_796] : memref<10240x16xf32, #tpu.memory_space<vmem>>, vector<1024x16xf32>
      %sub3A = vector.broadcast %select_n3A_466 : vector<1x16xf32> to vector<1024x16xf32>
      %sub3A_798 = arith.subf %get3A_797, %sub3A : vector<1024x16xf32>
      %exp3A = math.exp %sub3A_798 : vector<1024x16xf32>
      %mul3A_799 = arith.mulf %get3A_792, %exp3A : vector<1024x16xf32>
      %mul3A_800 = arith.constant 1024 : i32
      %mul3A_801 = arith.muli %scan3A_786, %mul3A_800 : i32
      %swap3A_802 = arith.index_cast %mul3A_801 : i32 to index
      %swap3A_803 = arith.constant 0 : index
      %swap3A_804 = vector.load %arg15[%swap3A_802, %swap3A_803] : memref<10240x16xf32, #tpu.memory_space<vmem>>, vector<1024x16xf32>
      tpu.vector_store %arg15[%swap3A_802, %swap3A_803], %mul3A_799 {strides = array<i32>} : memref<10240x16xf32, #tpu.memory_space<vmem>>, vector<1024x16xf32>,
      %reduce_sum3A_805 = arith.constant dense<0.000000e+00> : vector<16xf32>
      %reduce_sum3A_806 = vector.multi_reduction <add>, %mul3A_799, %reduce_sum3A_805 [0] : vector<1024x16xf32> to vector<16xf32>
      %broadcast_in_dim3A_807 = vector.shape_cast %reduce_sum3A_806 : vector<16xf32> to vector<1x16xf32>
      %add3A_808 = arith.addf %scan3A_787, %broadcast_in_dim3A_807 : vector<1x16xf32>
      scf.yield %add3A_808 : vector<1x16xf32>
    }
    %scan3A_474 = arith.constant 10 : i32
    %gt3A_475 = arith.constant 0.000000e+00 : f32
    %gt3A_476 = vector.broadcast %gt3A_475 : f32 to vector<1x16xf32>
    %gt3A_477 = arith.cmpf ogt, %scan3A_473, %gt3A_476 : vector<1x16xf32>
    %jit3A_478 = arith.constant 1.000000e+00 : f32
    %broadcast_in_dim3A_479 = vector.broadcast %jit3A_478 : f32 to vector<1x16xf32>
    %select_n3A_480 = arith.select %gt3A_477, %scan3A_473, %broadcast_in_dim3A_479 : vector<1x16xi1>, vector<1x16xf32>
    %div3A_481 = arith.constant 1.000000e+00 : f32
    %div3A_482 = vector.broadcast %div3A_481 : f32 to vector<1x16xf32>
    %div3A_483 = arith.divf %div3A_482, %select_n3A_480 : vector<1x16xf32>
    %broadcast_in_dim3A_484 = arith.constant 0.000000e+00 : f32
    %broadcast_in_dim3A_485 = vector.broadcast %broadcast_in_dim3A_484 : f32 to vector<16x512xf32>
    %scan3A_486 = arith.constant 0 : i32
    %scan3A_487 = arith.constant 10 : i32
    %scan3A_488 = arith.addi %scan3A_486, %scan3A_487 : i32
    %scan3A_489 = arith.constant 1 : i32
    %scan3A_490 = scf.for %scan3A_786 = %scan3A_486 to %scan3A_488 step %scan3A_489 iter_args(%scan3A_787 = %broadcast_in_dim3A_485) -> (vector<16x512xf32>)  : i32 {
      %mul3A_788 = arith.constant 1024 : i32
      %mul3A_789 = arith.muli %scan3A_786, %mul3A_788 : i32
      %get3A_790 = arith.index_cast %mul3A_789 : i32 to index
      %get3A_791 = arith.constant 0 : index
      %get3A_792 = vector.load %arg15[%get3A_790, %get3A_791] : memref<10240x16xf32, #tpu.memory_space<vmem>>, vector<1024x16xf32>
      %mul3A_793 = vector.broadcast %div3A_483 : vector<1x16xf32> to vector<1024x16xf32>
      %mul3A_794 = arith.mulf %get3A_792, %mul3A_793 : vector<1024x16xf32>
      %mul3A_795 = arith.constant 1024 : i32
      %mul3A_796 = arith.muli %scan3A_786, %mul3A_795 : i32
      %get3A_797 = arith.index_cast %mul3A_796 : i32 to index
      %get3A_798 = arith.constant 0 : index
      %get3A_799 = vector.load %arg13[%get3A_797, %get3A_798] : memref<10240x512xf32, #tpu.memory_space<vmem>>, vector<1024x512xf32>
      %dot_general3A_800 = arith.constant dense<0.000000e+00> : vector<16x512xf32>
      %dot_general3A_801 = tpu.matmul %mul3A_794, %get3A_799, %dot_general3A_800 {dimension_numbers = #tpu.dot_dimension_numbers<[0], [0], [1], [1], [0, 1, 1, 1], [], []>, transpose_lhs_hint = false} : vector<1024x16xf32>, vector<1024x512xf32>, vector<16x512xf32> -> vector<16x512xf32>
      %add3A_802 = arith.addf %scan3A_787, %dot_general3A_801 : vector<16x512xf32>
      scf.yield %add3A_802 : vector<16x512xf32>
    }
    %scan3A_491 = arith.constant 10 : i32
    %convert_element_type3A_492 = arith.truncf %mul3A_452 : vector<16x512xf32> to vector<16x512xbf16>
    %convert_element_type3A_493 = arith.truncf %scan3A_490 : vector<16x512xf32> to vector<16x512xbf16>
    %get3A_494 = arith.constant 0 : index
    %get3A_495 = arith.constant 0 : index
    %get3A_496 = vector.load %arg4[%get3A_494, %get3A_495] : memref<512x2048xbf16, #tpu.memory_space<vmem>>, vector<512x2048xbf16>
    %dot_general3A_497 = arith.constant dense<0.000000e+00> : vector<16x2048xf32>
    %dot_general3A_498 = tpu.matmul %convert_element_type3A_492, %get3A_496, %dot_general3A_497 {dimension_numbers = #tpu.dot_dimension_numbers<[1], [0], [0], [1], [0, 0, 1, 1], [], []>, transpose_lhs_hint = false} : vector<16x512xbf16>, vector<512x2048xbf16>, vector<16x2048xf32> -> vector<16x2048xf32>
    %get3A_499 = arith.constant 0 : index
    %get3A_500 = arith.constant 0 : index
    %get3A_501 = vector.load %arg5[%get3A_499, %get3A_500] : memref<512x2048xbf16, #tpu.memory_space<vmem>>, vector<512x2048xbf16>
    %dot_general3A_502 = arith.constant dense<0.000000e+00> : vector<16x2048xf32>
    %dot_general3A_503 = tpu.matmul %convert_element_type3A_493, %get3A_501, %dot_general3A_502 {dimension_numbers = #tpu.dot_dimension_numbers<[1], [0], [0], [1], [0, 0, 1, 1], [], []>, transpose_lhs_hint = false} : vector<16x512xbf16>, vector<512x2048xbf16>, vector<16x2048xf32> -> vector<16x2048xf32>
    %add3A_504 = arith.addf %dot_general3A_498, %dot_general3A_503 : vector<16x2048xf32>
    %get3A_505 = arith.constant 0 : index
    %get3A_506 = arith.constant 0 : index
    %get3A_507 = vector.load %arg6[%get3A_505, %get3A_506] : memref<512x2048xbf16, #tpu.memory_space<vmem>>, vector<512x2048xbf16>
    %dot_general3A_508 = arith.constant dense<0.000000e+00> : vector<16x2048xf32>
    %dot_general3A_509 = tpu.matmul %convert_element_type3A_492, %get3A_507, %dot_general3A_508 {dimension_numbers = #tpu.dot_dimension_numbers<[1], [0], [0], [1], [0, 0, 1, 1], [], []>, transpose_lhs_hint = false} : vector<16x512xbf16>, vector<512x2048xbf16>, vector<16x2048xf32> -> vector<16x2048xf32>
    %add3A_510 = arith.addf %add3A_504, %dot_general3A_509 : vector<16x2048xf32>
    %get3A_511 = arith.constant 0 : index
    %get3A_512 = arith.constant 0 : index
    %get3A_513 = vector.load %arg7[%get3A_511, %get3A_512] : memref<1x2048xf32, #tpu.memory_space<vmem>>, vector<1x2048xf32>
    %add3A_514 = vector.broadcast %get3A_513 : vector<1x2048xf32> to vector<16x2048xf32>
    %add3A_515 = arith.addf %add3A_510, %add3A_514 : vector<16x2048xf32>
    %slice3A_516 = vector.extract_strided_slice %add3A_515 {offsets = [0, 0], sizes = [16, 512], strides = [1, 1]} : vector<16x2048xf32> to vector<16x512xf32>
    %slice3A_517 = vector.extract_strided_slice %add3A_515 {offsets = [0, 512], sizes = [16, 512], strides = [1, 1]} : vector<16x2048xf32> to vector<16x512xf32>
    %slice3A_518 = vector.extract_strided_slice %add3A_515 {offsets = [0, 1024], sizes = [16, 512], strides = [1, 1]} : vector<16x2048xf32> to vector<16x512xf32>
    %slice3A_519 = vector.extract_strided_slice %add3A_515 {offsets = [0, 1536], sizes = [16, 512], strides = [1, 1]} : vector<16x2048xf32> to vector<16x512xf32>
    %logistic3A_520 = arith.negf %slice3A_517 : vector<16x512xf32>
    %logistic3A_521 = math.exp %logistic3A_520 : vector<16x512xf32>
    %logistic3A_522 = arith.constant 1.000000e+00 : f32
    %logistic3A_523 = vector.broadcast %logistic3A_522 : f32 to vector<16x512xf32>
    %logistic3A_524 = arith.addf %logistic3A_523, %logistic3A_521 : vector<16x512xf32>
    %logistic3A_525 = arith.divf %logistic3A_523, %logistic3A_524 : vector<16x512xf32>
    %mul3A_526 = arith.mulf %logistic3A_525, %add3A_444 : vector<16x512xf32>
    %logistic3A_527 = arith.negf %slice3A_516 : vector<16x512xf32>
    %logistic3A_528 = math.exp %logistic3A_527 : vector<16x512xf32>
    %logistic3A_529 = arith.constant 1.000000e+00 : f32
    %logistic3A_530 = vector.broadcast %logistic3A_529 : f32 to vector<16x512xf32>
    %logistic3A_531 = arith.addf %logistic3A_530, %logistic3A_528 : vector<16x512xf32>
    %logistic3A_532 = arith.divf %logistic3A_530, %logistic3A_531 : vector<16x512xf32>
    %tanh3A_533 = math.tanh %slice3A_518 : vector<16x512xf32>
    %mul3A_534 = arith.mulf %logistic3A_532, %tanh3A_533 : vector<16x512xf32>
    %add3A_535 = arith.addf %mul3A_526, %mul3A_534 : vector<16x512xf32>
    %logistic3A_536 = arith.negf %slice3A_519 : vector<16x512xf32>
    %logistic3A_537 = math.exp %logistic3A_536 : vector<16x512xf32>
    %logistic3A_538 = arith.constant 1.000000e+00 : f32
    %logistic3A_539 = vector.broadcast %logistic3A_538 : f32 to vector<16x512xf32>
    %logistic3A_540 = arith.addf %logistic3A_539, %logistic3A_537 : vector<16x512xf32>
    %logistic3A_541 = arith.divf %logistic3A_539, %logistic3A_540 : vector<16x512xf32>
    %tanh3A_542 = math.tanh %add3A_535 : vector<16x512xf32>
    %mul3A_543 = arith.mulf %logistic3A_541, %tanh3A_542 : vector<16x512xf32>
    %broadcast_in_dim3A_544 = arith.constant 0xFF800000 : f32
    %broadcast_in_dim3A_545 = vector.broadcast %broadcast_in_dim3A_544 : f32 to vector<1x16xf32>
    %scan3A_546 = arith.constant 0 : i32
    %scan3A_547 = arith.constant 10 : i32
    %scan3A_548 = arith.addi %scan3A_546, %scan3A_547 : i32
    %scan3A_549 = arith.constant 1 : i32
    %scan3A_550 = scf.for %scan3A_786 = %scan3A_546 to %scan3A_548 step %scan3A_549 iter_args(%scan3A_787 = %broadcast_in_dim3A_545) -> (vector<1x16xf32>)  : i32 {
      %mul3A_788 = arith.constant 1024 : i32
      %mul3A_789 = arith.muli %scan3A_786, %mul3A_788 : i32
      %get3A_790 = arith.index_cast %mul3A_789 : i32 to index
      %get3A_791 = arith.constant 0 : index
      %get3A_792 = vector.load %arg13[%get3A_790, %get3A_791] : memref<10240x512xf32, #tpu.memory_space<vmem>>, vector<1024x512xf32>
      %dot_general3A_793 = arith.constant dense<0.000000e+00> : vector<1024x16xf32>
      %dot_general3A_794 = tpu.matmul %get3A_792, %mul3A_543, %dot_general3A_793 {dimension_numbers = #tpu.dot_dimension_numbers<[1], [1], [0], [0], [0, 0, 1, 0], [], []>, transpose_lhs_hint = false} : vector<1024x512xf32>, vector<16x512xf32>, vector<1024x16xf32> -> vector<1024x16xf32>
      %mul3A_795 = arith.constant 1024 : i32
      %mul3A_796 = arith.muli %scan3A_786, %mul3A_795 : i32
      %swap3A_797 = arith.index_cast %mul3A_796 : i32 to index
      %swap3A_798 = arith.constant 0 : index
      %swap3A_799 = vector.load %arg15[%swap3A_797, %swap3A_798] : memref<10240x16xf32, #tpu.memory_space<vmem>>, vector<1024x16xf32>
      tpu.vector_store %arg15[%swap3A_797, %swap3A_798], %dot_general3A_794 {strides = array<i32>} : memref<10240x16xf32, #tpu.memory_space<vmem>>, vector<1024x16xf32>,
      %mul3A_800 = arith.constant 1024 : i32
      %mul3A_801 = arith.muli %scan3A_786, %mul3A_800 : i32
      %get3A_802 = arith.index_cast %mul3A_801 : i32 to index
      %get3A_803 = arith.constant 0 : index
      %get3A_804 = vector.load %arg3[%get3A_802, %get3A_803] : memref<10240x16xf32, #tpu.memory_space<vmem>>, vector<1024x16xf32>
      %gt3A_805 = arith.constant 0.000000e+00 : f32
      %gt3A_806 = vector.broadcast %gt3A_805 : f32 to vector<1024x16xf32>
      %gt3A_807 = arith.cmpf ogt, %get3A_804, %gt3A_806 : vector<1024x16xf32>
      %jit3A_808 = arith.constant 0xFF800000 : f32
      %broadcast_in_dim3A_809 = vector.broadcast %jit3A_808 : f32 to vector<1024x16xf32>
      %select_n3A_810 = arith.select %gt3A_807, %dot_general3A_794, %broadcast_in_dim3A_809 : vector<1024x16xi1>, vector<1024x16xf32>
      %reduce_max3A = arith.constant dense<0xFF800000> : vector<16xf32>
      %reduce_max3A_811 = vector.multi_reduction <maximumf>, %select_n3A_810, %reduce_max3A [0] : vector<1024x16xf32> to vector<16xf32>
      %broadcast_in_dim3A_812 = vector.shape_cast %reduce_max3A_811 : vector<16xf32> to vector<1x16xf32>
      %max3A = arith.maximumf %scan3A_787, %broadcast_in_dim3A_812 : vector<1x16xf32>
      scf.yield %max3A : vector<1x16xf32>
    }
    %scan3A_551 = arith.constant 10 : i32
    %is_finite3A_552 = tpu.weird %scan3A_550 : vector<1x16xf32> -> vector<1x16xi1>
    %is_finite3A_553 = arith.constant dense<true> : vector<1x16xi1>
    %is_finite3A_554 = arith.xori %is_finite3A_552, %is_finite3A_553 : vector<1x16xi1>
    %jit3A_555 = arith.constant 0.000000e+00 : f32
    %broadcast_in_dim3A_556 = vector.broadcast %jit3A_555 : f32 to vector<1x16xf32>
    %select_n3A_557 = arith.select %is_finite3A_554, %scan3A_550, %broadcast_in_dim3A_556 : vector<1x16xi1>, vector<1x16xf32>
    %broadcast_in_dim3A_558 = arith.constant 0.000000e+00 : f32
    %broadcast_in_dim3A_559 = vector.broadcast %broadcast_in_dim3A_558 : f32 to vector<1x16xf32>
    %scan3A_560 = arith.constant 0 : i32
    %scan3A_561 = arith.constant 10 : i32
    %scan3A_562 = arith.addi %scan3A_560, %scan3A_561 : i32
    %scan3A_563 = arith.constant 1 : i32
    %scan3A_564 = scf.for %scan3A_786 = %scan3A_560 to %scan3A_562 step %scan3A_563 iter_args(%scan3A_787 = %broadcast_in_dim3A_559) -> (vector<1x16xf32>)  : i32 {
      %mul3A_788 = arith.constant 1024 : i32
      %mul3A_789 = arith.muli %scan3A_786, %mul3A_788 : i32
      %get3A_790 = arith.index_cast %mul3A_789 : i32 to index
      %get3A_791 = arith.constant 0 : index
      %get3A_792 = vector.load %arg3[%get3A_790, %get3A_791] : memref<10240x16xf32, #tpu.memory_space<vmem>>, vector<1024x16xf32>
      %mul3A_793 = arith.constant 1024 : i32
      %mul3A_794 = arith.muli %scan3A_786, %mul3A_793 : i32
      %get3A_795 = arith.index_cast %mul3A_794 : i32 to index
      %get3A_796 = arith.constant 0 : index
      %get3A_797 = vector.load %arg15[%get3A_795, %get3A_796] : memref<10240x16xf32, #tpu.memory_space<vmem>>, vector<1024x16xf32>
      %sub3A = vector.broadcast %select_n3A_557 : vector<1x16xf32> to vector<1024x16xf32>
      %sub3A_798 = arith.subf %get3A_797, %sub3A : vector<1024x16xf32>
      %exp3A = math.exp %sub3A_798 : vector<1024x16xf32>
      %mul3A_799 = arith.mulf %get3A_792, %exp3A : vector<1024x16xf32>
      %mul3A_800 = arith.constant 1024 : i32
      %mul3A_801 = arith.muli %scan3A_786, %mul3A_800 : i32
      %swap3A_802 = arith.index_cast %mul3A_801 : i32 to index
      %swap3A_803 = arith.constant 0 : index
      %swap3A_804 = vector.load %arg15[%swap3A_802, %swap3A_803] : memref<10240x16xf32, #tpu.memory_space<vmem>>, vector<1024x16xf32>
      tpu.vector_store %arg15[%swap3A_802, %swap3A_803], %mul3A_799 {strides = array<i32>} : memref<10240x16xf32, #tpu.memory_space<vmem>>, vector<1024x16xf32>,
      %reduce_sum3A_805 = arith.constant dense<0.000000e+00> : vector<16xf32>
      %reduce_sum3A_806 = vector.multi_reduction <add>, %mul3A_799, %reduce_sum3A_805 [0] : vector<1024x16xf32> to vector<16xf32>
      %broadcast_in_dim3A_807 = vector.shape_cast %reduce_sum3A_806 : vector<16xf32> to vector<1x16xf32>
      %add3A_808 = arith.addf %scan3A_787, %broadcast_in_dim3A_807 : vector<1x16xf32>
      scf.yield %add3A_808 : vector<1x16xf32>
    }
    %scan3A_565 = arith.constant 10 : i32
    %gt3A_566 = arith.constant 0.000000e+00 : f32
    %gt3A_567 = vector.broadcast %gt3A_566 : f32 to vector<1x16xf32>
    %gt3A_568 = arith.cmpf ogt, %scan3A_564, %gt3A_567 : vector<1x16xf32>
    %jit3A_569 = arith.constant 1.000000e+00 : f32
    %broadcast_in_dim3A_570 = vector.broadcast %jit3A_569 : f32 to vector<1x16xf32>
    %select_n3A_571 = arith.select %gt3A_568, %scan3A_564, %broadcast_in_dim3A_570 : vector<1x16xi1>, vector<1x16xf32>
    %div3A_572 = arith.constant 1.000000e+00 : f32
    %div3A_573 = vector.broadcast %div3A_572 : f32 to vector<1x16xf32>
    %div3A_574 = arith.divf %div3A_573, %select_n3A_571 : vector<1x16xf32>
    %broadcast_in_dim3A_575 = arith.constant 0.000000e+00 : f32
    %broadcast_in_dim3A_576 = vector.broadcast %broadcast_in_dim3A_575 : f32 to vector<16x512xf32>
    %scan3A_577 = arith.constant 0 : i32
    %scan3A_578 = arith.constant 10 : i32
    %scan3A_579 = arith.addi %scan3A_577, %scan3A_578 : i32
    %scan3A_580 = arith.constant 1 : i32
    %scan3A_581 = scf.for %scan3A_786 = %scan3A_577 to %scan3A_579 step %scan3A_580 iter_args(%scan3A_787 = %broadcast_in_dim3A_576) -> (vector<16x512xf32>)  : i32 {
      %mul3A_788 = arith.constant 1024 : i32
      %mul3A_789 = arith.muli %scan3A_786, %mul3A_788 : i32
      %get3A_790 = arith.index_cast %mul3A_789 : i32 to index
      %get3A_791 = arith.constant 0 : index
      %get3A_792 = vector.load %arg15[%get3A_790, %get3A_791] : memref<10240x16xf32, #tpu.memory_space<vmem>>, vector<1024x16xf32>
      %mul3A_793 = vector.broadcast %div3A_574 : vector<1x16xf32> to vector<1024x16xf32>
      %mul3A_794 = arith.mulf %get3A_792, %mul3A_793 : vector<1024x16xf32>
      %mul3A_795 = arith.constant 1024 : i32
      %mul3A_796 = arith.muli %scan3A_786, %mul3A_795 : i32
      %get3A_797 = arith.index_cast %mul3A_796 : i32 to index
      %get3A_798 = arith.constant 0 : index
      %get3A_799 = vector.load %arg13[%get3A_797, %get3A_798] : memref<10240x512xf32, #tpu.memory_space<vmem>>, vector<1024x512xf32>
      %dot_general3A_800 = arith.constant dense<0.000000e+00> : vector<16x512xf32>
      %dot_general3A_801 = tpu.matmul %mul3A_794, %get3A_799, %dot_general3A_800 {dimension_numbers = #tpu.dot_dimension_numbers<[0], [0], [1], [1], [0, 1, 1, 1], [], []>, transpose_lhs_hint = false} : vector<1024x16xf32>, vector<1024x512xf32>, vector<16x512xf32> -> vector<16x512xf32>
      %add3A_802 = arith.addf %scan3A_787, %dot_general3A_801 : vector<16x512xf32>
      scf.yield %add3A_802 : vector<16x512xf32>
    }
    %scan3A_582 = arith.constant 10 : i32
    %convert_element_type3A_583 = arith.truncf %mul3A_543 : vector<16x512xf32> to vector<16x512xbf16>
    %convert_element_type3A_584 = arith.truncf %scan3A_581 : vector<16x512xf32> to vector<16x512xbf16>
    %get3A_585 = arith.constant 0 : index
    %get3A_586 = arith.constant 0 : index
    %get3A_587 = vector.load %arg4[%get3A_585, %get3A_586] : memref<512x2048xbf16, #tpu.memory_space<vmem>>, vector<512x2048xbf16>
    %dot_general3A_588 = arith.constant dense<0.000000e+00> : vector<16x2048xf32>
    %dot_general3A_589 = tpu.matmul %convert_element_type3A_583, %get3A_587, %dot_general3A_588 {dimension_numbers = #tpu.dot_dimension_numbers<[1], [0], [0], [1], [0, 0, 1, 1], [], []>, transpose_lhs_hint = false} : vector<16x512xbf16>, vector<512x2048xbf16>, vector<16x2048xf32> -> vector<16x2048xf32>
    %get3A_590 = arith.constant 0 : index
    %get3A_591 = arith.constant 0 : index
    %get3A_592 = vector.load %arg5[%get3A_590, %get3A_591] : memref<512x2048xbf16, #tpu.memory_space<vmem>>, vector<512x2048xbf16>
    %dot_general3A_593 = arith.constant dense<0.000000e+00> : vector<16x2048xf32>
    %dot_general3A_594 = tpu.matmul %convert_element_type3A_584, %get3A_592, %dot_general3A_593 {dimension_numbers = #tpu.dot_dimension_numbers<[1], [0], [0], [1], [0, 0, 1, 1], [], []>, transpose_lhs_hint = false} : vector<16x512xbf16>, vector<512x2048xbf16>, vector<16x2048xf32> -> vector<16x2048xf32>
    %add3A_595 = arith.addf %dot_general3A_589, %dot_general3A_594 : vector<16x2048xf32>
    %get3A_596 = arith.constant 0 : index
    %get3A_597 = arith.constant 0 : index
    %get3A_598 = vector.load %arg6[%get3A_596, %get3A_597] : memref<512x2048xbf16, #tpu.memory_space<vmem>>, vector<512x2048xbf16>
    %dot_general3A_599 = arith.constant dense<0.000000e+00> : vector<16x2048xf32>
    %dot_general3A_600 = tpu.matmul %convert_element_type3A_583, %get3A_598, %dot_general3A_599 {dimension_numbers = #tpu.dot_dimension_numbers<[1], [0], [0], [1], [0, 0, 1, 1], [], []>, transpose_lhs_hint = false} : vector<16x512xbf16>, vector<512x2048xbf16>, vector<16x2048xf32> -> vector<16x2048xf32>
    %add3A_601 = arith.addf %add3A_595, %dot_general3A_600 : vector<16x2048xf32>
    %get3A_602 = arith.constant 0 : index
    %get3A_603 = arith.constant 0 : index
    %get3A_604 = vector.load %arg7[%get3A_602, %get3A_603] : memref<1x2048xf32, #tpu.memory_space<vmem>>, vector<1x2048xf32>
    %add3A_605 = vector.broadcast %get3A_604 : vector<1x2048xf32> to vector<16x2048xf32>
    %add3A_606 = arith.addf %add3A_601, %add3A_605 : vector<16x2048xf32>
    %slice3A_607 = vector.extract_strided_slice %add3A_606 {offsets = [0, 0], sizes = [16, 512], strides = [1, 1]} : vector<16x2048xf32> to vector<16x512xf32>
    %slice3A_608 = vector.extract_strided_slice %add3A_606 {offsets = [0, 512], sizes = [16, 512], strides = [1, 1]} : vector<16x2048xf32> to vector<16x512xf32>
    %slice3A_609 = vector.extract_strided_slice %add3A_606 {offsets = [0, 1024], sizes = [16, 512], strides = [1, 1]} : vector<16x2048xf32> to vector<16x512xf32>
    %slice3A_610 = vector.extract_strided_slice %add3A_606 {offsets = [0, 1536], sizes = [16, 512], strides = [1, 1]} : vector<16x2048xf32> to vector<16x512xf32>
    %logistic3A_611 = arith.negf %slice3A_608 : vector<16x512xf32>
    %logistic3A_612 = math.exp %logistic3A_611 : vector<16x512xf32>
    %logistic3A_613 = arith.constant 1.000000e+00 : f32
    %logistic3A_614 = vector.broadcast %logistic3A_613 : f32 to vector<16x512xf32>
    %logistic3A_615 = arith.addf %logistic3A_614, %logistic3A_612 : vector<16x512xf32>
    %logistic3A_616 = arith.divf %logistic3A_614, %logistic3A_615 : vector<16x512xf32>
    %mul3A_617 = arith.mulf %logistic3A_616, %add3A_535 : vector<16x512xf32>
    %logistic3A_618 = arith.negf %slice3A_607 : vector<16x512xf32>
    %logistic3A_619 = math.exp %logistic3A_618 : vector<16x512xf32>
    %logistic3A_620 = arith.constant 1.000000e+00 : f32
    %logistic3A_621 = vector.broadcast %logistic3A_620 : f32 to vector<16x512xf32>
    %logistic3A_622 = arith.addf %logistic3A_621, %logistic3A_619 : vector<16x512xf32>
    %logistic3A_623 = arith.divf %logistic3A_621, %logistic3A_622 : vector<16x512xf32>
    %tanh3A_624 = math.tanh %slice3A_609 : vector<16x512xf32>
    %mul3A_625 = arith.mulf %logistic3A_623, %tanh3A_624 : vector<16x512xf32>
    %add3A_626 = arith.addf %mul3A_617, %mul3A_625 : vector<16x512xf32>
    %logistic3A_627 = arith.negf %slice3A_610 : vector<16x512xf32>
    %logistic3A_628 = math.exp %logistic3A_627 : vector<16x512xf32>
    %logistic3A_629 = arith.constant 1.000000e+00 : f32
    %logistic3A_630 = vector.broadcast %logistic3A_629 : f32 to vector<16x512xf32>
    %logistic3A_631 = arith.addf %logistic3A_630, %logistic3A_628 : vector<16x512xf32>
    %logistic3A_632 = arith.divf %logistic3A_630, %logistic3A_631 : vector<16x512xf32>
    %tanh3A_633 = math.tanh %add3A_626 : vector<16x512xf32>
    %mul3A_634 = arith.mulf %logistic3A_632, %tanh3A_633 : vector<16x512xf32>
    %broadcast_in_dim3A_635 = arith.constant 0xFF800000 : f32
    %broadcast_in_dim3A_636 = vector.broadcast %broadcast_in_dim3A_635 : f32 to vector<1x16xf32>
    %scan3A_637 = arith.constant 0 : i32
    %scan3A_638 = arith.constant 10 : i32
    %scan3A_639 = arith.addi %scan3A_637, %scan3A_638 : i32
    %scan3A_640 = arith.constant 1 : i32
    %scan3A_641 = scf.for %scan3A_786 = %scan3A_637 to %scan3A_639 step %scan3A_640 iter_args(%scan3A_787 = %broadcast_in_dim3A_636) -> (vector<1x16xf32>)  : i32 {
      %mul3A_788 = arith.constant 1024 : i32
      %mul3A_789 = arith.muli %scan3A_786, %mul3A_788 : i32
      %get3A_790 = arith.index_cast %mul3A_789 : i32 to index
      %get3A_791 = arith.constant 0 : index
      %get3A_792 = vector.load %arg13[%get3A_790, %get3A_791] : memref<10240x512xf32, #tpu.memory_space<vmem>>, vector<1024x512xf32>
      %dot_general3A_793 = arith.constant dense<0.000000e+00> : vector<1024x16xf32>
      %dot_general3A_794 = tpu.matmul %get3A_792, %mul3A_634, %dot_general3A_793 {dimension_numbers = #tpu.dot_dimension_numbers<[1], [1], [0], [0], [0, 0, 1, 0], [], []>, transpose_lhs_hint = false} : vector<1024x512xf32>, vector<16x512xf32>, vector<1024x16xf32> -> vector<1024x16xf32>
      %mul3A_795 = arith.constant 1024 : i32
      %mul3A_796 = arith.muli %scan3A_786, %mul3A_795 : i32
      %swap3A_797 = arith.index_cast %mul3A_796 : i32 to index
      %swap3A_798 = arith.constant 0 : index
      %swap3A_799 = vector.load %arg15[%swap3A_797, %swap3A_798] : memref<10240x16xf32, #tpu.memory_space<vmem>>, vector<1024x16xf32>
      tpu.vector_store %arg15[%swap3A_797, %swap3A_798], %dot_general3A_794 {strides = array<i32>} : memref<10240x16xf32, #tpu.memory_space<vmem>>, vector<1024x16xf32>,
      %mul3A_800 = arith.constant 1024 : i32
      %mul3A_801 = arith.muli %scan3A_786, %mul3A_800 : i32
      %get3A_802 = arith.index_cast %mul3A_801 : i32 to index
      %get3A_803 = arith.constant 0 : index
      %get3A_804 = vector.load %arg3[%get3A_802, %get3A_803] : memref<10240x16xf32, #tpu.memory_space<vmem>>, vector<1024x16xf32>
      %gt3A_805 = arith.constant 0.000000e+00 : f32
      %gt3A_806 = vector.broadcast %gt3A_805 : f32 to vector<1024x16xf32>
      %gt3A_807 = arith.cmpf ogt, %get3A_804, %gt3A_806 : vector<1024x16xf32>
      %jit3A_808 = arith.constant 0xFF800000 : f32
      %broadcast_in_dim3A_809 = vector.broadcast %jit3A_808 : f32 to vector<1024x16xf32>
      %select_n3A_810 = arith.select %gt3A_807, %dot_general3A_794, %broadcast_in_dim3A_809 : vector<1024x16xi1>, vector<1024x16xf32>
      %reduce_max3A = arith.constant dense<0xFF800000> : vector<16xf32>
      %reduce_max3A_811 = vector.multi_reduction <maximumf>, %select_n3A_810, %reduce_max3A [0] : vector<1024x16xf32> to vector<16xf32>
      %broadcast_in_dim3A_812 = vector.shape_cast %reduce_max3A_811 : vector<16xf32> to vector<1x16xf32>
      %max3A = arith.maximumf %scan3A_787, %broadcast_in_dim3A_812 : vector<1x16xf32>
      scf.yield %max3A : vector<1x16xf32>
    }
    %scan3A_642 = arith.constant 10 : i32
    %is_finite3A_643 = tpu.weird %scan3A_641 : vector<1x16xf32> -> vector<1x16xi1>
    %is_finite3A_644 = arith.constant dense<true> : vector<1x16xi1>
    %is_finite3A_645 = arith.xori %is_finite3A_643, %is_finite3A_644 : vector<1x16xi1>
    %jit3A_646 = arith.constant 0.000000e+00 : f32
    %broadcast_in_dim3A_647 = vector.broadcast %jit3A_646 : f32 to vector<1x16xf32>
    %select_n3A_648 = arith.select %is_finite3A_645, %scan3A_641, %broadcast_in_dim3A_647 : vector<1x16xi1>, vector<1x16xf32>
    %broadcast_in_dim3A_649 = arith.constant 0.000000e+00 : f32
    %broadcast_in_dim3A_650 = vector.broadcast %broadcast_in_dim3A_649 : f32 to vector<1x16xf32>
    %scan3A_651 = arith.constant 0 : i32
    %scan3A_652 = arith.constant 10 : i32
    %scan3A_653 = arith.addi %scan3A_651, %scan3A_652 : i32
    %scan3A_654 = arith.constant 1 : i32
    %scan3A_655 = scf.for %scan3A_786 = %scan3A_651 to %scan3A_653 step %scan3A_654 iter_args(%scan3A_787 = %broadcast_in_dim3A_650) -> (vector<1x16xf32>)  : i32 {
      %mul3A_788 = arith.constant 1024 : i32
      %mul3A_789 = arith.muli %scan3A_786, %mul3A_788 : i32
      %get3A_790 = arith.index_cast %mul3A_789 : i32 to index
      %get3A_791 = arith.constant 0 : index
      %get3A_792 = vector.load %arg3[%get3A_790, %get3A_791] : memref<10240x16xf32, #tpu.memory_space<vmem>>, vector<1024x16xf32>
      %mul3A_793 = arith.constant 1024 : i32
      %mul3A_794 = arith.muli %scan3A_786, %mul3A_793 : i32
      %get3A_795 = arith.index_cast %mul3A_794 : i32 to index
      %get3A_796 = arith.constant 0 : index
      %get3A_797 = vector.load %arg15[%get3A_795, %get3A_796] : memref<10240x16xf32, #tpu.memory_space<vmem>>, vector<1024x16xf32>
      %sub3A = vector.broadcast %select_n3A_648 : vector<1x16xf32> to vector<1024x16xf32>
      %sub3A_798 = arith.subf %get3A_797, %sub3A : vector<1024x16xf32>
      %exp3A = math.exp %sub3A_798 : vector<1024x16xf32>
      %mul3A_799 = arith.mulf %get3A_792, %exp3A : vector<1024x16xf32>
      %mul3A_800 = arith.constant 1024 : i32
      %mul3A_801 = arith.muli %scan3A_786, %mul3A_800 : i32
      %swap3A_802 = arith.index_cast %mul3A_801 : i32 to index
      %swap3A_803 = arith.constant 0 : index
      %swap3A_804 = vector.load %arg15[%swap3A_802, %swap3A_803] : memref<10240x16xf32, #tpu.memory_space<vmem>>, vector<1024x16xf32>
      tpu.vector_store %arg15[%swap3A_802, %swap3A_803], %mul3A_799 {strides = array<i32>} : memref<10240x16xf32, #tpu.memory_space<vmem>>, vector<1024x16xf32>,
      %reduce_sum3A_805 = arith.constant dense<0.000000e+00> : vector<16xf32>
      %reduce_sum3A_806 = vector.multi_reduction <add>, %mul3A_799, %reduce_sum3A_805 [0] : vector<1024x16xf32> to vector<16xf32>
      %broadcast_in_dim3A_807 = vector.shape_cast %reduce_sum3A_806 : vector<16xf32> to vector<1x16xf32>
      %add3A_808 = arith.addf %scan3A_787, %broadcast_in_dim3A_807 : vector<1x16xf32>
      scf.yield %add3A_808 : vector<1x16xf32>
    }
    %scan3A_656 = arith.constant 10 : i32
    %gt3A_657 = arith.constant 0.000000e+00 : f32
    %gt3A_658 = vector.broadcast %gt3A_657 : f32 to vector<1x16xf32>
    %gt3A_659 = arith.cmpf ogt, %scan3A_655, %gt3A_658 : vector<1x16xf32>
    %jit3A_660 = arith.constant 1.000000e+00 : f32
    %broadcast_in_dim3A_661 = vector.broadcast %jit3A_660 : f32 to vector<1x16xf32>
    %select_n3A_662 = arith.select %gt3A_659, %scan3A_655, %broadcast_in_dim3A_661 : vector<1x16xi1>, vector<1x16xf32>
    %div3A_663 = arith.constant 1.000000e+00 : f32
    %div3A_664 = vector.broadcast %div3A_663 : f32 to vector<1x16xf32>
    %div3A_665 = arith.divf %div3A_664, %select_n3A_662 : vector<1x16xf32>
    %broadcast_in_dim3A_666 = arith.constant 0.000000e+00 : f32
    %broadcast_in_dim3A_667 = vector.broadcast %broadcast_in_dim3A_666 : f32 to vector<16x512xf32>
    %scan3A_668 = arith.constant 0 : i32
    %scan3A_669 = arith.constant 10 : i32
    %scan3A_670 = arith.addi %scan3A_668, %scan3A_669 : i32
    %scan3A_671 = arith.constant 1 : i32
    %scan3A_672 = scf.for %scan3A_786 = %scan3A_668 to %scan3A_670 step %scan3A_671 iter_args(%scan3A_787 = %broadcast_in_dim3A_667) -> (vector<16x512xf32>)  : i32 {
      %mul3A_788 = arith.constant 1024 : i32
      %mul3A_789 = arith.muli %scan3A_786, %mul3A_788 : i32
      %get3A_790 = arith.index_cast %mul3A_789 : i32 to index
      %get3A_791 = arith.constant 0 : index
      %get3A_792 = vector.load %arg15[%get3A_790, %get3A_791] : memref<10240x16xf32, #tpu.memory_space<vmem>>, vector<1024x16xf32>
      %mul3A_793 = vector.broadcast %div3A_665 : vector<1x16xf32> to vector<1024x16xf32>
      %mul3A_794 = arith.mulf %get3A_792, %mul3A_793 : vector<1024x16xf32>
      %mul3A_795 = arith.constant 1024 : i32
      %mul3A_796 = arith.muli %scan3A_786, %mul3A_795 : i32
      %get3A_797 = arith.index_cast %mul3A_796 : i32 to index
      %get3A_798 = arith.constant 0 : index
      %get3A_799 = vector.load %arg13[%get3A_797, %get3A_798] : memref<10240x512xf32, #tpu.memory_space<vmem>>, vector<1024x512xf32>
      %dot_general3A_800 = arith.constant dense<0.000000e+00> : vector<16x512xf32>
      %dot_general3A_801 = tpu.matmul %mul3A_794, %get3A_799, %dot_general3A_800 {dimension_numbers = #tpu.dot_dimension_numbers<[0], [0], [1], [1], [0, 1, 1, 1], [], []>, transpose_lhs_hint = false} : vector<1024x16xf32>, vector<1024x512xf32>, vector<16x512xf32> -> vector<16x512xf32>
      %add3A_802 = arith.addf %scan3A_787, %dot_general3A_801 : vector<16x512xf32>
      scf.yield %add3A_802 : vector<16x512xf32>
    }
    %scan3A_673 = arith.constant 10 : i32
    %convert_element_type3A_674 = arith.truncf %mul3A_634 : vector<16x512xf32> to vector<16x512xbf16>
    %convert_element_type3A_675 = arith.truncf %scan3A_672 : vector<16x512xf32> to vector<16x512xbf16>
    %get3A_676 = arith.constant 0 : index
    %get3A_677 = arith.constant 0 : index
    %get3A_678 = vector.load %arg4[%get3A_676, %get3A_677] : memref<512x2048xbf16, #tpu.memory_space<vmem>>, vector<512x2048xbf16>
    %dot_general3A_679 = arith.constant dense<0.000000e+00> : vector<16x2048xf32>
    %dot_general3A_680 = tpu.matmul %convert_element_type3A_674, %get3A_678, %dot_general3A_679 {dimension_numbers = #tpu.dot_dimension_numbers<[1], [0], [0], [1], [0, 0, 1, 1], [], []>, transpose_lhs_hint = false} : vector<16x512xbf16>, vector<512x2048xbf16>, vector<16x2048xf32> -> vector<16x2048xf32>
    %get3A_681 = arith.constant 0 : index
    %get3A_682 = arith.constant 0 : index
    %get3A_683 = vector.load %arg5[%get3A_681, %get3A_682] : memref<512x2048xbf16, #tpu.memory_space<vmem>>, vector<512x2048xbf16>
    %dot_general3A_684 = arith.constant dense<0.000000e+00> : vector<16x2048xf32>
    %dot_general3A_685 = tpu.matmul %convert_element_type3A_675, %get3A_683, %dot_general3A_684 {dimension_numbers = #tpu.dot_dimension_numbers<[1], [0], [0], [1], [0, 0, 1, 1], [], []>, transpose_lhs_hint = false} : vector<16x512xbf16>, vector<512x2048xbf16>, vector<16x2048xf32> -> vector<16x2048xf32>
    %add3A_686 = arith.addf %dot_general3A_680, %dot_general3A_685 : vector<16x2048xf32>
    %get3A_687 = arith.constant 0 : index
    %get3A_688 = arith.constant 0 : index
    %get3A_689 = vector.load %arg6[%get3A_687, %get3A_688] : memref<512x2048xbf16, #tpu.memory_space<vmem>>, vector<512x2048xbf16>
    %dot_general3A_690 = arith.constant dense<0.000000e+00> : vector<16x2048xf32>
    %dot_general3A_691 = tpu.matmul %convert_element_type3A_674, %get3A_689, %dot_general3A_690 {dimension_numbers = #tpu.dot_dimension_numbers<[1], [0], [0], [1], [0, 0, 1, 1], [], []>, transpose_lhs_hint = false} : vector<16x512xbf16>, vector<512x2048xbf16>, vector<16x2048xf32> -> vector<16x2048xf32>
    %add3A_692 = arith.addf %add3A_686, %dot_general3A_691 : vector<16x2048xf32>
    %get3A_693 = arith.constant 0 : index
    %get3A_694 = arith.constant 0 : index
    %get3A_695 = vector.load %arg7[%get3A_693, %get3A_694] : memref<1x2048xf32, #tpu.memory_space<vmem>>, vector<1x2048xf32>
    %add3A_696 = vector.broadcast %get3A_695 : vector<1x2048xf32> to vector<16x2048xf32>
    %add3A_697 = arith.addf %add3A_692, %add3A_696 : vector<16x2048xf32>
    %slice3A_698 = vector.extract_strided_slice %add3A_697 {offsets = [0, 0], sizes = [16, 512], strides = [1, 1]} : vector<16x2048xf32> to vector<16x512xf32>
    %slice3A_699 = vector.extract_strided_slice %add3A_697 {offsets = [0, 512], sizes = [16, 512], strides = [1, 1]} : vector<16x2048xf32> to vector<16x512xf32>
    %slice3A_700 = vector.extract_strided_slice %add3A_697 {offsets = [0, 1024], sizes = [16, 512], strides = [1, 1]} : vector<16x2048xf32> to vector<16x512xf32>
    %slice3A_701 = vector.extract_strided_slice %add3A_697 {offsets = [0, 1536], sizes = [16, 512], strides = [1, 1]} : vector<16x2048xf32> to vector<16x512xf32>
    %logistic3A_702 = arith.negf %slice3A_699 : vector<16x512xf32>
    %logistic3A_703 = math.exp %logistic3A_702 : vector<16x512xf32>
    %logistic3A_704 = arith.constant 1.000000e+00 : f32
    %logistic3A_705 = vector.broadcast %logistic3A_704 : f32 to vector<16x512xf32>
    %logistic3A_706 = arith.addf %logistic3A_705, %logistic3A_703 : vector<16x512xf32>
    %logistic3A_707 = arith.divf %logistic3A_705, %logistic3A_706 : vector<16x512xf32>
    %mul3A_708 = arith.mulf %logistic3A_707, %add3A_626 : vector<16x512xf32>
    %logistic3A_709 = arith.negf %slice3A_698 : vector<16x512xf32>
    %logistic3A_710 = math.exp %logistic3A_709 : vector<16x512xf32>
    %logistic3A_711 = arith.constant 1.000000e+00 : f32
    %logistic3A_712 = vector.broadcast %logistic3A_711 : f32 to vector<16x512xf32>
    %logistic3A_713 = arith.addf %logistic3A_712, %logistic3A_710 : vector<16x512xf32>
    %logistic3A_714 = arith.divf %logistic3A_712, %logistic3A_713 : vector<16x512xf32>
    %tanh3A_715 = math.tanh %slice3A_700 : vector<16x512xf32>
    %mul3A_716 = arith.mulf %logistic3A_714, %tanh3A_715 : vector<16x512xf32>
    %add3A_717 = arith.addf %mul3A_708, %mul3A_716 : vector<16x512xf32>
    %logistic3A_718 = arith.negf %slice3A_701 : vector<16x512xf32>
    %logistic3A_719 = math.exp %logistic3A_718 : vector<16x512xf32>
    %logistic3A_720 = arith.constant 1.000000e+00 : f32
    %logistic3A_721 = vector.broadcast %logistic3A_720 : f32 to vector<16x512xf32>
    %logistic3A_722 = arith.addf %logistic3A_721, %logistic3A_719 : vector<16x512xf32>
    %logistic3A_723 = arith.divf %logistic3A_721, %logistic3A_722 : vector<16x512xf32>
    %tanh3A_724 = math.tanh %add3A_717 : vector<16x512xf32>
    %mul3A_725 = arith.mulf %logistic3A_723, %tanh3A_724 : vector<16x512xf32>
    %broadcast_in_dim3A_726 = arith.constant 0xFF800000 : f32
    %broadcast_in_dim3A_727 = vector.broadcast %broadcast_in_dim3A_726 : f32 to vector<1x16xf32>
    %scan3A_728 = arith.constant 0 : i32
    %scan3A_729 = arith.constant 10 : i32
    %scan3A_730 = arith.addi %scan3A_728, %scan3A_729 : i32
    %scan3A_731 = arith.constant 1 : i32
    %scan3A_732 = scf.for %scan3A_786 = %scan3A_728 to %scan3A_730 step %scan3A_731 iter_args(%scan3A_787 = %broadcast_in_dim3A_727) -> (vector<1x16xf32>)  : i32 {
      %mul3A_788 = arith.constant 1024 : i32
      %mul3A_789 = arith.muli %scan3A_786, %mul3A_788 : i32
      %get3A_790 = arith.index_cast %mul3A_789 : i32 to index
      %get3A_791 = arith.constant 0 : index
      %get3A_792 = vector.load %arg13[%get3A_790, %get3A_791] : memref<10240x512xf32, #tpu.memory_space<vmem>>, vector<1024x512xf32>
      %dot_general3A_793 = arith.constant dense<0.000000e+00> : vector<1024x16xf32>
      %dot_general3A_794 = tpu.matmul %get3A_792, %mul3A_725, %dot_general3A_793 {dimension_numbers = #tpu.dot_dimension_numbers<[1], [1], [0], [0], [0, 0, 1, 0], [], []>, transpose_lhs_hint = false} : vector<1024x512xf32>, vector<16x512xf32>, vector<1024x16xf32> -> vector<1024x16xf32>
      %mul3A_795 = arith.constant 1024 : i32
      %mul3A_796 = arith.muli %scan3A_786, %mul3A_795 : i32
      %swap3A_797 = arith.index_cast %mul3A_796 : i32 to index
      %swap3A_798 = arith.constant 0 : index
      %swap3A_799 = vector.load %arg15[%swap3A_797, %swap3A_798] : memref<10240x16xf32, #tpu.memory_space<vmem>>, vector<1024x16xf32>
      tpu.vector_store %arg15[%swap3A_797, %swap3A_798], %dot_general3A_794 {strides = array<i32>} : memref<10240x16xf32, #tpu.memory_space<vmem>>, vector<1024x16xf32>,
      %mul3A_800 = arith.constant 1024 : i32
      %mul3A_801 = arith.muli %scan3A_786, %mul3A_800 : i32
      %get3A_802 = arith.index_cast %mul3A_801 : i32 to index
      %get3A_803 = arith.constant 0 : index
      %get3A_804 = vector.load %arg3[%get3A_802, %get3A_803] : memref<10240x16xf32, #tpu.memory_space<vmem>>, vector<1024x16xf32>
      %gt3A_805 = arith.constant 0.000000e+00 : f32
      %gt3A_806 = vector.broadcast %gt3A_805 : f32 to vector<1024x16xf32>
      %gt3A_807 = arith.cmpf ogt, %get3A_804, %gt3A_806 : vector<1024x16xf32>
      %jit3A_808 = arith.constant 0xFF800000 : f32
      %broadcast_in_dim3A_809 = vector.broadcast %jit3A_808 : f32 to vector<1024x16xf32>
      %select_n3A_810 = arith.select %gt3A_807, %dot_general3A_794, %broadcast_in_dim3A_809 : vector<1024x16xi1>, vector<1024x16xf32>
      %reduce_max3A = arith.constant dense<0xFF800000> : vector<16xf32>
      %reduce_max3A_811 = vector.multi_reduction <maximumf>, %select_n3A_810, %reduce_max3A [0] : vector<1024x16xf32> to vector<16xf32>
      %broadcast_in_dim3A_812 = vector.shape_cast %reduce_max3A_811 : vector<16xf32> to vector<1x16xf32>
      %max3A = arith.maximumf %scan3A_787, %broadcast_in_dim3A_812 : vector<1x16xf32>
      scf.yield %max3A : vector<1x16xf32>
    }
    %scan3A_733 = arith.constant 10 : i32
    %is_finite3A_734 = tpu.weird %scan3A_732 : vector<1x16xf32> -> vector<1x16xi1>
    %is_finite3A_735 = arith.constant dense<true> : vector<1x16xi1>
    %is_finite3A_736 = arith.xori %is_finite3A_734, %is_finite3A_735 : vector<1x16xi1>
    %jit3A_737 = arith.constant 0.000000e+00 : f32
    %broadcast_in_dim3A_738 = vector.broadcast %jit3A_737 : f32 to vector<1x16xf32>
    %select_n3A_739 = arith.select %is_finite3A_736, %scan3A_732, %broadcast_in_dim3A_738 : vector<1x16xi1>, vector<1x16xf32>
    %broadcast_in_dim3A_740 = arith.constant 0.000000e+00 : f32
    %broadcast_in_dim3A_741 = vector.broadcast %broadcast_in_dim3A_740 : f32 to vector<1x16xf32>
    %scan3A_742 = arith.constant 0 : i32
    %scan3A_743 = arith.constant 10 : i32
    %scan3A_744 = arith.addi %scan3A_742, %scan3A_743 : i32
    %scan3A_745 = arith.constant 1 : i32
    %scan3A_746 = scf.for %scan3A_786 = %scan3A_742 to %scan3A_744 step %scan3A_745 iter_args(%scan3A_787 = %broadcast_in_dim3A_741) -> (vector<1x16xf32>)  : i32 {
      %mul3A_788 = arith.constant 1024 : i32
      %mul3A_789 = arith.muli %scan3A_786, %mul3A_788 : i32
      %get3A_790 = arith.index_cast %mul3A_789 : i32 to index
      %get3A_791 = arith.constant 0 : index
      %get3A_792 = vector.load %arg3[%get3A_790, %get3A_791] : memref<10240x16xf32, #tpu.memory_space<vmem>>, vector<1024x16xf32>
      %mul3A_793 = arith.constant 1024 : i32
      %mul3A_794 = arith.muli %scan3A_786, %mul3A_793 : i32
      %get3A_795 = arith.index_cast %mul3A_794 : i32 to index
      %get3A_796 = arith.constant 0 : index
      %get3A_797 = vector.load %arg15[%get3A_795, %get3A_796] : memref<10240x16xf32, #tpu.memory_space<vmem>>, vector<1024x16xf32>
      %sub3A = vector.broadcast %select_n3A_739 : vector<1x16xf32> to vector<1024x16xf32>
      %sub3A_798 = arith.subf %get3A_797, %sub3A : vector<1024x16xf32>
      %exp3A = math.exp %sub3A_798 : vector<1024x16xf32>
      %mul3A_799 = arith.mulf %get3A_792, %exp3A : vector<1024x16xf32>
      %mul3A_800 = arith.constant 1024 : i32
      %mul3A_801 = arith.muli %scan3A_786, %mul3A_800 : i32
      %swap3A_802 = arith.index_cast %mul3A_801 : i32 to index
      %swap3A_803 = arith.constant 0 : index
      %swap3A_804 = vector.load %arg15[%swap3A_802, %swap3A_803] : memref<10240x16xf32, #tpu.memory_space<vmem>>, vector<1024x16xf32>
      tpu.vector_store %arg15[%swap3A_802, %swap3A_803], %mul3A_799 {strides = array<i32>} : memref<10240x16xf32, #tpu.memory_space<vmem>>, vector<1024x16xf32>,
      %reduce_sum3A_805 = arith.constant dense<0.000000e+00> : vector<16xf32>
      %reduce_sum3A_806 = vector.multi_reduction <add>, %mul3A_799, %reduce_sum3A_805 [0] : vector<1024x16xf32> to vector<16xf32>
      %broadcast_in_dim3A_807 = vector.shape_cast %reduce_sum3A_806 : vector<16xf32> to vector<1x16xf32>
      %add3A_808 = arith.addf %scan3A_787, %broadcast_in_dim3A_807 : vector<1x16xf32>
      scf.yield %add3A_808 : vector<1x16xf32>
    }
    %scan3A_747 = arith.constant 10 : i32
    %gt3A_748 = arith.constant 0.000000e+00 : f32
    %gt3A_749 = vector.broadcast %gt3A_748 : f32 to vector<1x16xf32>
    %gt3A_750 = arith.cmpf ogt, %scan3A_746, %gt3A_749 : vector<1x16xf32>
    %jit3A_751 = arith.constant 1.000000e+00 : f32
    %broadcast_in_dim3A_752 = vector.broadcast %jit3A_751 : f32 to vector<1x16xf32>
    %select_n3A_753 = arith.select %gt3A_750, %scan3A_746, %broadcast_in_dim3A_752 : vector<1x16xi1>, vector<1x16xf32>
    %div3A_754 = arith.constant 1.000000e+00 : f32
    %div3A_755 = vector.broadcast %div3A_754 : f32 to vector<1x16xf32>
    %div3A_756 = arith.divf %div3A_755, %select_n3A_753 : vector<1x16xf32>
    %broadcast_in_dim3A_757 = arith.constant 0.000000e+00 : f32
    %broadcast_in_dim3A_758 = vector.broadcast %broadcast_in_dim3A_757 : f32 to vector<16x512xf32>
    %scan3A_759 = arith.constant 0 : i32
    %scan3A_760 = arith.constant 10 : i32
    %scan3A_761 = arith.addi %scan3A_759, %scan3A_760 : i32
    %scan3A_762 = arith.constant 1 : i32
    %scan3A_763 = scf.for %scan3A_786 = %scan3A_759 to %scan3A_761 step %scan3A_762 iter_args(%scan3A_787 = %broadcast_in_dim3A_758) -> (vector<16x512xf32>)  : i32 {
      %mul3A_788 = arith.constant 1024 : i32
      %mul3A_789 = arith.muli %scan3A_786, %mul3A_788 : i32
      %get3A_790 = arith.index_cast %mul3A_789 : i32 to index
      %get3A_791 = arith.constant 0 : index
      %get3A_792 = vector.load %arg15[%get3A_790, %get3A_791] : memref<10240x16xf32, #tpu.memory_space<vmem>>, vector<1024x16xf32>
      %mul3A_793 = vector.broadcast %div3A_756 : vector<1x16xf32> to vector<1024x16xf32>
      %mul3A_794 = arith.mulf %get3A_792, %mul3A_793 : vector<1024x16xf32>
      %mul3A_795 = arith.constant 1024 : i32
      %mul3A_796 = arith.muli %scan3A_786, %mul3A_795 : i32
      %get3A_797 = arith.index_cast %mul3A_796 : i32 to index
      %get3A_798 = arith.constant 0 : index
      %get3A_799 = vector.load %arg13[%get3A_797, %get3A_798] : memref<10240x512xf32, #tpu.memory_space<vmem>>, vector<1024x512xf32>
      %dot_general3A_800 = arith.constant dense<0.000000e+00> : vector<16x512xf32>
      %dot_general3A_801 = tpu.matmul %mul3A_794, %get3A_799, %dot_general3A_800 {dimension_numbers = #tpu.dot_dimension_numbers<[0], [0], [1], [1], [0, 1, 1, 1], [], []>, transpose_lhs_hint = false} : vector<1024x16xf32>, vector<1024x512xf32>, vector<16x512xf32> -> vector<16x512xf32>
      %add3A_802 = arith.addf %scan3A_787, %dot_general3A_801 : vector<16x512xf32>
      scf.yield %add3A_802 : vector<16x512xf32>
    }
    %scan3A_764 = arith.constant 10 : i32
    %convert_element_type3A_765 = arith.truncf %mul3A_725 : vector<16x512xf32> to vector<16x512xbf16>
    %get3A_766 = arith.constant 0 : index
    %get3A_767 = arith.constant 0 : index
    %get3A_768 = vector.load %arg8[%get3A_766, %get3A_767] : memref<512x128xbf16, #tpu.memory_space<vmem>>, vector<512x128xbf16>
    %dot_general3A_769 = arith.constant dense<0.000000e+00> : vector<16x128xf32>
    %dot_general3A_770 = tpu.matmul %convert_element_type3A_765, %get3A_768, %dot_general3A_769 {dimension_numbers = #tpu.dot_dimension_numbers<[1], [0], [0], [1], [0, 0, 1, 1], [], []>, transpose_lhs_hint = false} : vector<16x512xbf16>, vector<512x128xbf16>, vector<16x128xf32> -> vector<16x128xf32>
    %convert_element_type3A_771 = arith.truncf %scan3A_763 : vector<16x512xf32> to vector<16x512xbf16>
    %get3A_772 = arith.constant 0 : index
    %get3A_773 = arith.constant 0 : index
    %get3A_774 = vector.load %arg9[%get3A_772, %get3A_773] : memref<512x128xbf16, #tpu.memory_space<vmem>>, vector<512x128xbf16>
    %dot_general3A_775 = arith.constant dense<0.000000e+00> : vector<16x128xf32>
    %dot_general3A_776 = tpu.matmul %convert_element_type3A_771, %get3A_774, %dot_general3A_775 {dimension_numbers = #tpu.dot_dimension_numbers<[1], [0], [0], [1], [0, 0, 1, 1], [], []>, transpose_lhs_hint = false} : vector<16x512xbf16>, vector<512x128xbf16>, vector<16x128xf32> -> vector<16x128xf32>
    %add3A_777 = arith.addf %dot_general3A_770, %dot_general3A_776 : vector<16x128xf32>
    %get3A_778 = arith.constant 0 : index
    %get3A_779 = arith.constant 0 : index
    %get3A_780 = vector.load %arg10[%get3A_778, %get3A_779] : memref<1x128xf32, #tpu.memory_space<vmem>>, vector<1x128xf32>
    %add3A_781 = vector.broadcast %get3A_780 : vector<1x128xf32> to vector<16x128xf32>
    %add3A_782 = arith.addf %add3A_777, %add3A_781 : vector<16x128xf32>
    %swap3A_783 = arith.constant 0 : index
    %swap3A_784 = arith.constant 0 : index
    %swap3A_785 = vector.load %arg11[%swap3A_783, %swap3A_784] : memref<16x128xf32, #tpu.memory_space<vmem>>, vector<16x128xf32>
    tpu.vector_store %arg11[%swap3A_783, %swap3A_784], %add3A_782 {strides = array<i32>} : memref<16x128xf32, #tpu.memory_space<vmem>>, vector<16x128xf32>,
    return
  }
}

</mosaic_0001>

<sc_bundles>
// kernel: kernel.5.cloned.1.call-start
scs
__scs_entry_jumppad:
0x0: {  	(pc) =	sbr.rel $0x88, $3  }
0x1: {  	(tag) =	ssettag $0x0;
	lr =	simm.s32 $0x1  }
0x2: {  	[smem:$0x3F93] =	sst lr;
	_ =	strace $0xD0000000  }
0x3: {  	_ = 	snop  }
0x4: {  	_ = 	snop  }
0x5: {  	_ = 	snop  }
0x6: {  	_ = 	snop  }
0x7: {  	_ = 	snop  }
__scs_overlays_trampoline_lowered:
0x8: {  	[smem:$0x3FA2] =	sst s0  }
0x9: {  	[smem:$0x3FA3] =	sst s1  }
0xa: {  	[smem:$0x3FA4] =	sst s2  }
0xb: {  	[smem:$0x3FA5] =	sst s3  }
0xc: {  	[smem:$0x3FA6] =	sst s4  }
0xd: {  	[smem:$0x3FA7] =	sst s5  }
0xe: {  	[smem:$0x3FA8] =	sst s6  }
0xf: {  	[smem:$0x3FA9] =	sst s7  }
0x10: {  	[smem:$0x3FAA] =	sst s8  }
0x11: {  	[smem:$0x3FAB] =	sst s9;
	s0 =	simm.s32 @!p0 $0x0  }
0x12: {  	s1 =	sld [smem:$0x3F91];
	s0 =	simm.s32 @p0 $0x1  }
0x13: {  	[smem:$0x3FAC] =	sst s0;
	s0 =	simm.s32 @!p1 $0x0  }
0x14: {  	s2 =	sld [smem:$0x3F90];
	s0 =	simm.s32 @p1 $0x1  }
0x15: {  	[smem:$0x3FAD] =	sst s0;
	s0 =	simm.s32 @!p2 $0x0  }
0x16: {  	s3 =	sld [smem:$0x3FDB];
	s0 =	simm.s32 @p2 $0x1  }
0x17: {  	s4 =	simm.s32 $0x1BF5;
	[smem:$0x3FAF] =	sst s0  }
0x18: {  	s0 =	sld [smem:$0x3F92];
	_ =	swait.ge [sflag:s4], $0x0  }
0x19: {  	s7 =	sld [smem:$0x3F93]  }
0x1a: {  	s8 =	sadd.s32 $0xFFFFE003, lr  }
0x1b: {  	s9 =	sadd.s32 $0xFFFFFEF7, lr;
	s5 =	simm.s32 $0xFFFFFFFF;
	p2 =	slt.u32 s8, $0xFFFFF086  }
0x1c: {  	p1 =	slt.u32 s9, $0xF7A;
	s5 =	simm.s32 @!p2 $0x0  }
0x1d: {  	s5 =	simm.s32 @p1 $0x1;
	p0 =	seq.s32 s7, s2  }
0x1e: {  	s7 =	smul.u32 @!p0 $0xF7A, s2;
	p2 =	seq.s32 @!p0 s5, $0x0  }
0x1f: {  	s9 =	smul.u32 $0xF7A, s1;
	s8 =	simm.s32 @!p0 $0x1BF5;
	p2 =	por !p2, p0  }
0x20: {  	[sflag:s8] =	ssyncset.s32 @!p0 $0xFFFFF086;
	s6 =	sadd.s32 @!p0 s3, s7;
	s7 =	simm.s32 @!p0 $0x108  }
0x21: {  	s3 =	sadd.s32 s3, s9;
	s6 =	sadd.s32 @!p0 $0x88, s6;
	s7 =	simm.s32 @p2 $0x1082  }
0x22: {  	[simem:s7], [sflag:s8] =	dma.local @!p0 [hbm:s6], $0xF7A  }
0x23: {  	s9 =	sor.u32 $0xD0000000, s2;
	s6 =	simm.s32 $0x108;
	_ =	swait.ge @!p0 [sflag:s8], $0x0  }
0x24: {  	s3 =	sadd.s32 $0x88, s3;
	s6 =	simm.s32 @!p1 $0x1082;
	[sflag:s4] =	ssyncset.s32 $0xFFFFF086  }
0x25: {  	[simem:s6], [sflag:s4] =	dma.local [hbm:s3], $0xF7A  }
0x26: {  	[smem:$0x3F93] =	sst s1;
	(tag) =	ssettag s2;
	_ =	strace s9  }
0x27: {  	s1 =	sld [smem:$0x3FA3]  }
0x28: {  	s2 =	sld [smem:$0x3FA4]  }
0x29: {  	s4 =	sld [smem:$0x3FA6]  }
0x2a: {  	p0 =	seq.s32 s5, $0x0;
	s5 =	sld [smem:$0x3FA7]  }
0x2b: {  	s6 =	sld [smem:$0x3FA8]  }
0x2c: {  	s7 =	sld [smem:$0x3FA9]  }
0x2d: {  	s3 =	simm.s32 $0x108;
	s8 =	sld [smem:$0x3FAA]  }
0x2e: {  	s3 =	simm.s32 @!p0 $0x1082;
	s9 =	sld [smem:$0x3FAB]  }
0x2f: {  	lr =	sadd.s32 s0, s3;
	s0 =	sld [smem:$0x3FA2]  }
0x30: {  	s3 =	sld [smem:$0x3FA5]  }
0x31: {  	[smem:$0x3FAE] =	sst s10  }
0x32: {  	s10 =	sld [smem:$0x3FAC];
	_ =	sdelay $0x3  }
0x33: {  	p0 =	seq.s32 s10, $0x1;
	s10 =	sld [smem:$0x3FAE];
	_ =	sdelay $0x3  }
0x34: {  	[smem:$0x3FAE] =	sst s10  }
0x35: {  	s10 =	sld [smem:$0x3FAD];
	_ =	sdelay $0x3  }
0x36: {  	p1 =	seq.s32 s10, $0x1;
	s10 =	sld [smem:$0x3FAE];
	_ =	sdelay $0x3  }
0x37: {  	[smem:$0x3FAE] =	sst s10  }
0x38: {  	s10 =	sld [smem:$0x3FAF]  }
0x39: {  	_ = 	snop;
	(pc) =	sbr.ind lr, $3  }
0x3a: {  	_ = 	snop  }
0x3b: {  	_ = 	snop  }
0x3c: {  	p2 =	seq.s32 s10, $0x1;
	s10 =	sld [smem:$0x3FAE]  }
0x3d: {  	_ =	shalt  }
0x3e: {  	_ =	shalt  }
0x3f: {  	_ =	shalt  }
0x40: {  	_ =	shalt  }
0x41: {  	_ =	shalt  }
0x42: {  	_ =	shalt  }
0x43: {  	_ =	shalt  }
0x44: {  	_ =	shalt  }
0x45: {  	_ =	shalt  }
0x46: {  	_ =	shalt  }
0x47: {  	_ =	shalt  }
0x48: {  	_ =	shalt  }
0x49: {  	_ =	shalt  }
0x4a: {  	_ =	shalt  }
0x4b: {  	_ =	shalt  }
0x4c: {  	_ =	shalt  }
0x4d: {  	_ =	shalt  }
0x4e: {  	_ =	shalt  }
0x4f: {  	_ =	shalt  }
0x50: {  	_ =	shalt  }
0x51: {  	_ =	shalt  }
0x52: {  	_ =	shalt  }
0x53: {  	_ =	shalt  }
0x54: {  	_ =	shalt  }
0x55: {  	_ =	shalt  }
0x56: {  	_ =	shalt  }
0x57: {  	_ =	shalt  }
0x58: {  	_ =	shalt  }
0x59: {  	_ =	shalt  }
0x5a: {  	_ =	shalt  }
0x5b: {  	_ =	shalt  }
0x5c: {  	_ =	shalt  }
0x5d: {  	_ =	shalt  }
0x5e: {  	_ =	shalt  }
0x5f: {  	_ =	shalt  }
0x60: {  	_ =	shalt  }
0x61: {  	_ =	shalt  }
0x62: {  	_ =	shalt  }
0x63: {  	_ =	shalt  }
0x64: {  	_ =	shalt  }
0x65: {  	_ =	shalt  }
0x66: {  	_ =	shalt  }
0x67: {  	_ =	shalt  }
0x68: {  	_ =	shalt  }
0x69: {  	_ =	shalt  }
0x6a: {  	_ =	shalt  }
0x6b: {  	_ =	shalt  }
0x6c: {  	_ =	shalt  }
0x6d: {  	_ =	shalt  }
0x6e: {  	_ =	shalt  }
0x6f: {  	_ =	shalt  }
0x70: {  	_ =	shalt  }
0x71: {  	_ =	shalt  }
0x72: {  	_ =	shalt  }
0x73: {  	_ =	shalt  }
0x74: {  	_ =	shalt  }
0x75: {  	_ =	shalt  }
0x76: {  	_ =	shalt  }
0x77: {  	_ =	shalt  }
0x78: {  	_ =	shalt  }
0x79: {  	_ =	shalt  }
0x7a: {  	_ =	shalt  }
0x7b: {  	_ =	shalt  }
0x7c: {  	_ =	shalt  }
0x7d: {  	_ =	shalt  }
0x7e: {  	_ =	shalt  }
0x7f: {  	_ =	shalt  }
0x80: {  	_ =	shalt  }
0x81: {  	_ =	shalt  }
0x82: {  	_ =	shalt  }
0x83: {  	_ =	shalt  }
0x84: {  	_ =	shalt  }
0x85: {  	_ =	shalt  }
0x86: {  	_ =	shalt  }
0x87: {  	_ =	shalt  }
.Lfunc_end0:
.L_simem_size_0:
called_computation_lowered:
.L_overlay_start_0:
0x88: {  	s2 =	sld [smem:$0x3FD9]  }
0x89: {  	s3 =	sld [smem:$0x3FFE];
	_ =	sdelay $0x1  }
0x8a: {  	s1 =	srdreg.scid  }
0x8b: {  	s0 =	sand.u32 $0x1, s1  }
0x8c: {  	s14 =	sshll.u32 s0, $0xA;
	s2 =	sadd.s32 s3, s2  }
0x8d: {  	s2 =	sadd.s32 s2, s14  }
0x8e: {  	[smem:$0x3FBA] =	sst s2  }
0x8f: {  	_ = 	snop  }
0x90: {  	s2 =	sld [smem:$0x3FD0];
	_ =	sdelay $0x2  }
0x91: {  	s15 =	simm.s32 $0xA;
	s4 =	simm.s32 $0x10  }
0x92: {  	[smem:s4], [sflag:s15] =	dma.local [hbm:s2], $0x1  }
0x93: {  	_ =	swait.eq [sflag:s15], $0x1  }
0x94: {  	[sflag:s15] =	ssyncset.done $0x0  }
0x95: {  	[sflag:s15] =	ssyncadd.s32 $0xFFFFFFFF  }
0x96: {  	s16 =	sld [smem:$0x10];
	(tm) =	ssettm $0x1  }
0x97: {  	s17 =	sld [smem:$0x3FFB];
	_ =	sdelay $0x3  }
0x98: {  	_ =	strace s17  }
0x99: {  	s3 =	sld [smem:$0x3FFC];
	_ =	sdelay $0x3  }
0x9a: {  	_ =	strace s3  }
0x9b: {  	s3 =	sld [smem:$0x3FFD];
	_ =	sdelay $0x3  }
0x9c: {  	_ =	strace s3  }
0x9d: {  	_ =	strace $0x8FFFFFFF  }
0x9e: {  	s18 =	sld [smem:$0x3FDB];
	_ =	sdelay $0x1  }
0x9f: {  	s19 =	simm.s32 $_scs_section_size  }
0xa0: {  	s5 =	simm.s32 $_size__tile_overlayer_lowered;
	s6 =	simm.s32 $_tile_overlayer_lowered  }
0xa1: {  	s22 =	simm.s32 $0x1BFF;
	s21 =	sshll.u32 s6, $0x1;
	s3 =	sadd.s32 s19, s18  }
0xa2: {  	s7 =	simm.s32 $0x0;
	s20 =	sshll.u32 s5, $0x1;
	s5 =	sadd.s32 s21, s3  }
0xa3: {  	[timem:s7], [sflag:s22] =	dma.local [hbm:s5], s20  }
0xa4: {  	_ =	swait.ge [sflag:s22], s20  }
0xa5: {  	s4 =	ssub.s32 $0x0, s20;
	[sflag:s22] =	ssyncset.done $0x0  }
0xa6: {  	[sflag:s22] =	ssyncadd.s32 s4;
	_ =	sdelay $0x1  }
0xa7: {  	s23 =	simm.s32 $0x1B8B  }
0xa8: {  	_ =	swait.ge [sflag:s23], $0x1  }
0xa9: {  	[sflag:s23] =	ssyncset.done $0x0  }
0xaa: {  	s25 =	simm.s32 $0x1B8E;
	s24 =	sld [smem:$0x3FFE];
	[sflag:s23] =	ssyncadd.s32 $0xFFFFFFFF  }
0xab: {  	s26 =	simm.s32 $execute0_lowered;
	[smem:$0x3FD2] =	sst s25  }
0xac: {  	s5 =	sshll.u32 s26, $0x1;
	_ =	strace $0x80000046;
	[dreg:$0x1] =	wrdreg $0xFFFFFFFF  }
0xad: {  	s28 =	simm.s32 $_size_execute0_lowered;
	s3 =	sadd.s32 s3, s5;
	[dreg:$0x0] =	wrdreg $0x0  }
0xae: {  	s5 =	sshll.u32 s28, $0x1;
	[dreg:$0x2] =	wrdreg s3  }
0xaf: {  	[dreg:$0x3] =	wrdreg s5  }
0xb0: {  	[dreg:$0x4] =	wrdreg $0xC0  }
0xb1: {  	_ =	task [dreg:s7], $0x5FFFF  }
0xb2: {  	[dreg:$0x1] =	wrdreg $0xFFFFFFFF  }
0xb3: {  	[dreg:$0x0] =	wrdreg $0x60  }
0xb4: {  	[dreg:$0x2] =	wrdreg s24  }
0xb5: {  	[dreg:$0x3] =	wrdreg s16  }
0xb6: {  	[dreg:$0x4] =	wrdreg $0x0  }
0xb7: {  	[dreg:$0x5] =	wrdreg $0x9  }
0xb8: {  	_ =	task.clear_ibuf [dreg:s7], $0x6FFFF;
	_ =	strace $0x90000046  }
0xb9: {  	s29 =	simm.s32 $0x9;
	_ =	strace $0x80000048  }
0xba: {  	_ =	swait.ge [sflag:s29], $0x1  }
0xbb: {  	[sflag:s29] =	ssyncadd.s32 $0xFFFFFFFF  }
0xbc: {  	_ =	strace $0x90000048  }
0xbd: {  	_ =	sfence  }
0xbe: {  	s30 =	sld [smem:$0x0];
	_ =	sdelay $0x2  }
0xbf: {  	s31 =	sshll.u32 s1, $0xD;
	s1 =	sshrl.u32 s1, $0x2  }
0xc0: {  	s3 =	sand.u32 $0x4000, s31;
	s1 =	sadd.s32 s1, s30  }
0xc1: {  	s0 =	sor.u32 s3, s0;
	s1 =	sshll.u32 s1, $0x11  }
0xc2: {  	s0 =	sor.u32 s1, s0  }
0xc3: {  	s0 =	sadd.s32 $0x8F2B, s0  }
0xc4: {  	[sflag:s0] =	ssyncadd.remote.s32 $0x1  }
0xc5: {  	_ =	sfence.sel $0xFFFF  }
0xc6: {  	[dreg:$0x0] =	wrdreg $0xFFFFFFFF;
	(pc) =	sbr.abs _section_cstart, $3  }
0xc7: {  	[dreg:$0x1] =	wrdreg $0xFFFFFFFF  }
0xc8: {  	_ =	task.clear_ibuf [dreg:s7], $0x2FFFF;
	_ =	strace $0x9FFFFFFF  }
0xc9: {  	(tm) =	ssettm $0x7FFFFFFF  }
tec
execute0_lowered:
.L_overlay_start_1:
0x0: {  	(tag) =	ssettag $0x1  }
0x1: {  	s0 =	rddreg [dreg:$0x0]  }
0x2: {  	s10 =	stileid.u32;
	s9 =	rddreg [dreg:$0x1]  }
0x3: {  	s1 =	srdreg.scid;
	s2 =	rddreg [dreg:$0x2]  }
0x4: {  	s3 =	simm.s32 $0x0;
	s16 =	simm.s32 $0xD700;
	s11 =	smul.u32 $0x2800, s10  }
0x5: {  	s17 =	simm.s32 $0x17700;
	s18 =	simm.s32 $0x19F00;
	s5 =	smul.u32 $0x5000, s10  }
0x6: {  	s19 =	simm.s32 $0x12700;
	s20 =	simm.s32 $0x80;
	s22 =	smul.u32 $0x4F00, s10  }
0x7: {  	s21 =	simm.s32 $0xC700;
	s1 =	sand.u32 $0x1, s1;
	s25 =	smul.u32 $0x500, s10  }
0x8: {  	s28 =	simm.s32 $0xFF00;
	[smem:$0x7FF] =	sst s3;
	s4 =	smul.u32 $0x50000, s1  }
0x9: {  	s29 =	simm.s32 $0x0;
	s6 =	smul.u32 $0x4F000, s1;
	_ =	strace $0x80000047  }
0xa: {  	s26 =	ssub.s32 $0x2, s1;
	s12 =	smul.u32 $0x5000, s1;
	s1 =	sshll.u32 s1, $0x4  }
0xb: {  	s7 =	sshrl.u32 s11, $0x3;
	s14 =	sshrl.u32 s26, $0x1;
	s9 =	sadd.s32 s9, s1  }
0xc: {  	s11 =	sadd.s32 s11, s2;
	s4 =	sadd.s32 s5, s4;
	s8 =	sadd.s32 s7, s0  }
0xd: {  	s24 =	sadd.s32 s22, s6;
	s5 =	sadd.s32 $0x30000, s0;
	s30 =	ssub.s32 s26, s14  }
0xe: {  	s31 =	sadd.s32 s25, s12;
	s14 =	simm.s32 $0x3;
	s22 =	simm.s32 $0x2880  }
0xf: {  	s25 =	simm.s32 $0x2;
	s26 =	simm.s32 $0x14F00;
	s4 =	sshrl.u32 s4, $0x3  }
0x10: {  	s8 =	sadd.s32 $0x16A00, s8;
	s10 =	sadd.s32 s5, s31;
	s12 =	smax.u32 s30, $0x1  }
0x11: {  	v0 =	vimm.s32 $0x0;
	v1 =	vimm.s32 $0x1;
	s23 =	sadd.s32 s4, s0;
	s4 =	sshrl.u32 s24, $0x3;
	s24 =	simm.s32 $0x1  }
0x12: {  	v2 =	vimm.s32 $0x2;
	v3 =	vimm.s32 $0x3;
	v4 =	vimm.s32 $0x4;
	s13 =	sadd.s32 s4, s0;
	s4 =	sadd.s32 $0x2FA00, s0;
	s6 =	sadd.s32 $0x1BA00, s23  }
0x13: {  	v5 =	vimm.s32 $0x5;
	v6 =	vimm.s32 $0x6;
	v7 =	vimm.s32 $0x7;
	s23 =	simm.s32 $0xCF00;
	s7 =	sadd.s32 $0x2E00, s13;
	s13 =	simm.s32 $0x2800  }
.LBB2_1:
0x14: {  	[tilespmem:s13], [sflag:$0x3] =	stream.linear.gather [hbm4b:s6+s3], $0x5000, $0x38;
	[tilespmem:$0x19F80] =	vst v63  }
0x15: {  	_ =	swait.ge [sflag:s14], $0x5000  }
0x16: {  	[sflag:s14] =	ssyncset.done $0x0  }
0x17: {  	s0 =	simm.s32 $0x7800;
	[sflag:s14] =	ssyncadd.s32 $0xFFFFB000  }
0x18: {  	[tilespmem:s0], [sflag:$0x3] =	stream.linear.gather [hbm4b:s7+s3], $0x4F00, $0x38;
	[tilespmem:$0x19F80] =	vst v63  }
0x19: {  	_ =	swait.ge [sflag:s14], $0x4F00  }
0x1a: {  	[sflag:s14] =	ssyncset.done $0x0  }
0x1b: {  	[sflag:s14] =	ssyncadd.s32 $0xFFFFB100  }
0x1c: {  	[tilespmem:s16], [sflag:$0x3] =	stream.linear.gather [hbm4b:s8+s3], $0x2800, $0x38;
	[tilespmem:$0x19F80] =	vst v63  }
0x1d: {  	_ =	swait.ge [sflag:s14], $0x2800  }
0x1e: {  	[sflag:s14] =	ssyncset.done $0x0  }
0x1f: {  	[sflag:s14] =	ssyncadd.s32 $0xFFFFD800  }
0x20: {  	[tilespmem:s17], [sflag:$0x3] =	stream.linear.gather [hbm4b:s4+s3], $0x2800, $0x38;
	[tilespmem:$0x19F80] =	vst v63  }
0x21: {  	_ =	swait.ge [sflag:s14], $0x2800  }
0x22: {  	[sflag:s14] =	ssyncset.done $0x0  }
0x23: {  	[sflag:s14] =	ssyncadd.s32 $0xFFFFD800  }
0x24: {  	[tilespmem:s18], [sflag:$0x3] =	stream.linear.gather [hbm4b:s9+s3], $0x80, $0x38;
	[tilespmem:$0x19F80] =	vst v63  }
0x25: {  	_ =	swait.ge [sflag:s14], $0x80  }
0x26: {  	[sflag:s14] =	ssyncset.done $0x0  }
0x27: {  	s0 =	simm.s32 $0x0;
	[sflag:s14] =	ssyncadd.s32 $0xFFFFFF80  }
0x28: {  	v8 =	vld [tilespmem:s0+$0xD700];
	_ =	sdelay $0x3  }
0x29: {  	s1 =	simm.s32 $0x40  }
.LBB2_2:
0x2a: {  	s15 =	sshra.s32 s1, $0x2;
	p0 =	sne.s32 s1, $0x9FC0;
	s1 =	sadd.s32 $0x40, s1;
	v9 =	vshrl.u32 v8, $0x10;
	v10 =	vmov v8  }
.Ltmp0:
0x2b: {  	v8 =	vld [tilespmem:s15+$0xD700];
	v9 =	vand.u32 $0x1, v9;
	(pc) =	sbr.rel @p0 .LBB2_2-.Ltmp0, $4  }
0x2c: {  	v9 =	vadd.s32 v9, v10  }
0x2d: {  	v9 =	vadd.s32 $0x7FFF, v9  }
0x2e: {  	v9 =	vand.u32 $0xFFFF0000, v9  }
0x2f: {  	[tilespmem:s0+$0x12700] =	vst v9;
	s0 =	smov.u32 s15  }
0x30: {  	v9 =	vshrl.u32 v8, $0x10  }
0x31: {  	v9 =	vand.u32 $0x1, v9  }
0x32: {  	v8 =	vadd.s32 v9, v8  }
0x33: {  	v8 =	vadd.s32 $0x7FFF, v8  }
0x34: {  	v8 =	vand.u32 $0xFFFF0000, v8  }
0x35: {  	s30 =	simm.s32 $0x0;
	[tilespmem:s0+$0x12700] =	vst v8  }
0x36: {  	[hbm4b:s10+s30] =	stream.linear.scatter [tilespmem:s19], [sflag:$0x3], $0x2800, $0x38;
	[tilespmem:$0x19F80] =	vst v63  }
0x37: {  	_ =	swait.ge [sflag:s14], $0x2800  }
0x38: {  	[sflag:s14] =	ssyncset.done $0x0  }
0x39: {  	[sflag:s14] =	ssyncadd.s32 $0xFFFFD800  }
0x3a: {  	[bflag:$0x0] =	sbarrier.arrive $0xFFFF  }
.LBB2_4:
0x3b: {  	[tilespmem:s21], [sflag:$0x1] =	stream.indirect.gather [hbm4b:s5+s20], $0x10, s13, s20, $0xb8;
	[tilespmem:$0x19F80] =	vst v63  }
0x3c: {  	_ = 	snop  }
0x3d: {  	[tilespmem:s23], [sflag:$0x2] =	stream.indirect.gather [hbm4b:s5+s20], $0x10, s22, s20, $0xb8;
	[tilespmem:$0x19F80] =	vst v63  }
0x3e: {  	_ = 	snop  }
0x3f: {  	[spmem:s11] =	stream.linear.scatter [tilespmem:s17], [sflag:$0x3], $0x2800, $0x38;
	[tilespmem:$0x19F80] =	vst v63  }
0x40: {  	_ =	swait.ge [sflag:s14], $0x2800  }
0x41: {  	[sflag:s14] =	ssyncset.done $0x0  }
0x42: {  	[sflag:s14] =	ssyncadd.s32 $0xFFFFD800  }
0x43: {  	[bflag:$0x0] =	sbarrier.arrive $0xFFFF  }
0x44: {  	_ =	swait.ge [sflag:s24], $0x800  }
0x45: {  	[sflag:s24] =	ssyncset.done $0x0  }
0x46: {  	s0 =	simm.s32 $0x7800;
	[sflag:s24] =	ssyncadd.s32 $0xFFFFF800  }
0x47: {  	[spmem:s2] =	stream.indirect.scatter.add.f32 [tilespmem:s21], [sflag:$0x3], $0x10, s0, s20, $0xb8;
	[tilespmem:$0x19F80] =	vst v63  }
0x48: {  	_ =	swait.ge [sflag:s14], $0x800  }
0x49: {  	[sflag:s14] =	ssyncset.done $0x0  }
0x4a: {  	s15 =	simm.s32 $0x2900;
	[sflag:s14] =	ssyncadd.s32 $0xFFFFF800  }
0x4b: {  	[tilespmem:s21], [sflag:$0x1] =	stream.indirect.gather [hbm4b:s5+s20], $0x10, s15, s20, $0xb8;
	[tilespmem:$0x19F80] =	vst v63  }
0x4c: {  	_ =	swait.ge [sflag:s25], $0x800  }
0x4d: {  	[sflag:s25] =	ssyncset.done $0x0  }
0x4e: {  	s31 =	simm.s32 $0x7880;
	[sflag:s25] =	ssyncadd.s32 $0xFFFFF800  }
0x4f: {  	[spmem:s2] =	stream.indirect.scatter.add.f32 [tilespmem:s23], [sflag:$0x3], $0x10, s31, s20, $0xb8;
	[tilespmem:$0x19F80] =	vst v63  }
0x50: {  	_ =	swait.ge [sflag:s14], $0x800  }
0x51: {  	[sflag:s14] =	ssyncset.done $0x0  }
0x52: {  	s1 =	simm.s32 $0x2980;
	s0 =	simm.s32 $0x400;
	[sflag:s14] =	ssyncadd.s32 $0xFFFFF800  }
.LBB2_5:
0x53: {  	[tilespmem:s23], [sflag:$0x2] =	stream.indirect.gather [hbm4b:s5+s20], $0x10, s1, s20, $0xb8;
	[tilespmem:$0x19F80] =	vst v63  }
0x54: {  	s1 =	smov.u32 s0  }
0x55: {  	p0 =	sne.s32 s0, $0x13800;
	s0 =	sadd.s32 $0x400, s0;
	_ =	swait.ge [sflag:s24], $0x800  }
0x56: {  	s1 =	sshra.s32 s1, $0x2;
	[sflag:s24] =	ssyncset.done $0x0  }
0x57: {  	s15 =	sadd.s32 $0x7800, s1;
	[sflag:s24] =	ssyncadd.s32 $0xFFFFF800  }
0x58: {  	[spmem:s2] =	stream.indirect.scatter.add.f32 [tilespmem:s21], [sflag:$0x3], $0x10, s15, s20, $0xb8;
	[tilespmem:$0x19F80] =	vst v63  }
0x59: {  	_ =	swait.ge [sflag:s14], $0x800  }
0x5a: {  	[sflag:s14] =	ssyncset.done $0x0  }
0x5b: {  	s15 =	sadd.s32 $0x2900, s1;
	[sflag:s14] =	ssyncadd.s32 $0xFFFFF800  }
0x5c: {  	[tilespmem:s21], [sflag:$0x1] =	stream.indirect.gather [hbm4b:s5+s20], $0x10, s15, s20, $0xb8;
	[tilespmem:$0x19F80] =	vst v63  }
0x5d: {  	_ =	swait.ge [sflag:s25], $0x800  }
0x5e: {  	[sflag:s25] =	ssyncset.done $0x0  }
.Ltmp1:
0x5f: {  	s15 =	sadd.s32 $0x7880, s1;
	[sflag:s25] =	ssyncadd.s32 $0xFFFFF800;
	(pc) =	sbr.rel @p0 .LBB2_5-.Ltmp1, $4  }
0x60: {  	[spmem:s2] =	stream.indirect.scatter.add.f32 [tilespmem:s23], [sflag:$0x3], $0x10, s15, s20, $0xb8;
	[tilespmem:$0x19F80] =	vst v63  }
0x61: {  	_ =	swait.ge [sflag:s14], $0x800  }
0x62: {  	[sflag:s14] =	ssyncset.done $0x0  }
0x63: {  	s1 =	sadd.s32 $0x2980, s1;
	[sflag:s14] =	ssyncadd.s32 $0xFFFFF800  }
0x64: {  	[tilespmem:s23], [sflag:$0x2] =	stream.indirect.gather [hbm4b:s5+s20], $0x10, s1, s20, $0xb8;
	[tilespmem:$0x19F80] =	vst v63  }
0x65: {  	_ =	swait.ge [sflag:s24], $0x800  }
0x66: {  	[sflag:s24] =	ssyncset.done $0x0  }
0x67: {  	[sflag:s24] =	ssyncadd.s32 $0xFFFFF800  }
0x68: {  	_ =	swait.ge [sflag:s25], $0x800  }
0x69: {  	[sflag:s25] =	ssyncset.done $0x0  }
0x6a: {  	[sflag:s25] =	ssyncadd.s32 $0xFFFFF800  }
0x6b: {  	[bflag:$0x0] =	sbarrier.arrive $0xFFFF  }
0x6c: {  	[tilespmem:s26], [sflag:$0x3] =	stream.linear.gather [spmem:s11], $0x2800, $0x38;
	[tilespmem:$0x19F80] =	vst v63  }
0x6d: {  	_ =	swait.ge [sflag:s14], $0x2800  }
0x6e: {  	[sflag:s14] =	ssyncset.done $0x0  }
0x6f: {  	s31 =	simm.s32 $0x0;
	[sflag:s14] =	ssyncadd.s32 $0xFFFFD800  }
0x70: {  	v8 =	vld [tilespmem:s31+$0x14F00];
	_ =	sdelay $0x1  }
0x71: {  	v9 =	vld [tilespmem:$0x19F00]  }
0x72: {  	v10 =	vld [tilespmem:s31+$0xD700]  }
0x73: {  	v11 =	vld [tilespmem:$0x19F10]  }
0x74: {  	v12 =	vperm.xlane v8, v0  }
0x75: {  	v13 =	vld [tilespmem:$0x19F20]  }
0x76: {  	v14 =	vperm.xlane v8, v1;
	v9 =	vmul.f32 v9, v12  }
0x77: {  	v60 =	vld [tilespmem:$0x19F30]  }
0x78: {  	v15 =	vperm.xlane v8, v2;
	v9 =	vadd.f32 v9, v10;
	v10 =	vmul.f32 v11, v14  }
0x79: {  	v11 =	vld [tilespmem:$0x19F40]  }
0x7a: {  	v61 =	vperm.xlane v8, v3;
	v9 =	vadd.f32 v10, v9;
	v10 =	vmul.f32 v13, v15  }
0x7b: {  	v62 =	vld [tilespmem:$0x19F50]  }
0x7c: {  	v63 =	vperm.xlane v8, v4;
	v9 =	vadd.f32 v10, v9;
	v10 =	vmul.f32 v60, v61  }
0x7d: {  	v18 =	vld [tilespmem:$0x19F60]  }
0x7e: {  	v19 =	vperm.xlane v8, v5;
	v9 =	vadd.f32 v10, v9;
	v10 =	vmul.f32 v11, v63  }
0x7f: {  	v11 =	vld [tilespmem:$0x19F70]  }
0x80: {  	v20 =	vperm.xlane v8, v6;
	v9 =	vadd.f32 v10, v9;
	v10 =	vmul.f32 v62, v19;
	_ =	sdelay $0x1  }
0x81: {  	v8 =	vperm.xlane v8, v7;
	v9 =	vadd.f32 v10, v9;
	v10 =	vmul.f32 v18, v20;
	_ =	sdelay $0x1  }
0x82: {  	v8 =	vmul.f32 v11, v8;
	v9 =	vadd.f32 v10, v9;
	_ =	sdelay $0x1  }
0x83: {  	v8 =	vadd.f32 v8, v9;
	_ =	sdelay $0x1  }
0x84: {  	v8 =	vadd.f32 v8, v8;
	_ =	sdelay $0x1  }
0x85: {  	v8 =	vmul.f32 $1.442695020e+00, v8;
	_ =	sdelay $0x1  }
0x86: {  	(erf) = vpow2.f32 v8;
	_ =	sdelay $0x8  }
0x87: {  	v8 =	vpop (erf)  }
0x88: {  	v8 =	vadd.f32 $1.000000000e+00, v8;
	_ =	sdelay $0x1  }
0x89: {  	(erf) = vrcp.f32 v8;
	_ =	sdelay $0x8  }
0x8a: {  	v8 =	vpop (erf)  }
0x8b: {  	v8 =	vadd.f32 v8, v8;
	_ =	sdelay $0x1  }
0x8c: {  	v9 =	vsub.f32 $1.000000000e+00, v8;
	_ =	sdelay $0x1  }
0x8d: {  	v8 =	vshrl.u32 v9, $0x10  }
0x8e: {  	v8 =	vand.u32 $0x1, v8  }
0x8f: {  	v21 =	vadd.s32 v8, v9  }
0x90: {  	v12 =	vadd.s32 $0x7FFF, v21  }
0x91: {  	v10 =	vld [tilespmem:s31+$0x14F10];
	[tilespmem:s31+$0xFF00] =	vst v9;
	v9 =	vand.u32 $0xFFFF0000, v12  }
0x92: {  	[tilespmem:s31+$0x12700] =	vst v9  }
0x93: {  	v9 =	vld [tilespmem:$0x19F00]  }
0x94: {  	v22 =	vld [tilespmem:s31+$0xD710]  }
0x95: {  	v23 =	vld [tilespmem:$0x19F10]  }
0x96: {  	v24 =	vperm.xlane v10, v0  }
0x97: {  	v25 =	vld [tilespmem:$0x19F20]  }
0x98: {  	v26 =	vperm.xlane v10, v1;
	v9 =	vmul.f32 v9, v24  }
0x99: {  	v16 =	vld [tilespmem:$0x19F30]  }
0x9a: {  	v28 =	vperm.xlane v10, v2;
	v27 =	vmul.f32 v23, v26;
	v9 =	vadd.f32 v9, v22  }
0x9b: {  	v29 =	vld [tilespmem:$0x19F40]  }
0x9c: {  	v31 =	vperm.xlane v10, v3;
	v30 =	vmul.f32 v25, v28;
	v9 =	vadd.f32 v27, v9  }
0x9d: {  	v32 =	vld [tilespmem:$0x19F50]  }
0x9e: {  	v34 =	vperm.xlane v10, v4;
	v33 =	vmul.f32 v16, v31;
	v9 =	vadd.f32 v30, v9  }
0x9f: {  	v35 =	vld [tilespmem:$0x19F60]  }
0xa0: {  	v37 =	vperm.xlane v10, v5;
	v36 =	vmul.f32 v29, v34;
	v9 =	vadd.f32 v33, v9  }
0xa1: {  	v38 =	vld [tilespmem:$0x19F70]  }
0xa2: {  	v40 =	vperm.xlane v10, v6;
	v39 =	vmul.f32 v32, v37;
	v9 =	vadd.f32 v36, v9;
	_ =	sdelay $0x1  }
0xa3: {  	v10 =	vperm.xlane v10, v7;
	v41 =	vmul.f32 v35, v40;
	v9 =	vadd.f32 v39, v9;
	_ =	sdelay $0x1  }
0xa4: {  	v10 =	vmul.f32 v38, v10;
	v9 =	vadd.f32 v41, v9;
	_ =	sdelay $0x1  }
0xa5: {  	v9 =	vadd.f32 v10, v9;
	_ =	sdelay $0x1  }
0xa6: {  	v9 =	vadd.f32 v9, v9;
	_ =	sdelay $0x1  }
0xa7: {  	v9 =	vmul.f32 $1.442695020e+00, v9;
	_ =	sdelay $0x1  }
0xa8: {  	(erf) = vpow2.f32 v9;
	_ =	sdelay $0x8  }
0xa9: {  	v9 =	vpop (erf)  }
0xaa: {  	v9 =	vadd.f32 $1.000000000e+00, v9;
	_ =	sdelay $0x1  }
0xab: {  	(erf) = vrcp.f32 v9;
	_ =	sdelay $0x8  }
0xac: {  	v9 =	vpop (erf)  }
0xad: {  	v9 =	vadd.f32 v9, v9;
	_ =	sdelay $0x1  }
0xae: {  	v9 =	vsub.f32 $1.000000000e+00, v9;
	_ =	sdelay $0x1  }
0xaf: {  	v10 =	vshrl.u32 v9, $0x10  }
0xb0: {  	v10 =	vand.u32 $0x1, v10  }
0xb1: {  	v10 =	vadd.s32 v10, v9  }
0xb2: {  	v10 =	vadd.s32 $0x7FFF, v10  }
0xb3: {  	v11 =	vld [tilespmem:s31+$0x14F20];
	[tilespmem:s31+$0xFF10] =	vst v9;
	v9 =	vand.u32 $0xFFFF0000, v10  }
0xb4: {  	[tilespmem:s31+$0x12710] =	vst v9  }
0xb5: {  	v9 =	vld [tilespmem:$0x19F00]  }
0xb6: {  	v10 =	vld [tilespmem:s31+$0xD720]  }
0xb7: {  	v42 =	vld [tilespmem:$0x19F10]  }
0xb8: {  	v43 =	vperm.xlane v11, v0  }
0xb9: {  	v44 =	vld [tilespmem:$0x19F20]  }
0xba: {  	v45 =	vperm.xlane v11, v1;
	v9 =	vmul.f32 v9, v43  }
0xbb: {  	v46 =	vld [tilespmem:$0x19F30]  }
0xbc: {  	v47 =	vperm.xlane v11, v2;
	v9 =	vadd.f32 v9, v10;
	v10 =	vmul.f32 v42, v45  }
0xbd: {  	v48 =	vld [tilespmem:$0x19F40]  }
0xbe: {  	v49 =	vperm.xlane v11, v3;
	v9 =	vadd.f32 v10, v9;
	v10 =	vmul.f32 v44, v47  }
0xbf: {  	v50 =	vld [tilespmem:$0x19F50]  }
0xc0: {  	v51 =	vperm.xlane v11, v4;
	v9 =	vadd.f32 v10, v9;
	v10 =	vmul.f32 v46, v49  }
0xc1: {  	v52 =	vld [tilespmem:$0x19F60]  }
0xc2: {  	v53 =	vperm.xlane v11, v5;
	v9 =	vadd.f32 v10, v9;
	v10 =	vmul.f32 v48, v51  }
0xc3: {  	v54 =	vld [tilespmem:$0x19F70]  }
0xc4: {  	v55 =	vperm.xlane v11, v6;
	v9 =	vadd.f32 v10, v9;
	v10 =	vmul.f32 v50, v53;
	_ =	sdelay $0x1  }
0xc5: {  	v11 =	vperm.xlane v11, v7;
	v9 =	vadd.f32 v10, v9;
	v10 =	vmul.f32 v52, v55;
	_ =	sdelay $0x1  }
0xc6: {  	v9 =	vadd.f32 v10, v9;
	v10 =	vmul.f32 v54, v11;
	_ =	sdelay $0x1  }
0xc7: {  	v9 =	vadd.f32 v10, v9;
	_ =	sdelay $0x1  }
0xc8: {  	v9 =	vadd.f32 v9, v9;
	_ =	sdelay $0x1  }
0xc9: {  	v9 =	vmul.f32 $1.442695020e+00, v9;
	_ =	sdelay $0x1  }
0xca: {  	(erf) = vpow2.f32 v9;
	_ =	sdelay $0x8  }
0xcb: {  	v9 =	vpop (erf)  }
0xcc: {  	v9 =	vadd.f32 $1.000000000e+00, v9;
	_ =	sdelay $0x1  }
0xcd: {  	(erf) = vrcp.f32 v9;
	_ =	sdelay $0x8  }
0xce: {  	v9 =	vpop (erf)  }
0xcf: {  	v9 =	vadd.f32 v9, v9;
	_ =	sdelay $0x1  }
0xd0: {  	v9 =	vsub.f32 $1.000000000e+00, v9;
	_ =	sdelay $0x1  }
0xd1: {  	v10 =	vshrl.u32 v9, $0x10  }
0xd2: {  	v10 =	vand.u32 $0x1, v10  }
0xd3: {  	v10 =	vadd.s32 v10, v9  }
0xd4: {  	v10 =	vadd.s32 $0x7FFF, v10  }
0xd5: {  	v8 =	vld [tilespmem:s31+$0x14F30];
	[tilespmem:s31+$0xFF20] =	vst v9;
	v9 =	vand.u32 $0xFFFF0000, v10  }
0xd6: {  	[tilespmem:s31+$0x12720] =	vst v9  }
0xd7: {  	v9 =	vld [tilespmem:$0x19F00]  }
0xd8: {  	v10 =	vld [tilespmem:s31+$0xD730]  }
0xd9: {  	v11 =	vld [tilespmem:$0x19F10]  }
0xda: {  	v56 =	vperm.xlane v8, v0  }
0xdb: {  	v57 =	vld [tilespmem:$0x19F20]  }
0xdc: {  	v58 =	vperm.xlane v8, v1;
	v9 =	vmul.f32 v9, v56  }
0xdd: {  	v59 =	vld [tilespmem:$0x19F30]  }
0xde: {  	v9 =	vadd.f32 v9, v10;
	v10 =	vmul.f32 v11, v58;
	v11 =	vperm.xlane v8, v2  }
0xdf: {  	v60 =	vld [tilespmem:$0x19F40]  }
0xe0: {  	v9 =	vadd.f32 v10, v9;
	v10 =	vmul.f32 v57, v11;
	v11 =	vperm.xlane v8, v3  }
0xe1: {  	v61 =	vld [tilespmem:$0x19F50]  }
0xe2: {  	v9 =	vadd.f32 v10, v9;
	v10 =	vmul.f32 v59, v11;
	v11 =	vperm.xlane v8, v4  }
0xe3: {  	v62 =	vld [tilespmem:$0x19F60]  }
0xe4: {  	v9 =	vadd.f32 v10, v9;
	v10 =	vmul.f32 v60, v11;
	v11 =	vperm.xlane v8, v5  }
0xe5: {  	v63 =	vld [tilespmem:$0x19F70]  }
0xe6: {  	v9 =	vadd.f32 v10, v9;
	v10 =	vmul.f32 v61, v11;
	v11 =	vperm.xlane v8, v6;
	_ =	sdelay $0x1  }
0xe7: {  	v8 =	vperm.xlane v8, v7;
	v9 =	vadd.f32 v10, v9;
	v10 =	vmul.f32 v62, v11;
	_ =	sdelay $0x1  }
0xe8: {  	v8 =	vmul.f32 v63, v8;
	v9 =	vadd.f32 v10, v9;
	_ =	sdelay $0x1  }
0xe9: {  	v8 =	vadd.f32 v8, v9;
	_ =	sdelay $0x1  }
0xea: {  	v8 =	vadd.f32 v8, v8;
	_ =	sdelay $0x1  }
0xeb: {  	v8 =	vmul.f32 $1.442695020e+00, v8;
	_ =	sdelay $0x1  }
0xec: {  	(erf) = vpow2.f32 v8;
	_ =	sdelay $0x8  }
0xed: {  	v8 =	vpop (erf)  }
0xee: {  	v8 =	vadd.f32 $1.000000000e+00, v8;
	_ =	sdelay $0x1  }
0xef: {  	(erf) = vrcp.f32 v8;
	_ =	sdelay $0x8  }
0xf0: {  	v8 =	vpop (erf)  }
0xf1: {  	v8 =	vadd.f32 v8, v8;
	_ =	sdelay $0x1  }
0xf2: {  	v8 =	vsub.f32 $1.000000000e+00, v8;
	_ =	sdelay $0x1  }
0xf3: {  	v9 =	vshrl.u32 v8, $0x10  }
0xf4: {  	v9 =	vand.u32 $0x1, v9  }
0xf5: {  	v9 =	vadd.s32 v9, v8  }
0xf6: {  	s15 =	simm.s32 $0x40;
	[tilespmem:s31+$0xFF30] =	vst v8;
	v8 =	vadd.s32 $0x7FFF, v9  }
0xf7: {  	s1 =	simm.s32 $0x200;
	v11 =	vld [tilespmem:s15+$0x14F00];
	v8 =	vand.u32 $0xFFFF0000, v8  }
.LBB2_7:
0xf8: {  	p0 =	sne.s32 s1, $0x9F00;
	v10 =	vld [tilespmem:s15+$0x14F10];
	[tilespmem:s31+$0x12730] =	vst v8;
	s0 =	smov.u32 s1;
	s1 =	sadd.s32 $0x100, s1  }
0xf9: {  	s31 =	smov.u32 s15;
	v8 =	vld [tilespmem:$0x19F00]  }
0xfa: {  	v12 =	vld [tilespmem:s31+$0xD700]  }
0xfb: {  	v13 =	vld [tilespmem:$0x19F10]  }
0xfc: {  	v14 =	vperm.xlane v11, v0;
	v15 =	vperm.xlane v11, v1;
	v9 =	vld [tilespmem:s31+$0x14F20]  }
0xfd: {  	v16 =	vperm.xlane v11, v2;
	v18 =	vperm.xlane v11, v3;
	v17 =	vld [tilespmem:$0x19F20]  }
0xfe: {  	v19 =	vperm.xlane v11, v4;
	v14 =	vmul.f32 v8, v14;
	v8 =	vld [tilespmem:s31+$0x14F30]  }
0xff: {  	v21 =	vperm.xlane v11, v5;
	v22 =	vperm.xlane v11, v6;
	v20 =	vld [tilespmem:$0x19F30]  }
0x100: {  	v11 =	vperm.xlane v11, v7;
	v12 =	vadd.f32 v14, v12;
	v13 =	vmul.f32 v13, v15  }
0x101: {  	v14 =	vld [tilespmem:$0x19F40]  }
0x102: {  	v12 =	vadd.f32 v13, v12;
	v13 =	vmul.f32 v17, v16  }
0x103: {  	v15 =	vld [tilespmem:$0x19F50]  }
0x104: {  	v12 =	vadd.f32 v13, v12;
	v13 =	vmul.f32 v20, v18  }
0x105: {  	v16 =	vld [tilespmem:$0x19F60]  }
0x106: {  	v12 =	vadd.f32 v13, v12;
	v13 =	vmul.f32 v14, v19  }
0x107: {  	v14 =	vld [tilespmem:$0x19F70]  }
0x108: {  	v12 =	vadd.f32 v13, v12;
	v13 =	vmul.f32 v15, v21;
	_ =	sdelay $0x1  }
0x109: {  	v12 =	vadd.f32 v13, v12;
	v13 =	vmul.f32 v16, v22;
	_ =	sdelay $0x1  }
0x10a: {  	v12 =	vadd.f32 v13, v12;
	v11 =	vmul.f32 v14, v11;
	_ =	sdelay $0x1  }
0x10b: {  	v11 =	vadd.f32 v11, v12;
	_ =	sdelay $0x1  }
0x10c: {  	v11 =	vadd.f32 v11, v11;
	_ =	sdelay $0x1  }
0x10d: {  	v11 =	vmul.f32 $1.442695020e+00, v11;
	_ =	sdelay $0x1  }
0x10e: {  	(erf) = vpow2.f32 v11;
	_ =	sdelay $0x8  }
0x10f: {  	v11 =	vpop (erf)  }
0x110: {  	v11 =	vadd.f32 $1.000000000e+00, v11;
	_ =	sdelay $0x1  }
0x111: {  	(erf) = vrcp.f32 v11;
	_ =	sdelay $0x8  }
0x112: {  	v11 =	vpop (erf)  }
0x113: {  	v11 =	vadd.f32 v11, v11;
	_ =	sdelay $0x1  }
0x114: {  	v11 =	vsub.f32 $1.000000000e+00, v11;
	_ =	sdelay $0x1  }
0x115: {  	v12 =	vshrl.u32 v11, $0x10  }
0x116: {  	v12 =	vand.u32 $0x1, v12  }
0x117: {  	v12 =	vadd.s32 v12, v11  }
0x118: {  	v12 =	vadd.s32 $0x7FFF, v12  }
0x119: {  	[tilespmem:s31+$0xFF00] =	vst v11;
	v11 =	vand.u32 $0xFFFF0000, v12  }
0x11a: {  	[tilespmem:s31+$0x12700] =	vst v11  }
0x11b: {  	v11 =	vld [tilespmem:$0x19F00]  }
0x11c: {  	v12 =	vld [tilespmem:s31+$0xD710]  }
0x11d: {  	v13 =	vld [tilespmem:$0x19F10]  }
0x11e: {  	v14 =	vperm.xlane v10, v0  }
0x11f: {  	v15 =	vld [tilespmem:$0x19F20]  }
0x120: {  	v11 =	vmul.f32 v11, v14;
	v14 =	vperm.xlane v10, v1  }
0x121: {  	v16 =	vld [tilespmem:$0x19F30]  }
0x122: {  	v11 =	vadd.f32 v11, v12;
	v12 =	vmul.f32 v13, v14;
	v13 =	vperm.xlane v10, v2  }
0x123: {  	v14 =	vld [tilespmem:$0x19F40]  }
0x124: {  	v11 =	vadd.f32 v12, v11;
	v12 =	vmul.f32 v15, v13;
	v13 =	vperm.xlane v10, v3  }
0x125: {  	v15 =	vld [tilespmem:$0x19F50]  }
0x126: {  	v11 =	vadd.f32 v12, v11;
	v12 =	vmul.f32 v16, v13;
	v13 =	vperm.xlane v10, v4  }
0x127: {  	v16 =	vld [tilespmem:$0x19F60]  }
0x128: {  	v11 =	vadd.f32 v12, v11;
	v12 =	vmul.f32 v14, v13;
	v13 =	vperm.xlane v10, v5  }
0x129: {  	v14 =	vld [tilespmem:$0x19F70]  }
0x12a: {  	v11 =	vadd.f32 v12, v11;
	v12 =	vmul.f32 v15, v13;
	v13 =	vperm.xlane v10, v6;
	_ =	sdelay $0x1  }
0x12b: {  	v10 =	vperm.xlane v10, v7;
	v11 =	vadd.f32 v12, v11;
	v12 =	vmul.f32 v16, v13;
	_ =	sdelay $0x1  }
0x12c: {  	v11 =	vadd.f32 v12, v11;
	v10 =	vmul.f32 v14, v10;
	_ =	sdelay $0x1  }
0x12d: {  	v10 =	vadd.f32 v10, v11;
	_ =	sdelay $0x1  }
0x12e: {  	v10 =	vadd.f32 v10, v10;
	_ =	sdelay $0x1  }
0x12f: {  	v10 =	vmul.f32 $1.442695020e+00, v10;
	_ =	sdelay $0x1  }
0x130: {  	(erf) = vpow2.f32 v10;
	_ =	sdelay $0x8  }
0x131: {  	v10 =	vpop (erf)  }
0x132: {  	v10 =	vadd.f32 $1.000000000e+00, v10;
	_ =	sdelay $0x1  }
0x133: {  	(erf) = vrcp.f32 v10;
	_ =	sdelay $0x8  }
0x134: {  	v10 =	vpop (erf)  }
0x135: {  	v10 =	vadd.f32 v10, v10;
	_ =	sdelay $0x1  }
0x136: {  	v10 =	vsub.f32 $1.000000000e+00, v10;
	_ =	sdelay $0x1  }
0x137: {  	[tilespmem:s31+$0xFF10] =	vst v10;
	v11 =	vshrl.u32 v10, $0x10  }
0x138: {  	v11 =	vand.u32 $0x1, v11  }
0x139: {  	v10 =	vadd.s32 v11, v10  }
0x13a: {  	v10 =	vadd.s32 $0x7FFF, v10  }
0x13b: {  	v10 =	vand.u32 $0xFFFF0000, v10  }
0x13c: {  	[tilespmem:s31+$0x12710] =	vst v10  }
0x13d: {  	v10 =	vld [tilespmem:$0x19F00]  }
0x13e: {  	v11 =	vld [tilespmem:s31+$0xD720]  }
0x13f: {  	v12 =	vld [tilespmem:$0x19F10]  }
0x140: {  	v13 =	vperm.xlane v9, v0  }
0x141: {  	v14 =	vld [tilespmem:$0x19F20]  }
0x142: {  	v10 =	vmul.f32 v10, v13;
	v13 =	vperm.xlane v9, v1  }
0x143: {  	v15 =	vld [tilespmem:$0x19F30]  }
0x144: {  	v10 =	vadd.f32 v10, v11;
	v11 =	vmul.f32 v12, v13;
	v12 =	vperm.xlane v9, v2  }
0x145: {  	v13 =	vld [tilespmem:$0x19F40]  }
0x146: {  	v10 =	vadd.f32 v11, v10;
	v11 =	vmul.f32 v14, v12;
	v12 =	vperm.xlane v9, v3  }
0x147: {  	v14 =	vld [tilespmem:$0x19F50]  }
0x148: {  	v10 =	vadd.f32 v11, v10;
	v11 =	vmul.f32 v15, v12;
	v12 =	vperm.xlane v9, v4  }
0x149: {  	v15 =	vld [tilespmem:$0x19F60]  }
0x14a: {  	v10 =	vadd.f32 v11, v10;
	v11 =	vmul.f32 v13, v12;
	v12 =	vperm.xlane v9, v5  }
0x14b: {  	v13 =	vld [tilespmem:$0x19F70]  }
0x14c: {  	v10 =	vadd.f32 v11, v10;
	v11 =	vmul.f32 v14, v12;
	v12 =	vperm.xlane v9, v6;
	_ =	sdelay $0x1  }
0x14d: {  	v9 =	vperm.xlane v9, v7;
	v10 =	vadd.f32 v11, v10;
	v11 =	vmul.f32 v15, v12;
	_ =	sdelay $0x1  }
0x14e: {  	v10 =	vadd.f32 v11, v10;
	v9 =	vmul.f32 v13, v9;
	_ =	sdelay $0x1  }
0x14f: {  	v9 =	vadd.f32 v9, v10;
	_ =	sdelay $0x1  }
0x150: {  	v9 =	vadd.f32 v9, v9;
	_ =	sdelay $0x1  }
0x151: {  	v9 =	vmul.f32 $1.442695020e+00, v9;
	_ =	sdelay $0x1  }
0x152: {  	(erf) = vpow2.f32 v9;
	_ =	sdelay $0x8  }
0x153: {  	v9 =	vpop (erf)  }
0x154: {  	v9 =	vadd.f32 $1.000000000e+00, v9;
	_ =	sdelay $0x1  }
0x155: {  	(erf) = vrcp.f32 v9;
	_ =	sdelay $0x8  }
0x156: {  	v9 =	vpop (erf)  }
0x157: {  	v9 =	vadd.f32 v9, v9;
	_ =	sdelay $0x1  }
0x158: {  	v9 =	vsub.f32 $1.000000000e+00, v9;
	_ =	sdelay $0x1  }
0x159: {  	[tilespmem:s31+$0xFF20] =	vst v9;
	v10 =	vshrl.u32 v9, $0x10  }
0x15a: {  	v10 =	vand.u32 $0x1, v10  }
0x15b: {  	v9 =	vadd.s32 v10, v9  }
0x15c: {  	v9 =	vadd.s32 $0x7FFF, v9  }
0x15d: {  	v9 =	vand.u32 $0xFFFF0000, v9  }
0x15e: {  	[tilespmem:s31+$0x12720] =	vst v9;
	v9 =	vld [tilespmem:s31+$0xD730]  }
0x15f: {  	v10 =	vld [tilespmem:$0x19F00]  }
0x160: {  	v11 =	vld [tilespmem:$0x19F10]  }
0x161: {  	v12 =	vld [tilespmem:$0x19F20]  }
0x162: {  	v13 =	vperm.xlane v8, v0;
	v14 =	vld [tilespmem:$0x19F30]  }
0x163: {  	v15 =	vld [tilespmem:$0x19F40]  }
0x164: {  	v10 =	vmul.f32 v10, v13;
	v13 =	vperm.xlane v8, v1;
	v16 =	vld [tilespmem:$0x19F50]  }
0x165: {  	v17 =	vld [tilespmem:$0x19F60]  }
0x166: {  	v9 =	vadd.f32 v10, v9;
	v10 =	vmul.f32 v11, v13;
	v11 =	vperm.xlane v8, v2;
	v13 =	vld [tilespmem:$0x19F70];
	_ =	sdelay $0x1  }
0x167: {  	v9 =	vadd.f32 v10, v9;
	v10 =	vmul.f32 v12, v11;
	v11 =	vperm.xlane v8, v3;
	_ =	sdelay $0x1  }
0x168: {  	v9 =	vadd.f32 v10, v9;
	v10 =	vmul.f32 v14, v11;
	v11 =	vperm.xlane v8, v4;
	_ =	sdelay $0x1  }
0x169: {  	v9 =	vadd.f32 v10, v9;
	v10 =	vmul.f32 v15, v11;
	v11 =	vperm.xlane v8, v5;
	_ =	sdelay $0x1  }
0x16a: {  	v9 =	vadd.f32 v10, v9;
	v10 =	vmul.f32 v16, v11;
	v11 =	vperm.xlane v8, v6;
	_ =	sdelay $0x1  }
0x16b: {  	v8 =	vperm.xlane v8, v7;
	v9 =	vadd.f32 v10, v9;
	v10 =	vmul.f32 v17, v11;
	_ =	sdelay $0x1  }
0x16c: {  	v8 =	vmul.f32 v13, v8;
	v9 =	vadd.f32 v10, v9;
	_ =	sdelay $0x1  }
0x16d: {  	v8 =	vadd.f32 v8, v9;
	_ =	sdelay $0x1  }
0x16e: {  	v8 =	vadd.f32 v8, v8;
	_ =	sdelay $0x1  }
0x16f: {  	v8 =	vmul.f32 $1.442695020e+00, v8;
	_ =	sdelay $0x1  }
0x170: {  	(erf) = vpow2.f32 v8;
	_ =	sdelay $0x8  }
0x171: {  	v8 =	vpop (erf)  }
0x172: {  	v8 =	vadd.f32 $1.000000000e+00, v8;
	_ =	sdelay $0x1  }
0x173: {  	(erf) = vrcp.f32 v8;
	_ =	sdelay $0x8  }
0x174: {  	v8 =	vpop (erf)  }
0x175: {  	v8 =	vadd.f32 v8, v8;
	_ =	sdelay $0x1  }
0x176: {  	v8 =	vsub.f32 $1.000000000e+00, v8;
	_ =	sdelay $0x1  }
.Ltmp2:
0x177: {  	[tilespmem:s31+$0xFF30] =	vst v8;
	v9 =	vshrl.u32 v8, $0x10;
	(pc) =	sbr.rel @p0 .LBB2_7-.Ltmp2, $4  }
0x178: {  	v9 =	vand.u32 $0x1, v9  }
0x179: {  	v8 =	vadd.s32 v9, v8  }
0x17a: {  	s15 =	sshra.s32 s0, $0x2;
	v8 =	vadd.s32 $0x7FFF, v8  }
0x17b: {  	v11 =	vld [tilespmem:s15+$0x14F00];
	v8 =	vand.u32 $0xFFFF0000, v8  }
0x17c: {  	v9 =	vld [tilespmem:s15+$0x14F10];
	[tilespmem:s31+$0x12730] =	vst v8  }
0x17d: {  	v8 =	vld [tilespmem:$0x19F00]  }
0x17e: {  	v10 =	vld [tilespmem:s15+$0xD700]  }
0x17f: {  	v12 =	vld [tilespmem:$0x19F10]  }
0x180: {  	v13 =	vperm.xlane v11, v0  }
0x181: {  	v14 =	vld [tilespmem:$0x19F20]  }
0x182: {  	v15 =	vperm.xlane v11, v1;
	v8 =	vmul.f32 v8, v13  }
0x183: {  	v22 =	vld [tilespmem:$0x19F30]  }
0x184: {  	v16 =	vperm.xlane v11, v2;
	v23 =	vmul.f32 v12, v15;
	v8 =	vadd.f32 v8, v10  }
0x185: {  	v24 =	vld [tilespmem:$0x19F40]  }
0x186: {  	v25 =	vperm.xlane v11, v3;
	v26 =	vmul.f32 v14, v16;
	v8 =	vadd.f32 v23, v8  }
0x187: {  	v27 =	vld [tilespmem:$0x19F50]  }
0x188: {  	v28 =	vperm.xlane v11, v4;
	v29 =	vmul.f32 v22, v25;
	v8 =	vadd.f32 v26, v8  }
0x189: {  	v30 =	vld [tilespmem:$0x19F60]  }
0x18a: {  	v31 =	vperm.xlane v11, v5;
	v32 =	vmul.f32 v24, v28;
	v8 =	vadd.f32 v29, v8  }
0x18b: {  	v33 =	vld [tilespmem:$0x19F70]  }
0x18c: {  	v34 =	vperm.xlane v11, v6;
	v35 =	vmul.f32 v27, v31;
	v8 =	vadd.f32 v32, v8;
	_ =	sdelay $0x1  }
0x18d: {  	v36 =	vperm.xlane v11, v7;
	v37 =	vmul.f32 v30, v34;
	v8 =	vadd.f32 v35, v8;
	_ =	sdelay $0x1  }
0x18e: {  	v38 =	vmul.f32 v33, v36;
	v8 =	vadd.f32 v37, v8;
	_ =	sdelay $0x1  }
0x18f: {  	v8 =	vadd.f32 v38, v8;
	_ =	sdelay $0x1  }
0x190: {  	v8 =	vadd.f32 v8, v8;
	_ =	sdelay $0x1  }
0x191: {  	v8 =	vmul.f32 $1.442695020e+00, v8;
	_ =	sdelay $0x1  }
0x192: {  	(erf) = vpow2.f32 v8;
	_ =	sdelay $0x8  }
0x193: {  	v8 =	vpop (erf)  }
0x194: {  	v8 =	vadd.f32 $1.000000000e+00, v8;
	_ =	sdelay $0x1  }
0x195: {  	(erf) = vrcp.f32 v8;
	_ =	sdelay $0x8  }
0x196: {  	v8 =	vpop (erf)  }
0x197: {  	v8 =	vadd.f32 v8, v8;
	_ =	sdelay $0x1  }
0x198: {  	v39 =	vsub.f32 $1.000000000e+00, v8;
	_ =	sdelay $0x1  }
0x199: {  	v8 =	vshrl.u32 v39, $0x10  }
0x19a: {  	v8 =	vand.u32 $0x1, v8  }
0x19b: {  	v41 =	vadd.s32 v8, v39  }
0x19c: {  	v12 =	vadd.s32 $0x7FFF, v41  }
0x19d: {  	[tilespmem:s15+$0xFF00] =	vst v39;
	v42 =	vand.u32 $0xFFFF0000, v12  }
0x19e: {  	[tilespmem:s15+$0x12700] =	vst v42  }
0x19f: {  	v10 =	vld [tilespmem:$0x19F00]  }
0x1a0: {  	v43 =	vld [tilespmem:s15+$0xD710]  }
0x1a1: {  	v44 =	vld [tilespmem:$0x19F10]  }
0x1a2: {  	v45 =	vperm.xlane v9, v0  }
0x1a3: {  	v46 =	vld [tilespmem:$0x19F20]  }
0x1a4: {  	v47 =	vperm.xlane v9, v1;
	v10 =	vmul.f32 v10, v45  }
0x1a5: {  	v48 =	vld [tilespmem:$0x19F30]  }
0x1a6: {  	v50 =	vperm.xlane v9, v2;
	v49 =	vmul.f32 v44, v47;
	v10 =	vadd.f32 v10, v43  }
0x1a7: {  	v51 =	vld [tilespmem:$0x19F40]  }
0x1a8: {  	v53 =	vperm.xlane v9, v3;
	v52 =	vmul.f32 v46, v50;
	v10 =	vadd.f32 v49, v10  }
0x1a9: {  	v54 =	vld [tilespmem:$0x19F50]  }
0x1aa: {  	v56 =	vperm.xlane v9, v4;
	v55 =	vmul.f32 v48, v53;
	v10 =	vadd.f32 v52, v10  }
0x1ab: {  	v57 =	vld [tilespmem:$0x19F60]  }
0x1ac: {  	v59 =	vperm.xlane v9, v5;
	v58 =	vmul.f32 v51, v56;
	v10 =	vadd.f32 v55, v10  }
0x1ad: {  	v60 =	vld [tilespmem:$0x19F70]  }
0x1ae: {  	v62 =	vperm.xlane v9, v6;
	v61 =	vmul.f32 v54, v59;
	v10 =	vadd.f32 v58, v10;
	_ =	sdelay $0x1  }
0x1af: {  	v9 =	vperm.xlane v9, v7;
	v63 =	vmul.f32 v57, v62;
	v10 =	vadd.f32 v61, v10;
	_ =	sdelay $0x1  }
0x1b0: {  	v9 =	vmul.f32 v60, v9;
	v10 =	vadd.f32 v63, v10;
	_ =	sdelay $0x1  }
0x1b1: {  	v9 =	vadd.f32 v9, v10;
	_ =	sdelay $0x1  }
0x1b2: {  	v9 =	vadd.f32 v9, v9;
	_ =	sdelay $0x1  }
0x1b3: {  	v9 =	vmul.f32 $1.442695020e+00, v9;
	_ =	sdelay $0x1  }
0x1b4: {  	(erf) = vpow2.f32 v9;
	_ =	sdelay $0x8  }
0x1b5: {  	v9 =	vpop (erf)  }
0x1b6: {  	v9 =	vadd.f32 $1.000000000e+00, v9;
	_ =	sdelay $0x1  }
0x1b7: {  	(erf) = vrcp.f32 v9;
	_ =	sdelay $0x8  }
0x1b8: {  	v9 =	vpop (erf)  }
0x1b9: {  	v9 =	vadd.f32 v9, v9;
	_ =	sdelay $0x1  }
0x1ba: {  	v9 =	vsub.f32 $1.000000000e+00, v9;
	_ =	sdelay $0x1  }
0x1bb: {  	v16 =	vshrl.u32 v9, $0x10  }
0x1bc: {  	v10 =	vand.u32 $0x1, v16  }
0x1bd: {  	v10 =	vadd.s32 v10, v9  }
0x1be: {  	v10 =	vadd.s32 $0x7FFF, v10  }
0x1bf: {  	v40 =	vld [tilespmem:s15+$0x14F20];
	[tilespmem:s15+$0xFF10] =	vst v9;
	v17 =	vand.u32 $0xFFFF0000, v10  }
0x1c0: {  	[tilespmem:s15+$0x12710] =	vst v17  }
0x1c1: {  	v9 =	vld [tilespmem:$0x19F00]  }
0x1c2: {  	v18 =	vld [tilespmem:s15+$0xD720]  }
0x1c3: {  	v19 =	vld [tilespmem:$0x19F10]  }
0x1c4: {  	v20 =	vperm.xlane v40, v0  }
0x1c5: {  	v21 =	vld [tilespmem:$0x19F20]  }
0x1c6: {  	v22 =	vperm.xlane v40, v1;
	v9 =	vmul.f32 v9, v20  }
0x1c7: {  	v23 =	vld [tilespmem:$0x19F30]  }
0x1c8: {  	v25 =	vperm.xlane v40, v2;
	v24 =	vmul.f32 v19, v22;
	v9 =	vadd.f32 v9, v18  }
0x1c9: {  	v26 =	vld [tilespmem:$0x19F40]  }
0x1ca: {  	v28 =	vperm.xlane v40, v3;
	v27 =	vmul.f32 v21, v25;
	v9 =	vadd.f32 v24, v9  }
0x1cb: {  	v29 =	vld [tilespmem:$0x19F50]  }
0x1cc: {  	v31 =	vperm.xlane v40, v4;
	v30 =	vmul.f32 v23, v28;
	v9 =	vadd.f32 v27, v9  }
0x1cd: {  	v32 =	vld [tilespmem:$0x19F60]  }
0x1ce: {  	v34 =	vperm.xlane v40, v5;
	v33 =	vmul.f32 v26, v31;
	v9 =	vadd.f32 v30, v9  }
0x1cf: {  	v35 =	vld [tilespmem:$0x19F70]  }
0x1d0: {  	v37 =	vperm.xlane v40, v6;
	v36 =	vmul.f32 v29, v34;
	v9 =	vadd.f32 v33, v9;
	_ =	sdelay $0x1  }
0x1d1: {  	v11 =	vperm.xlane v40, v7;
	v38 =	vmul.f32 v32, v37;
	v9 =	vadd.f32 v36, v9;
	_ =	sdelay $0x1  }
0x1d2: {  	v39 =	vmul.f32 v35, v11;
	v9 =	vadd.f32 v38, v9;
	_ =	sdelay $0x1  }
0x1d3: {  	v9 =	vadd.f32 v39, v9;
	_ =	sdelay $0x1  }
0x1d4: {  	v9 =	vadd.f32 v9, v9;
	_ =	sdelay $0x1  }
0x1d5: {  	v9 =	vmul.f32 $1.442695020e+00, v9;
	_ =	sdelay $0x1  }
0x1d6: {  	(erf) = vpow2.f32 v9;
	_ =	sdelay $0x8  }
0x1d7: {  	v9 =	vpop (erf)  }
0x1d8: {  	v9 =	vadd.f32 $1.000000000e+00, v9;
	_ =	sdelay $0x1  }
0x1d9: {  	(erf) = vrcp.f32 v9;
	_ =	sdelay $0x8  }
0x1da: {  	v9 =	vpop (erf)  }
0x1db: {  	v9 =	vadd.f32 v9, v9;
	_ =	sdelay $0x1  }
0x1dc: {  	v9 =	vsub.f32 $1.000000000e+00, v9;
	_ =	sdelay $0x1  }
0x1dd: {  	v40 =	vshrl.u32 v9, $0x10  }
0x1de: {  	v10 =	vand.u32 $0x1, v40  }
0x1df: {  	v10 =	vadd.s32 v10, v9  }
0x1e0: {  	v10 =	vadd.s32 $0x7FFF, v10  }
0x1e1: {  	v8 =	vld [tilespmem:s15+$0x14F30];
	[tilespmem:s15+$0xFF20] =	vst v9;
	v41 =	vand.u32 $0xFFFF0000, v10  }
0x1e2: {  	[tilespmem:s15+$0x12720] =	vst v41  }
0x1e3: {  	v9 =	vld [tilespmem:$0x19F00]  }
0x1e4: {  	v42 =	vld [tilespmem:s15+$0xD730]  }
0x1e5: {  	v43 =	vld [tilespmem:$0x19F10]  }
0x1e6: {  	v44 =	vperm.xlane v8, v0  }
0x1e7: {  	v45 =	vld [tilespmem:$0x19F20]  }
0x1e8: {  	v46 =	vperm.xlane v8, v1;
	v9 =	vmul.f32 v9, v44  }
0x1e9: {  	v47 =	vld [tilespmem:$0x19F30]  }
0x1ea: {  	v49 =	vperm.xlane v8, v2;
	v48 =	vmul.f32 v43, v46;
	v9 =	vadd.f32 v9, v42  }
0x1eb: {  	v50 =	vld [tilespmem:$0x19F40]  }
0x1ec: {  	v52 =	vperm.xlane v8, v3;
	v51 =	vmul.f32 v45, v49;
	v9 =	vadd.f32 v48, v9  }
0x1ed: {  	v53 =	vld [tilespmem:$0x19F50]  }
0x1ee: {  	v55 =	vperm.xlane v8, v4;
	v54 =	vmul.f32 v47, v52;
	v9 =	vadd.f32 v51, v9  }
0x1ef: {  	v56 =	vld [tilespmem:$0x19F60]  }
0x1f0: {  	v58 =	vperm.xlane v8, v5;
	v57 =	vmul.f32 v50, v55;
	v9 =	vadd.f32 v54, v9  }
0x1f1: {  	v59 =	vld [tilespmem:$0x19F70]  }
0x1f2: {  	v61 =	vperm.xlane v8, v6;
	v60 =	vmul.f32 v53, v58;
	v9 =	vadd.f32 v57, v9;
	_ =	sdelay $0x1  }
0x1f3: {  	v8 =	vperm.xlane v8, v7;
	v62 =	vmul.f32 v56, v61;
	v9 =	vadd.f32 v60, v9;
	_ =	sdelay $0x1  }
0x1f4: {  	v8 =	vmul.f32 v59, v8;
	v9 =	vadd.f32 v62, v9;
	_ =	sdelay $0x1  }
0x1f5: {  	v8 =	vadd.f32 v8, v9;
	_ =	sdelay $0x1  }
0x1f6: {  	v8 =	vadd.f32 v8, v8;
	_ =	sdelay $0x1  }
0x1f7: {  	v8 =	vmul.f32 $1.442695020e+00, v8;
	_ =	sdelay $0x1  }
0x1f8: {  	(erf) = vpow2.f32 v8;
	_ =	sdelay $0x8  }
0x1f9: {  	v8 =	vpop (erf)  }
0x1fa: {  	v8 =	vadd.f32 $1.000000000e+00, v8;
	_ =	sdelay $0x1  }
0x1fb: {  	(erf) = vrcp.f32 v8;
	_ =	sdelay $0x8  }
0x1fc: {  	v8 =	vpop (erf)  }
0x1fd: {  	v8 =	vadd.f32 v8, v8;
	_ =	sdelay $0x1  }
0x1fe: {  	v8 =	vsub.f32 $1.000000000e+00, v8;
	_ =	sdelay $0x1  }
0x1ff: {  	v63 =	vshrl.u32 v8, $0x10  }
0x200: {  	v9 =	vand.u32 $0x1, v63  }
0x201: {  	v9 =	vadd.s32 v9, v8  }
0x202: {  	v9 =	vadd.s32 $0x7FFF, v9  }
0x203: {  	s30 =	sadd.s32 $0x1, s30;
	[tilespmem:s15+$0xFF30] =	vst v8;
	v8 =	vand.u32 $0xFFFF0000, v9  }
0x204: {  	p0 =	sne.s32 s30, $0xA;
	[tilespmem:s15+$0x12730] =	vst v8  }
0x205: {  	[hbm4b:s10+s3] =	stream.linear.scatter [tilespmem:s19], [sflag:$0x3], $0x2800, $0x38;
	[tilespmem:$0x19F80] =	vst v63  }
.Ltmp3:
0x206: {  	_ =	swait.ge [sflag:s14], $0x2800;
	(pc) =	sbr.rel @p0 .LBB2_4-.Ltmp3, $3  }
0x207: {  	[sflag:s14] =	ssyncset.done $0x0  }
0x208: {  	[sflag:s14] =	ssyncadd.s32 $0xFFFFD800  }
0x209: {  	[bflag:$0x0] =	sbarrier.arrive $0xFFFF;
	_ =	sdelay $0x1  }
0x20a: {  	s29 =	sadd.s32 $0x1, s29  }
0x20b: {  	p0 =	sne.s32 s29, s12  }
.Ltmp4:
0x20c: {  	_ = 	snop;
	(pc) =	sbr.rel @p0 .LBB2_1-.Ltmp4, $4  }
0x20d: {  	[hbm4b:s10+s3] =	stream.linear.scatter [tilespmem:s28], [sflag:$0x3], $0x2800, $0x38;
	[tilespmem:$0x19F80] =	vst v63  }
0x20e: {  	_ =	swait.ge [sflag:s14], $0x2800  }
0x20f: {  	[sflag:s14] =	ssyncset.done $0x0  }
0x210: {  	[sflag:s14] =	ssyncadd.s32 $0xFFFFD800  }
0x211: {  	_ =	sfence.sel $0x180000  }
0x212: {  	[bflag:$0x0] =	sbarrier.arrive $0xFFFF  }
0x213: {  	_ =	strace $0x90000047  }
0x214: {  	s0 =	stileid.u32;
	[bflag:$0x2] =	sbarrier.arrive $0xFFFF  }
0x215: {  	p0 =	sne.s32 s0, $0x0;
	s0 =	rddreg [dreg:$0x3]  }
0x216: {  	s0 =	sadd.s32 @!p0 $0x100000, s0  }
0x217: {  	[sflag:s0] =	ssyncadd.tile.s32 @!p0 $0x1;
	_ =	shalt  }
.Lfunc_end2:
_tile_overlayer_lowered:
.L_overlay_start_2:
0x218: {  	(tag) =	ssettag $0x2  }
0x219: {  	s0 =	rddreg [dreg:$0x0];
	s2 =	stileid.u32  }
0x21a: {  	s1 =	rddreg [dreg:$0x1];
	p0 =	sne.s32 s2, $0x0  }
0x21b: {  	s3 =	rddreg [dreg:$0x2];
	[bflag:$0x3] =	sbarrier.arrive $0xFFFF;
	s2 =	simm.s32 @!p0 $0x1C03  }
0x21c: {  	[timem:s3], [sflag:s2] =	dma.local @!p0 [hbm:s0], s1  }
0x21d: {  	s0 =	simm.s32 @!p0 $0x3  }
0x21e: {  	_ =	swait.ge @!p0 [sflag:s0], s1  }
0x21f: {  	s1 =	ssub.s32 @!p0 $0x0, s1;
	[sflag:s0] =	ssyncset.done @!p0 $0x0  }
0x220: {  	[sflag:s0] =	ssyncadd.s32 @!p0 s1  }
0x221: {  	[bflag:$0x3] =	sbarrier.arrive $0xFFFF  }
0x222: {  	_ =	shalt  }

</sc_bundles>
